<compile_context>
chip_gen: v7x
topology: tpu7x:2x2x1
jax: 0.10.2.dev20260603
libtpu: 0.0.44.dev20260713+nightly
codegen_flags: <defaults>
</compile_context>

<pallas_src>
import dataclasses
import functools

import jax
import jax.numpy as jnp
from jax import lax
from jax.experimental import pallas as pl
from jax.experimental.pallas import tpu as pltpu
from jax.experimental.pallas import tpu_sc as plsc

NC = 2
NS = 16
LANES = 16
TILE = 128
HALF = 128
NARROW = 8
NONEC = 3
NDIST = 4


def _sc_segment_sums(src, dst, aug0, aug1, nar, zrow, zrow8, n_pad, n_tiles):
    mesh = plsc.VectorSubcoreMesh(core_axis_name="c", subcore_axis_name="s")
    cp = pltpu.CompilerParams()
    if "needs_layout_passes" in pltpu.CompilerParams.__dataclass_fields__:
        cp = dataclasses.replace(cp, needs_layout_passes=False)
    if "use_tc_tiling_on_sc" in pltpu.CompilerParams.__dataclass_fields__:
        cp = dataclasses.replace(cp, use_tc_tiling_on_sc=False)
    nblocks = n_pad // TILE

    bufset = [
        pltpu.VMEM((TILE,), jnp.int32),
        pltpu.VMEM((TILE,), jnp.int32),
        pltpu.VMEM((TILE, HALF), jnp.float32),
        pltpu.VMEM((TILE, NARROW), jnp.float32),
        pltpu.VMEM((TILE, NARROW), jnp.float32),
        pltpu.SemaphoreType.DMA,
        pltpu.SemaphoreType.DMA,
        pltpu.VMEM((TILE,), jnp.int32),
        pltpu.SemaphoreType.DMA,
    ]

    @functools.partial(
        pl.kernel,
        out_type=[jax.ShapeDtypeStruct((n_pad, HALF), jnp.float32),
                  jax.ShapeDtypeStruct((n_pad, HALF), jnp.float32),
                  jax.ShapeDtypeStruct((n_pad, NARROW), jnp.float32),
                  jax.ShapeDtypeStruct((n_pad, NARROW), jnp.float32)],
        mesh=mesh,
        compiler_params=cp,
        scratch_types=bufset + bufset + [
            pltpu.VMEM_SHARED((n_pad, HALF), jnp.float32),
            pltpu.VMEM_SHARED((n_pad, NARROW), jnp.float32),
            pltpu.SemaphoreType.DMA,
        ],
    )
    def body(src_hbm, dst_hbm, aug0_hbm, aug1_hbm, nar_hbm, zrow_hbm,
             zrow8_hbm, out0_hbm, out1_hbm, outn0_hbm, outn1_hbm, *refs):
        bufs = (refs[0:9], refs[9:18])
        acc, accn = refs[18], refs[19]
        zsem = refs[20]
        cid = lax.axis_index("c")
        sid = lax.axis_index("s")
        nk = (n_tiles - sid + NS - 1) // NS

        def idx_copies(k, buf):
            t = (sid + k * NS) * TILE
            return [pltpu.make_async_copy(src_hbm.at[pl.ds(t, TILE)], buf[0],
                                          buf[6]),
                    pltpu.make_async_copy(dst_hbm.at[pl.ds(t, TILE)], buf[1],
                                          buf[6])]

        def narrow_here(k):
            return (k % 2) == cid

        def gather_copies(buf):
            srcv, dstv = buf[0], buf[1]
            g0 = [pltpu.make_async_copy(aug0_hbm.at[srcv], buf[2], buf[5])]
            g1 = [pltpu.make_async_copy(aug1_hbm.at[srcv], buf[2], buf[5])]
            gn = [pltpu.make_async_copy(nar_hbm.at[srcv], buf[3], buf[5]),
                  pltpu.make_async_copy(nar_hbm.at[dstv], buf[4], buf[5])]
            return g0, g1, gn

        def start_gathers(k, buf):
            g0, g1, gn = gather_copies(buf)

            @pl.when(cid == 0)
            def _():
                g0[0].start()

            @pl.when(cid == 1)
            def _():
                g1[0].start()

            @pl.when(narrow_here(k))
            def _():
                for c in gn:
                    c.start()

        def wait_gathers(k, buf):
            g0, g1, gn = gather_copies(buf)

            @pl.when(cid == 0)
            def _():
                g0[0].wait()

            @pl.when(cid == 1)
            def _():
                g1[0].wait()

            @pl.when(narrow_here(k))
            def _():
                for c in gn:
                    c.wait()

        def narrow_work(k, buf):
            @pl.when(narrow_here(k))
            def _():
                ns, nd = buf[3], buf[4]

                @pl.loop(0, TILE // LANES)
                def _(i):
                    rowid = lax.iota(jnp.int32, LANES) + i * LANES
                    c0 = jnp.full((LANES,), 0, jnp.int32)
                    c1 = jnp.full((LANES,), 1, jnp.int32)
                    c2 = jnp.full((LANES,), 2, jnp.int32)
                    dx = (plsc.load_gather(nd, [rowid, c0])
                          - plsc.load_gather(ns, [rowid, c0]))
                    dy = (plsc.load_gather(nd, [rowid, c1])
                          - plsc.load_gather(ns, [rowid, c1]))
                    dz = (plsc.load_gather(nd, [rowid, c2])
                          - plsc.load_gather(ns, [rowid, c2]))
                    d2 = dx * dx + dy * dy + dz * dz
                    d2c = jnp.maximum(d2, 1e-30)
                    bits = plsc.bitcast(d2c, jnp.int32)
                    y = plsc.bitcast(jnp.int32(0x5F3759DF) - (bits >> 1),
                                     jnp.float32)
                    y = y * (1.5 - 0.5 * d2c * y * y)
                    y = y * (1.5 - 0.5 * d2c * y * y)
                    y = y * (1.5 - 0.5 * d2c * y * y)
                    dist = d2 * y
                    cd = jnp.full((LANES,), NDIST, jnp.int32)
                    plsc.store_scatter(ns, [rowid, cd], dist)

        def start_scatters(k, buf):
            @pl.loop(0, TILE // LANES)
            def _(i):
                sl = pl.ds(i * LANES, LANES)
                buf[7][sl] = buf[1][sl]
            pltpu.async_copy(buf[2], acc.at[buf[7]], buf[8], add=True)

            @pl.when(narrow_here(k))
            def _():
                pltpu.async_copy(buf[3], accn.at[buf[7]], buf[8], add=True)

        def wait_scatters(k, buf):
            pltpu.make_async_copy(buf[2], acc.at[buf[7]], buf[8]).wait()

            @pl.when(narrow_here(k))
            def _():
                pltpu.make_async_copy(buf[3], accn.at[buf[7]], buf[8]).wait()

        def process(k, cur, nxt):
            @pl.when(k + 1 < nk)
            def _():
                @pl.when(k >= 1)
                def _():
                    wait_scatters(k - 1, nxt)
                for c in idx_copies(k + 1, nxt):
                    c.wait()
                start_gathers(k + 1, nxt)
            wait_gathers(k, cur)
            narrow_work(k, cur)
            start_scatters(k, cur)

            @pl.when(k + 2 < nk)
            def _():
                for c in idx_copies(k + 2, cur):
                    c.start()

        pltpu.sync_copy(zrow_hbm, bufs[0][2])
        pltpu.sync_copy(zrow8_hbm, bufs[0][3])
        jmax = (nblocks + NS - 1) // NS
        for j in range(jmax):
            b = (sid + j * NS) * TILE

            @pl.when(sid + j * NS < nblocks)
            def _():
                pltpu.async_copy(bufs[0][2], acc.at[pl.ds(b, TILE)], zsem)
                pltpu.async_copy(bufs[0][3], accn.at[pl.ds(b, TILE)], zsem)
        for j in range(jmax):
            b = (sid + j * NS) * TILE

            @pl.when(sid + j * NS < nblocks)
            def _():
                pltpu.make_async_copy(bufs[0][2], acc.at[pl.ds(b, TILE)],
                                      zsem).wait()
                pltpu.make_async_copy(bufs[0][3], accn.at[pl.ds(b, TILE)],
                                      zsem).wait()

        plsc.subcore_barrier()

        @pl.when(nk > 0)
        def _():
            cs = idx_copies(0, bufs[0])
            for c in cs:
                c.start()
            for c in cs:
                c.wait()
            start_gathers(0, bufs[0])

            @pl.when(1 < nk)
            def _():
                for c in idx_copies(1, bufs[1]):
                    c.start()

        @pl.loop(0, (nk + 1) // 2)
        def _(p):
            process(2 * p, bufs[0], bufs[1])

            @pl.when(2 * p + 1 < nk)
            def _():
                process(2 * p + 1, bufs[1], bufs[0])

        @pl.when(nk >= 1)
        def _():
            wait_scatters(0, bufs[0])

        @pl.when(nk >= 2)
        def _():
            wait_scatters(1, bufs[1])

        plsc.subcore_barrier()

        def wb(out_hbm, outn_hbm, issue):
            for j in range(jmax):
                b = (sid + j * NS) * TILE

                @pl.when(sid + j * NS < nblocks)
                def _():
                    c1 = pltpu.make_async_copy(
                        acc.at[pl.ds(b, TILE)], out_hbm.at[pl.ds(b, TILE)],
                        zsem)
                    c2 = pltpu.make_async_copy(
                        accn.at[pl.ds(b, TILE)], outn_hbm.at[pl.ds(b, TILE)],
                        zsem)
                    if issue:
                        c1.start()
                        c2.start()
                    else:
                        c1.wait()
                        c2.wait()

        @pl.when(cid == 0)
        def _():
            wb(out0_hbm, outn0_hbm, True)
            wb(out0_hbm, outn0_hbm, False)

        @pl.when(cid == 1)
        def _():
            wb(out1_hbm, outn1_hbm, True)
            wb(out1_hbm, outn1_hbm, False)

    return body(src, dst, aug0, aug1, nar, zrow, zrow8)


def _tc_fused_out(acc0, acc1, accn0, accn1, feat, pos, w0, w1, ws, small,
                  n, d_out):
    block_m = 1000
    hi = lax.Precision.DEFAULT

    def mm(a0_ref, a1_ref, n0_ref, n1_ref, f_ref, p_ref, w0_ref, w1_ref,
           ws_ref, s_ref, o_ref):
        nb = n0_ref[...] + n1_ref[...]
        deg = nb[:, NONEC:NONEC + 1]
        s = s_ref[...]
        o = jnp.dot(a0_ref[...], w0_ref[...],
                    preferred_element_type=jnp.float32, precision=hi)
        o += jnp.dot(a1_ref[...], w1_ref[...],
                     preferred_element_type=jnp.float32, precision=hi)
        o += jnp.dot(deg * f_ref[...], ws_ref[...],
                     preferred_element_type=jnp.float32, precision=hi)
        p = p_ref[...]
        for c in range(3):
            rel = deg * p[:, c:c + 1] - nb[:, c:c + 1]
            o += rel * s[c:c + 1, :]
        o += nb[:, NDIST:NDIST + 1] * s[3:4, :]
        o += deg * s[4:5, :]
        o_ref[...] = o

    return pl.pallas_call(
        mm,
        grid=(n // block_m,),
        in_specs=[pl.BlockSpec((block_m, HALF), lambda i: (i, 0)),
                  pl.BlockSpec((block_m, HALF), lambda i: (i, 0)),
                  pl.BlockSpec((block_m, NARROW), lambda i: (i, 0)),
                  pl.BlockSpec((block_m, NARROW), lambda i: (i, 0)),
                  pl.BlockSpec((block_m, 256), lambda i: (i, 0)),
                  pl.BlockSpec((block_m, 3), lambda i: (i, 0)),
                  pl.BlockSpec((HALF, 256), lambda i: (0, 0)),
                  pl.BlockSpec((HALF, 256), lambda i: (0, 0)),
                  pl.BlockSpec((256, 256), lambda i: (0, 0)),
                  pl.BlockSpec((8, 256), lambda i: (0, 0))],
        out_specs=pl.BlockSpec((block_m, d_out), lambda i: (i, 0)),
        out_shape=jax.ShapeDtypeStruct((n, d_out), jnp.float32),
    )(acc0, acc1, accn0, accn1, feat, pos, w0, w1, ws, small)


def kernel(input_feature, pos, edge_index, W_neighbor, b_neighbor, W_self,
           b_self):
    n, d_in = input_feature.shape
    e = edge_index.shape[1]
    d_out = W_self.shape[1]
    assert e % TILE == 0 and d_in == 2 * HALF
    n_tiles = e // TILE
    n_pad = ((n + TILE - 1) // TILE) * TILE

    feat = input_feature.astype(jnp.float32)
    pos = pos.astype(jnp.float32)
    src = edge_index[0].astype(jnp.int32)
    dst = edge_index[1].astype(jnp.int32)

    aug0 = feat[:, :HALF]
    aug1 = feat[:, HALF:]
    nar = jnp.concatenate(
        [pos, jnp.ones((n, 1), jnp.float32),
         jnp.zeros((n, NARROW - NONEC - 1), jnp.float32)], axis=1)
    zrow = jnp.zeros((TILE, HALF), jnp.float32)
    zrow8 = jnp.zeros((TILE, NARROW), jnp.float32)

    acc0, acc1, accn0, accn1 = _sc_segment_sums(
        src, dst, aug0, aug1, nar, zrow, zrow8, n_pad, n_tiles)

    w0 = W_neighbor[:HALF]
    w1 = W_neighbor[HALF:d_in]
    small = jnp.concatenate(
        [W_neighbor[d_in:d_in + 4], (b_neighbor + b_self)[None],
         jnp.zeros((3, d_out), jnp.float32)], axis=0)

    return _tc_fused_out(acc0, acc1, accn0, accn1, feat, pos, w0, w1, W_self,
                         small, n, d_out)

# --- scband reference (transcript-rebuilt; emitter-appended) ---
"""Pipeline reference for scband-my-conv-51135880626291 (READ-ONLY COPY).

The authoritative reference and input builder live on the scoring server;
editing this copy changes nothing except your own understanding.
"""

import jax, jax.numpy as jnp
import numpy as np

N = 10000
E = 160000
D_IN = 256
D_OUT = 256

def setup_inputs(seed: int = 0) -> dict:
    key = jax.random.key(seed)
    ks = jax.random.split(key, 8)
    input_feature = jax.random.normal(ks[0], (N, D_IN), dtype=jnp.float32)
    pos = jax.random.normal(ks[1], (N, 3), dtype=jnp.float32)
    edge_index = jax.random.randint(ks[2], (2, E), 0, N, dtype=jnp.int64)
    # lin_neighbor: Linear(in_channels + 4, out_channels); stored as [in, out] for x @ W + b
    W_neighbor = jax.random.normal(ks[3], (D_IN + 4, D_OUT), dtype=jnp.float32) * (1.0 / np.sqrt(D_IN + 4))
    b_neighbor = jax.random.normal(ks[4], (D_OUT,), dtype=jnp.float32) * 0.01
    # lin_self: Linear(in_channels, out_channels)
    W_self = jax.random.normal(ks[5], (D_IN, D_OUT), dtype=jnp.float32) * (1.0 / np.sqrt(D_IN))
    b_self = jax.random.normal(ks[6], (D_OUT,), dtype=jnp.float32) * 0.01
    return {"input_feature": input_feature, "pos": pos, "edge_index": edge_index,
            "W_neighbor": W_neighbor, "b_neighbor": b_neighbor,
            "W_self": W_self, "b_self": b_self}

def reference(input_feature, pos, edge_index, W_neighbor, b_neighbor, W_self, b_self):
    # MyConv.forward: concat node features with first-3 position coords from graph.x
    x = jnp.concatenate([input_feature, pos], axis=-1)  # [N, D_IN+3]
    src = edge_index[0]  # x_j source nodes
    dst = edge_index[1]  # x_i destination nodes (PyG source_to_target flow)
    x_j = jnp.take(x, src, axis=0)  # [E, D_IN+3]
    x_i = jnp.take(x, dst, axis=0)  # [E, D_IN+3]
    # message with include_distance=True
    rel = x_i[:, -3:] - x_j[:, -3:]                              # [E, 3]
    abs_dist = jnp.sqrt(jnp.sum(rel * rel, axis=1, keepdims=True))  # [E, 1]
    x_j_aug = jnp.concatenate([x_j[:, :-3], rel, abs_dist], axis=-1)  # [E, D_IN+4]
    out_1 = x_j_aug @ W_neighbor + b_neighbor                    # [E, D_OUT]
    out_2 = x_i[:, :-3] @ W_self + b_self                        # [E, D_OUT]
    msg = out_1 + out_2
    # aggr='add' scatter to destination nodes
    out = jax.ops.segment_sum(msg, dst, num_segments=x.shape[0])  # [N, D_OUT]
    return out

if __name__ == "__main__":
    import jax
    _d = setup_inputs()
    print(jax.jit(kernel)(*tuple(_d.values())))

</pallas_src>

<mosaic_0001>
#map = affine_map<(d0, d1) -> (0)>
#map1 = affine_map<(d0, d1) -> (0, 0)>
module attributes {stable_mosaic.version = 14 : i64} {
  func.func @body(%arg0: i32, %arg1: i32, %arg2: memref<160000xi32, #tpu.memory_space<hbm>>, %arg3: memref<160000xi32, #tpu.memory_space<hbm>>, %arg4: memref<10000x128xf32, #tpu.memory_space<hbm>>, %arg5: memref<10000x128xf32, #tpu.memory_space<hbm>>, %arg6: memref<10000x8xf32, #tpu.memory_space<hbm>>, %arg7: memref<128x128xf32, #tpu.memory_space<hbm>>, %arg8: memref<128x8xf32, #tpu.memory_space<hbm>>, %arg9: memref<10112x128xf32, #tpu.memory_space<hbm>>, %arg10: memref<10112x128xf32, #tpu.memory_space<hbm>>, %arg11: memref<10112x8xf32, #tpu.memory_space<hbm>>, %arg12: memref<10112x8xf32, #tpu.memory_space<hbm>>, %arg13: memref<128xi32, #tpu.memory_space<vmem>>, %arg14: memref<128xi32, #tpu.memory_space<vmem>>, %arg15: memref<128x128xf32, #tpu.memory_space<vmem>>, %arg16: memref<128x8xf32, #tpu.memory_space<vmem>>, %arg17: memref<128x8xf32, #tpu.memory_space<vmem>>, %arg18: memref<!tpu.dma_semaphore, #tpu.memory_space<semaphore_mem>>, %arg19: memref<!tpu.dma_semaphore, #tpu.memory_space<semaphore_mem>>, %arg20: memref<128xi32, #tpu.memory_space<vmem>>, %arg21: memref<!tpu.dma_semaphore, #tpu.memory_space<semaphore_mem>>, %arg22: memref<128xi32, #tpu.memory_space<vmem>>, %arg23: memref<128xi32, #tpu.memory_space<vmem>>, %arg24: memref<128x128xf32, #tpu.memory_space<vmem>>, %arg25: memref<128x8xf32, #tpu.memory_space<vmem>>, %arg26: memref<128x8xf32, #tpu.memory_space<vmem>>, %arg27: memref<!tpu.dma_semaphore, #tpu.memory_space<semaphore_mem>>, %arg28: memref<!tpu.dma_semaphore, #tpu.memory_space<semaphore_mem>>, %arg29: memref<128xi32, #tpu.memory_space<vmem>>, %arg30: memref<!tpu.dma_semaphore, #tpu.memory_space<semaphore_mem>>, %arg31: memref<10112x128xf32, #tpu.memory_space<vmem_shared>>, %arg32: memref<10112x8xf32, #tpu.memory_space<vmem_shared>>, %arg33: memref<!tpu.dma_semaphore, #tpu.memory_space<semaphore_mem>>) attributes {dimension_semantics = [#tpu.dimension_semantics<core_parallel>, #tpu.dimension_semantics<subcore_parallel>], iteration_bounds = array<i64: 2, 16>, scalar_prefetch = 0 : i64, scratch_operands = 21 : i64, tpu.core_type = #tpu.core_type<sc_vector_subcore>, window_params = [{transform_indices = #map}, {transform_indices = #map}, {transform_indices = #map1}, {transform_indices = #map1}, {transform_indices = #map1}, {transform_indices = #map1}, {transform_indices = #map1}, {transform_indices = #map1}, {transform_indices = #map1}, {transform_indices = #map1}, {transform_indices = #map1}]} {
    %sub3A = arith.constant 1250 : i32
    %sub3A_0 = arith.subi %sub3A, %arg1 : i32
    %add3A = arith.constant 16 : i32
    %add3A_1 = arith.addi %sub3A_0, %add3A : i32
    %sub3A_2 = arith.constant 1 : i32
    %sub3A_3 = arith.subi %add3A_1, %sub3A_2 : i32
    %jit3A = arith.constant 16 : i32
    %div3A = arith.divsi %sub3A_3, %jit3A : i32
    %sign3A = arith.constant 0 : i32
    %sign3A_4 = arith.cmpi sgt, %sub3A_3, %sign3A : i32
    %sign3A_5 = arith.extui %sign3A_4 : i1 to i32
    %sign3A_6 = arith.constant 0 : i32
    %sign3A_7 = arith.cmpi slt, %sub3A_3, %sign3A_6 : i32
    %sign3A_8 = arith.extui %sign3A_7 : i1 to i32
    %sign3A_9 = arith.subi %sign3A_5, %sign3A_8 : i32
    %sign3A_10 = arith.constant 0 : i32
    %sign3A_11 = arith.cmpi sgt, %jit3A, %sign3A_10 : i32
    %sign3A_12 = arith.extui %sign3A_11 : i1 to i32
    %sign3A_13 = arith.constant 0 : i32
    %sign3A_14 = arith.cmpi slt, %jit3A, %sign3A_13 : i32
    %sign3A_15 = arith.extui %sign3A_14 : i1 to i32
    %sign3A_16 = arith.subi %sign3A_12, %sign3A_15 : i32
    %ne3A = arith.cmpi ne, %sign3A_9, %sign3A_16 : i32
    %rem3A = arith.remsi %sub3A_3, %jit3A : i32
    %ne3A_17 = arith.constant 0 : i32
    %ne3A_18 = arith.cmpi ne, %rem3A, %ne3A_17 : i32
    %and3A = arith.andi %ne3A, %ne3A_18 : i1
    %sub3A_19 = arith.constant 1 : i32
    %sub3A_20 = arith.subi %div3A, %sub3A_19 : i32
    %select_n3A = arith.select %and3A, %sub3A_20, %div3A : i32
    "tpu.region"() ({
      %run_scoped3A = tpu.sem_alloc : memref<!tpu.dma_semaphore, #tpu.memory_space<semaphore_mem>>
      tpu.enqueue_dma source(%arg7 : memref<128x128xf32, #tpu.memory_space<hbm>>) target(%arg15 : memref<128x128xf32, #tpu.memory_space<vmem>>) target_semaphore(%run_scoped3A : memref<!tpu.dma_semaphore, #tpu.memory_space<semaphore_mem>>)
      tpu.wait_dma2 semaphore(%run_scoped3A : memref<!tpu.dma_semaphore, #tpu.memory_space<semaphore_mem>>) src(%arg7 : memref<128x128xf32, #tpu.memory_space<hbm>>) dst(%arg15 : memref<128x128xf32, #tpu.memory_space<vmem>>)
      tpu.yield
    }) : () -> ()
    "tpu.region"() ({
      %run_scoped3A = tpu.sem_alloc : memref<!tpu.dma_semaphore, #tpu.memory_space<semaphore_mem>>
      tpu.enqueue_dma source(%arg8 : memref<128x8xf32, #tpu.memory_space<hbm>>) target(%arg16 : memref<128x8xf32, #tpu.memory_space<vmem>>) target_semaphore(%run_scoped3A : memref<!tpu.dma_semaphore, #tpu.memory_space<semaphore_mem>>)
      tpu.wait_dma2 semaphore(%run_scoped3A : memref<!tpu.dma_semaphore, #tpu.memory_space<semaphore_mem>>) src(%arg8 : memref<128x8xf32, #tpu.memory_space<hbm>>) dst(%arg16 : memref<128x8xf32, #tpu.memory_space<vmem>>)
      tpu.yield
    }) : () -> ()
    %add3A_21 = arith.constant 0 : i32
    %add3A_22 = arith.addi %arg1, %add3A_21 : i32
    %mul3A = arith.constant 128 : i32
    %mul3A_23 = arith.muli %add3A_22, %mul3A : i32
    %add3A_24 = arith.constant 0 : i32
    %add3A_25 = arith.addi %arg1, %add3A_24 : i32
    %lt3A = arith.constant 79 : i32
    %lt3A_26 = arith.cmpi slt, %add3A_25, %lt3A : i32
    %convert_element_type3A = arith.extui %lt3A_26 : i1 to i32
    %cond3A = arith.constant 0 : i32
    %cond3A_27 = arith.cmpi ne, %convert_element_type3A, %cond3A : i32
    scf.if %cond3A_27 {
      %dma_start3A = arith.constant 0 : i32
      %dma_start3A_194 = tpu.memref_slice %arg31[%mul3A_23, %dma_start3A] : memref<10112x128xf32, #tpu.memory_space<vmem_shared>> -> memref<128x128xf32, #tpu.memory_space<vmem_shared>>
      %dma_start3A_195 = arith.constant 0 : i32
      %dma_start3A_196 = tpu.memref_slice %arg31[%mul3A_23, %dma_start3A_195] : memref<10112x128xf32, #tpu.memory_space<vmem_shared>> -> memref<128x128xf32, #tpu.memory_space<vmem_shared>>
      tpu.enqueue_dma source(%arg15 : memref<128x128xf32, #tpu.memory_space<vmem>>) target(%dma_start3A_196 : memref<128x128xf32, #tpu.memory_space<vmem_shared>>) target_semaphore(%arg33 : memref<!tpu.dma_semaphore, #tpu.memory_space<semaphore_mem>>)
      %dma_start3A_197 = arith.constant 0 : i32
      %dma_start3A_198 = tpu.memref_slice %arg32[%mul3A_23, %dma_start3A_197] : memref<10112x8xf32, #tpu.memory_space<vmem_shared>> -> memref<128x8xf32, #tpu.memory_space<vmem_shared>>
      %dma_start3A_199 = arith.constant 0 : i32
      %dma_start3A_200 = tpu.memref_slice %arg32[%mul3A_23, %dma_start3A_199] : memref<10112x8xf32, #tpu.memory_space<vmem_shared>> -> memref<128x8xf32, #tpu.memory_space<vmem_shared>>
      tpu.enqueue_dma source(%arg16 : memref<128x8xf32, #tpu.memory_space<vmem>>) target(%dma_start3A_200 : memref<128x8xf32, #tpu.memory_space<vmem_shared>>) target_semaphore(%arg33 : memref<!tpu.dma_semaphore, #tpu.memory_space<semaphore_mem>>)
    } else {
    }
    %add3A_28 = arith.constant 16 : i32
    %add3A_29 = arith.addi %arg1, %add3A_28 : i32
    %mul3A_30 = arith.constant 128 : i32
    %mul3A_31 = arith.muli %add3A_29, %mul3A_30 : i32
    %add3A_32 = arith.constant 16 : i32
    %add3A_33 = arith.addi %arg1, %add3A_32 : i32
    %lt3A_34 = arith.constant 79 : i32
    %lt3A_35 = arith.cmpi slt, %add3A_33, %lt3A_34 : i32
    %convert_element_type3A_36 = arith.extui %lt3A_35 : i1 to i32
    %cond3A_37 = arith.constant 0 : i32
    %cond3A_38 = arith.cmpi ne, %convert_element_type3A_36, %cond3A_37 : i32
    scf.if %cond3A_38 {
      %dma_start3A = arith.constant 0 : i32
      %dma_start3A_194 = tpu.memref_slice %arg31[%mul3A_31, %dma_start3A] : memref<10112x128xf32, #tpu.memory_space<vmem_shared>> -> memref<128x128xf32, #tpu.memory_space<vmem_shared>>
      %dma_start3A_195 = arith.constant 0 : i32
      %dma_start3A_196 = tpu.memref_slice %arg31[%mul3A_31, %dma_start3A_195] : memref<10112x128xf32, #tpu.memory_space<vmem_shared>> -> memref<128x128xf32, #tpu.memory_space<vmem_shared>>
      tpu.enqueue_dma source(%arg15 : memref<128x128xf32, #tpu.memory_space<vmem>>) target(%dma_start3A_196 : memref<128x128xf32, #tpu.memory_space<vmem_shared>>) target_semaphore(%arg33 : memref<!tpu.dma_semaphore, #tpu.memory_space<semaphore_mem>>)
      %dma_start3A_197 = arith.constant 0 : i32
      %dma_start3A_198 = tpu.memref_slice %arg32[%mul3A_31, %dma_start3A_197] : memref<10112x8xf32, #tpu.memory_space<vmem_shared>> -> memref<128x8xf32, #tpu.memory_space<vmem_shared>>
      %dma_start3A_199 = arith.constant 0 : i32
      %dma_start3A_200 = tpu.memref_slice %arg32[%mul3A_31, %dma_start3A_199] : memref<10112x8xf32, #tpu.memory_space<vmem_shared>> -> memref<128x8xf32, #tpu.memory_space<vmem_shared>>
      tpu.enqueue_dma source(%arg16 : memref<128x8xf32, #tpu.memory_space<vmem>>) target(%dma_start3A_200 : memref<128x8xf32, #tpu.memory_space<vmem_shared>>) target_semaphore(%arg33 : memref<!tpu.dma_semaphore, #tpu.memory_space<semaphore_mem>>)
    } else {
    }
    %add3A_39 = arith.constant 32 : i32
    %add3A_40 = arith.addi %arg1, %add3A_39 : i32
    %mul3A_41 = arith.constant 128 : i32
    %mul3A_42 = arith.muli %add3A_40, %mul3A_41 : i32
    %add3A_43 = arith.constant 32 : i32
    %add3A_44 = arith.addi %arg1, %add3A_43 : i32
    %lt3A_45 = arith.constant 79 : i32
    %lt3A_46 = arith.cmpi slt, %add3A_44, %lt3A_45 : i32
    %convert_element_type3A_47 = arith.extui %lt3A_46 : i1 to i32
    %cond3A_48 = arith.constant 0 : i32
    %cond3A_49 = arith.cmpi ne, %convert_element_type3A_47, %cond3A_48 : i32
    scf.if %cond3A_49 {
      %dma_start3A = arith.constant 0 : i32
      %dma_start3A_194 = tpu.memref_slice %arg31[%mul3A_42, %dma_start3A] : memref<10112x128xf32, #tpu.memory_space<vmem_shared>> -> memref<128x128xf32, #tpu.memory_space<vmem_shared>>
      %dma_start3A_195 = arith.constant 0 : i32
      %dma_start3A_196 = tpu.memref_slice %arg31[%mul3A_42, %dma_start3A_195] : memref<10112x128xf32, #tpu.memory_space<vmem_shared>> -> memref<128x128xf32, #tpu.memory_space<vmem_shared>>
      tpu.enqueue_dma source(%arg15 : memref<128x128xf32, #tpu.memory_space<vmem>>) target(%dma_start3A_196 : memref<128x128xf32, #tpu.memory_space<vmem_shared>>) target_semaphore(%arg33 : memref<!tpu.dma_semaphore, #tpu.memory_space<semaphore_mem>>)
      %dma_start3A_197 = arith.constant 0 : i32
      %dma_start3A_198 = tpu.memref_slice %arg32[%mul3A_42, %dma_start3A_197] : memref<10112x8xf32, #tpu.memory_space<vmem_shared>> -> memref<128x8xf32, #tpu.memory_space<vmem_shared>>
      %dma_start3A_199 = arith.constant 0 : i32
      %dma_start3A_200 = tpu.memref_slice %arg32[%mul3A_42, %dma_start3A_199] : memref<10112x8xf32, #tpu.memory_space<vmem_shared>> -> memref<128x8xf32, #tpu.memory_space<vmem_shared>>
      tpu.enqueue_dma source(%arg16 : memref<128x8xf32, #tpu.memory_space<vmem>>) target(%dma_start3A_200 : memref<128x8xf32, #tpu.memory_space<vmem_shared>>) target_semaphore(%arg33 : memref<!tpu.dma_semaphore, #tpu.memory_space<semaphore_mem>>)
    } else {
    }
    %add3A_50 = arith.constant 48 : i32
    %add3A_51 = arith.addi %arg1, %add3A_50 : i32
    %mul3A_52 = arith.constant 128 : i32
    %mul3A_53 = arith.muli %add3A_51, %mul3A_52 : i32
    %add3A_54 = arith.constant 48 : i32
    %add3A_55 = arith.addi %arg1, %add3A_54 : i32
    %lt3A_56 = arith.constant 79 : i32
    %lt3A_57 = arith.cmpi slt, %add3A_55, %lt3A_56 : i32
    %convert_element_type3A_58 = arith.extui %lt3A_57 : i1 to i32
    %cond3A_59 = arith.constant 0 : i32
    %cond3A_60 = arith.cmpi ne, %convert_element_type3A_58, %cond3A_59 : i32
    scf.if %cond3A_60 {
      %dma_start3A = arith.constant 0 : i32
      %dma_start3A_194 = tpu.memref_slice %arg31[%mul3A_53, %dma_start3A] : memref<10112x128xf32, #tpu.memory_space<vmem_shared>> -> memref<128x128xf32, #tpu.memory_space<vmem_shared>>
      %dma_start3A_195 = arith.constant 0 : i32
      %dma_start3A_196 = tpu.memref_slice %arg31[%mul3A_53, %dma_start3A_195] : memref<10112x128xf32, #tpu.memory_space<vmem_shared>> -> memref<128x128xf32, #tpu.memory_space<vmem_shared>>
      tpu.enqueue_dma source(%arg15 : memref<128x128xf32, #tpu.memory_space<vmem>>) target(%dma_start3A_196 : memref<128x128xf32, #tpu.memory_space<vmem_shared>>) target_semaphore(%arg33 : memref<!tpu.dma_semaphore, #tpu.memory_space<semaphore_mem>>)
      %dma_start3A_197 = arith.constant 0 : i32
      %dma_start3A_198 = tpu.memref_slice %arg32[%mul3A_53, %dma_start3A_197] : memref<10112x8xf32, #tpu.memory_space<vmem_shared>> -> memref<128x8xf32, #tpu.memory_space<vmem_shared>>
      %dma_start3A_199 = arith.constant 0 : i32
      %dma_start3A_200 = tpu.memref_slice %arg32[%mul3A_53, %dma_start3A_199] : memref<10112x8xf32, #tpu.memory_space<vmem_shared>> -> memref<128x8xf32, #tpu.memory_space<vmem_shared>>
      tpu.enqueue_dma source(%arg16 : memref<128x8xf32, #tpu.memory_space<vmem>>) target(%dma_start3A_200 : memref<128x8xf32, #tpu.memory_space<vmem_shared>>) target_semaphore(%arg33 : memref<!tpu.dma_semaphore, #tpu.memory_space<semaphore_mem>>)
    } else {
    }
    %add3A_61 = arith.constant 64 : i32
    %add3A_62 = arith.addi %arg1, %add3A_61 : i32
    %mul3A_63 = arith.constant 128 : i32
    %mul3A_64 = arith.muli %add3A_62, %mul3A_63 : i32
    %add3A_65 = arith.constant 64 : i32
    %add3A_66 = arith.addi %arg1, %add3A_65 : i32
    %lt3A_67 = arith.constant 79 : i32
    %lt3A_68 = arith.cmpi slt, %add3A_66, %lt3A_67 : i32
    %convert_element_type3A_69 = arith.extui %lt3A_68 : i1 to i32
    %cond3A_70 = arith.constant 0 : i32
    %cond3A_71 = arith.cmpi ne, %convert_element_type3A_69, %cond3A_70 : i32
    scf.if %cond3A_71 {
      %dma_start3A = arith.constant 0 : i32
      %dma_start3A_194 = tpu.memref_slice %arg31[%mul3A_64, %dma_start3A] : memref<10112x128xf32, #tpu.memory_space<vmem_shared>> -> memref<128x128xf32, #tpu.memory_space<vmem_shared>>
      %dma_start3A_195 = arith.constant 0 : i32
      %dma_start3A_196 = tpu.memref_slice %arg31[%mul3A_64, %dma_start3A_195] : memref<10112x128xf32, #tpu.memory_space<vmem_shared>> -> memref<128x128xf32, #tpu.memory_space<vmem_shared>>
      tpu.enqueue_dma source(%arg15 : memref<128x128xf32, #tpu.memory_space<vmem>>) target(%dma_start3A_196 : memref<128x128xf32, #tpu.memory_space<vmem_shared>>) target_semaphore(%arg33 : memref<!tpu.dma_semaphore, #tpu.memory_space<semaphore_mem>>)
      %dma_start3A_197 = arith.constant 0 : i32
      %dma_start3A_198 = tpu.memref_slice %arg32[%mul3A_64, %dma_start3A_197] : memref<10112x8xf32, #tpu.memory_space<vmem_shared>> -> memref<128x8xf32, #tpu.memory_space<vmem_shared>>
      %dma_start3A_199 = arith.constant 0 : i32
      %dma_start3A_200 = tpu.memref_slice %arg32[%mul3A_64, %dma_start3A_199] : memref<10112x8xf32, #tpu.memory_space<vmem_shared>> -> memref<128x8xf32, #tpu.memory_space<vmem_shared>>
      tpu.enqueue_dma source(%arg16 : memref<128x8xf32, #tpu.memory_space<vmem>>) target(%dma_start3A_200 : memref<128x8xf32, #tpu.memory_space<vmem_shared>>) target_semaphore(%arg33 : memref<!tpu.dma_semaphore, #tpu.memory_space<semaphore_mem>>)
    } else {
    }
    %add3A_72 = arith.constant 0 : i32
    %add3A_73 = arith.addi %arg1, %add3A_72 : i32
    %mul3A_74 = arith.constant 128 : i32
    %mul3A_75 = arith.muli %add3A_73, %mul3A_74 : i32
    %add3A_76 = arith.constant 0 : i32
    %add3A_77 = arith.addi %arg1, %add3A_76 : i32
    %lt3A_78 = arith.constant 79 : i32
    %lt3A_79 = arith.cmpi slt, %add3A_77, %lt3A_78 : i32
    %convert_element_type3A_80 = arith.extui %lt3A_79 : i1 to i32
    %cond3A_81 = arith.constant 0 : i32
    %cond3A_82 = arith.cmpi ne, %convert_element_type3A_80, %cond3A_81 : i32
    scf.if %cond3A_82 {
      %dma_wait3A = arith.constant 0 : i32
      %dma_wait3A_194 = tpu.memref_slice %arg31[%mul3A_75, %dma_wait3A] : memref<10112x128xf32, #tpu.memory_space<vmem_shared>> -> memref<128x128xf32, #tpu.memory_space<vmem_shared>>
      %dma_wait3A_195 = arith.constant 0 : i32
      %dma_wait3A_196 = tpu.memref_slice %arg31[%mul3A_75, %dma_wait3A_195] : memref<10112x128xf32, #tpu.memory_space<vmem_shared>> -> memref<128x128xf32, #tpu.memory_space<vmem_shared>>
      tpu.wait_dma2 semaphore(%arg33 : memref<!tpu.dma_semaphore, #tpu.memory_space<semaphore_mem>>) src(%arg15 : memref<128x128xf32, #tpu.memory_space<vmem>>) dst(%dma_wait3A_196 : memref<128x128xf32, #tpu.memory_space<vmem_shared>>)
      %dma_wait3A_197 = arith.constant 0 : i32
      %dma_wait3A_198 = tpu.memref_slice %arg32[%mul3A_75, %dma_wait3A_197] : memref<10112x8xf32, #tpu.memory_space<vmem_shared>> -> memref<128x8xf32, #tpu.memory_space<vmem_shared>>
      %dma_wait3A_199 = arith.constant 0 : i32
      %dma_wait3A_200 = tpu.memref_slice %arg32[%mul3A_75, %dma_wait3A_199] : memref<10112x8xf32, #tpu.memory_space<vmem_shared>> -> memref<128x8xf32, #tpu.memory_space<vmem_shared>>
      tpu.wait_dma2 semaphore(%arg33 : memref<!tpu.dma_semaphore, #tpu.memory_space<semaphore_mem>>) src(%arg16 : memref<128x8xf32, #tpu.memory_space<vmem>>) dst(%dma_wait3A_200 : memref<128x8xf32, #tpu.memory_space<vmem_shared>>)
    } else {
    }
    %add3A_83 = arith.constant 16 : i32
    %add3A_84 = arith.addi %arg1, %add3A_83 : i32
    %mul3A_85 = arith.constant 128 : i32
    %mul3A_86 = arith.muli %add3A_84, %mul3A_85 : i32
    %add3A_87 = arith.constant 16 : i32
    %add3A_88 = arith.addi %arg1, %add3A_87 : i32
    %lt3A_89 = arith.constant 79 : i32
    %lt3A_90 = arith.cmpi slt, %add3A_88, %lt3A_89 : i32
    %convert_element_type3A_91 = arith.extui %lt3A_90 : i1 to i32
    %cond3A_92 = arith.constant 0 : i32
    %cond3A_93 = arith.cmpi ne, %convert_element_type3A_91, %cond3A_92 : i32
    scf.if %cond3A_93 {
      %dma_wait3A = arith.constant 0 : i32
      %dma_wait3A_194 = tpu.memref_slice %arg31[%mul3A_86, %dma_wait3A] : memref<10112x128xf32, #tpu.memory_space<vmem_shared>> -> memref<128x128xf32, #tpu.memory_space<vmem_shared>>
      %dma_wait3A_195 = arith.constant 0 : i32
      %dma_wait3A_196 = tpu.memref_slice %arg31[%mul3A_86, %dma_wait3A_195] : memref<10112x128xf32, #tpu.memory_space<vmem_shared>> -> memref<128x128xf32, #tpu.memory_space<vmem_shared>>
      tpu.wait_dma2 semaphore(%arg33 : memref<!tpu.dma_semaphore, #tpu.memory_space<semaphore_mem>>) src(%arg15 : memref<128x128xf32, #tpu.memory_space<vmem>>) dst(%dma_wait3A_196 : memref<128x128xf32, #tpu.memory_space<vmem_shared>>)
      %dma_wait3A_197 = arith.constant 0 : i32
      %dma_wait3A_198 = tpu.memref_slice %arg32[%mul3A_86, %dma_wait3A_197] : memref<10112x8xf32, #tpu.memory_space<vmem_shared>> -> memref<128x8xf32, #tpu.memory_space<vmem_shared>>
      %dma_wait3A_199 = arith.constant 0 : i32
      %dma_wait3A_200 = tpu.memref_slice %arg32[%mul3A_86, %dma_wait3A_199] : memref<10112x8xf32, #tpu.memory_space<vmem_shared>> -> memref<128x8xf32, #tpu.memory_space<vmem_shared>>
      tpu.wait_dma2 semaphore(%arg33 : memref<!tpu.dma_semaphore, #tpu.memory_space<semaphore_mem>>) src(%arg16 : memref<128x8xf32, #tpu.memory_space<vmem>>) dst(%dma_wait3A_200 : memref<128x8xf32, #tpu.memory_space<vmem_shared>>)
    } else {
    }
    %add3A_94 = arith.constant 32 : i32
    %add3A_95 = arith.addi %arg1, %add3A_94 : i32
    %mul3A_96 = arith.constant 128 : i32
    %mul3A_97 = arith.muli %add3A_95, %mul3A_96 : i32
    %add3A_98 = arith.constant 32 : i32
    %add3A_99 = arith.addi %arg1, %add3A_98 : i32
    %lt3A_100 = arith.constant 79 : i32
    %lt3A_101 = arith.cmpi slt, %add3A_99, %lt3A_100 : i32
    %convert_element_type3A_102 = arith.extui %lt3A_101 : i1 to i32
    %cond3A_103 = arith.constant 0 : i32
    %cond3A_104 = arith.cmpi ne, %convert_element_type3A_102, %cond3A_103 : i32
    scf.if %cond3A_104 {
      %dma_wait3A = arith.constant 0 : i32
      %dma_wait3A_194 = tpu.memref_slice %arg31[%mul3A_97, %dma_wait3A] : memref<10112x128xf32, #tpu.memory_space<vmem_shared>> -> memref<128x128xf32, #tpu.memory_space<vmem_shared>>
      %dma_wait3A_195 = arith.constant 0 : i32
      %dma_wait3A_196 = tpu.memref_slice %arg31[%mul3A_97, %dma_wait3A_195] : memref<10112x128xf32, #tpu.memory_space<vmem_shared>> -> memref<128x128xf32, #tpu.memory_space<vmem_shared>>
      tpu.wait_dma2 semaphore(%arg33 : memref<!tpu.dma_semaphore, #tpu.memory_space<semaphore_mem>>) src(%arg15 : memref<128x128xf32, #tpu.memory_space<vmem>>) dst(%dma_wait3A_196 : memref<128x128xf32, #tpu.memory_space<vmem_shared>>)
      %dma_wait3A_197 = arith.constant 0 : i32
      %dma_wait3A_198 = tpu.memref_slice %arg32[%mul3A_97, %dma_wait3A_197] : memref<10112x8xf32, #tpu.memory_space<vmem_shared>> -> memref<128x8xf32, #tpu.memory_space<vmem_shared>>
      %dma_wait3A_199 = arith.constant 0 : i32
      %dma_wait3A_200 = tpu.memref_slice %arg32[%mul3A_97, %dma_wait3A_199] : memref<10112x8xf32, #tpu.memory_space<vmem_shared>> -> memref<128x8xf32, #tpu.memory_space<vmem_shared>>
      tpu.wait_dma2 semaphore(%arg33 : memref<!tpu.dma_semaphore, #tpu.memory_space<semaphore_mem>>) src(%arg16 : memref<128x8xf32, #tpu.memory_space<vmem>>) dst(%dma_wait3A_200 : memref<128x8xf32, #tpu.memory_space<vmem_shared>>)
    } else {
    }
    %add3A_105 = arith.constant 48 : i32
    %add3A_106 = arith.addi %arg1, %add3A_105 : i32
    %mul3A_107 = arith.constant 128 : i32
    %mul3A_108 = arith.muli %add3A_106, %mul3A_107 : i32
    %add3A_109 = arith.constant 48 : i32
    %add3A_110 = arith.addi %arg1, %add3A_109 : i32
    %lt3A_111 = arith.constant 79 : i32
    %lt3A_112 = arith.cmpi slt, %add3A_110, %lt3A_111 : i32
    %convert_element_type3A_113 = arith.extui %lt3A_112 : i1 to i32
    %cond3A_114 = arith.constant 0 : i32
    %cond3A_115 = arith.cmpi ne, %convert_element_type3A_113, %cond3A_114 : i32
    scf.if %cond3A_115 {
      %dma_wait3A = arith.constant 0 : i32
      %dma_wait3A_194 = tpu.memref_slice %arg31[%mul3A_108, %dma_wait3A] : memref<10112x128xf32, #tpu.memory_space<vmem_shared>> -> memref<128x128xf32, #tpu.memory_space<vmem_shared>>
      %dma_wait3A_195 = arith.constant 0 : i32
      %dma_wait3A_196 = tpu.memref_slice %arg31[%mul3A_108, %dma_wait3A_195] : memref<10112x128xf32, #tpu.memory_space<vmem_shared>> -> memref<128x128xf32, #tpu.memory_space<vmem_shared>>
      tpu.wait_dma2 semaphore(%arg33 : memref<!tpu.dma_semaphore, #tpu.memory_space<semaphore_mem>>) src(%arg15 : memref<128x128xf32, #tpu.memory_space<vmem>>) dst(%dma_wait3A_196 : memref<128x128xf32, #tpu.memory_space<vmem_shared>>)
      %dma_wait3A_197 = arith.constant 0 : i32
      %dma_wait3A_198 = tpu.memref_slice %arg32[%mul3A_108, %dma_wait3A_197] : memref<10112x8xf32, #tpu.memory_space<vmem_shared>> -> memref<128x8xf32, #tpu.memory_space<vmem_shared>>
      %dma_wait3A_199 = arith.constant 0 : i32
      %dma_wait3A_200 = tpu.memref_slice %arg32[%mul3A_108, %dma_wait3A_199] : memref<10112x8xf32, #tpu.memory_space<vmem_shared>> -> memref<128x8xf32, #tpu.memory_space<vmem_shared>>
      tpu.wait_dma2 semaphore(%arg33 : memref<!tpu.dma_semaphore, #tpu.memory_space<semaphore_mem>>) src(%arg16 : memref<128x8xf32, #tpu.memory_space<vmem>>) dst(%dma_wait3A_200 : memref<128x8xf32, #tpu.memory_space<vmem_shared>>)
    } else {
    }
    %add3A_116 = arith.constant 64 : i32
    %add3A_117 = arith.addi %arg1, %add3A_116 : i32
    %mul3A_118 = arith.constant 128 : i32
    %mul3A_119 = arith.muli %add3A_117, %mul3A_118 : i32
    %add3A_120 = arith.constant 64 : i32
    %add3A_121 = arith.addi %arg1, %add3A_120 : i32
    %lt3A_122 = arith.constant 79 : i32
    %lt3A_123 = arith.cmpi slt, %add3A_121, %lt3A_122 : i32
    %convert_element_type3A_124 = arith.extui %lt3A_123 : i1 to i32
    %cond3A_125 = arith.constant 0 : i32
    %cond3A_126 = arith.cmpi ne, %convert_element_type3A_124, %cond3A_125 : i32
    scf.if %cond3A_126 {
      %dma_wait3A = arith.constant 0 : i32
      %dma_wait3A_194 = tpu.memref_slice %arg31[%mul3A_119, %dma_wait3A] : memref<10112x128xf32, #tpu.memory_space<vmem_shared>> -> memref<128x128xf32, #tpu.memory_space<vmem_shared>>
      %dma_wait3A_195 = arith.constant 0 : i32
      %dma_wait3A_196 = tpu.memref_slice %arg31[%mul3A_119, %dma_wait3A_195] : memref<10112x128xf32, #tpu.memory_space<vmem_shared>> -> memref<128x128xf32, #tpu.memory_space<vmem_shared>>
      tpu.wait_dma2 semaphore(%arg33 : memref<!tpu.dma_semaphore, #tpu.memory_space<semaphore_mem>>) src(%arg15 : memref<128x128xf32, #tpu.memory_space<vmem>>) dst(%dma_wait3A_196 : memref<128x128xf32, #tpu.memory_space<vmem_shared>>)
      %dma_wait3A_197 = arith.constant 0 : i32
      %dma_wait3A_198 = tpu.memref_slice %arg32[%mul3A_119, %dma_wait3A_197] : memref<10112x8xf32, #tpu.memory_space<vmem_shared>> -> memref<128x8xf32, #tpu.memory_space<vmem_shared>>
      %dma_wait3A_199 = arith.constant 0 : i32
      %dma_wait3A_200 = tpu.memref_slice %arg32[%mul3A_119, %dma_wait3A_199] : memref<10112x8xf32, #tpu.memory_space<vmem_shared>> -> memref<128x8xf32, #tpu.memory_space<vmem_shared>>
      tpu.wait_dma2 semaphore(%arg33 : memref<!tpu.dma_semaphore, #tpu.memory_space<semaphore_mem>>) src(%arg16 : memref<128x8xf32, #tpu.memory_space<vmem>>) dst(%dma_wait3A_200 : memref<128x8xf32, #tpu.memory_space<vmem_shared>>)
    } else {
    }
    %barrier3A = arith.constant 0 : index
    tpu.barrier barrier_id(%barrier3A)
    %gt3A = arith.constant 0 : i32
    %gt3A_127 = arith.cmpi sgt, %select_n3A, %gt3A : i32
    %convert_element_type3A_128 = arith.extui %gt3A_127 : i1 to i32
    %cond3A_129 = arith.constant 0 : i32
    %cond3A_130 = arith.cmpi ne, %convert_element_type3A_128, %cond3A_129 : i32
    scf.if %cond3A_130 {
      %add3A_194 = arith.constant 0 : i32
      %add3A_195 = arith.addi %arg1, %add3A_194 : i32
      %mul3A_196 = arith.constant 128 : i32
      %mul3A_197 = arith.muli %add3A_195, %mul3A_196 : i32
      %dma_start3A = tpu.memref_slice %arg2[%mul3A_197] : memref<160000xi32, #tpu.memory_space<hbm>> -> memref<128xi32, #tpu.memory_space<hbm>>
      %dma_start3A_198 = tpu.memref_slice %arg2[%mul3A_197] : memref<160000xi32, #tpu.memory_space<hbm>> -> memref<128xi32, #tpu.memory_space<hbm>>
      tpu.enqueue_dma source(%dma_start3A_198 : memref<128xi32, #tpu.memory_space<hbm>>) target(%arg13 : memref<128xi32, #tpu.memory_space<vmem>>) target_semaphore(%arg19 : memref<!tpu.dma_semaphore, #tpu.memory_space<semaphore_mem>>)
      %dma_start3A_199 = tpu.memref_slice %arg3[%mul3A_197] : memref<160000xi32, #tpu.memory_space<hbm>> -> memref<128xi32, #tpu.memory_space<hbm>>
      %dma_start3A_200 = tpu.memref_slice %arg3[%mul3A_197] : memref<160000xi32, #tpu.memory_space<hbm>> -> memref<128xi32, #tpu.memory_space<hbm>>
      tpu.enqueue_dma source(%dma_start3A_200 : memref<128xi32, #tpu.memory_space<hbm>>) target(%arg14 : memref<128xi32, #tpu.memory_space<vmem>>) target_semaphore(%arg19 : memref<!tpu.dma_semaphore, #tpu.memory_space<semaphore_mem>>)
      %dma_wait3A = tpu.memref_slice %arg2[%mul3A_197] : memref<160000xi32, #tpu.memory_space<hbm>> -> memref<128xi32, #tpu.memory_space<hbm>>
      %dma_wait3A_201 = tpu.memref_slice %arg2[%mul3A_197] : memref<160000xi32, #tpu.memory_space<hbm>> -> memref<128xi32, #tpu.memory_space<hbm>>
      tpu.wait_dma2 semaphore(%arg19 : memref<!tpu.dma_semaphore, #tpu.memory_space<semaphore_mem>>) src(%dma_wait3A_201 : memref<128xi32, #tpu.memory_space<hbm>>) dst(%arg13 : memref<128xi32, #tpu.memory_space<vmem>>)
      %dma_wait3A_202 = tpu.memref_slice %arg3[%mul3A_197] : memref<160000xi32, #tpu.memory_space<hbm>> -> memref<128xi32, #tpu.memory_space<hbm>>
      %dma_wait3A_203 = tpu.memref_slice %arg3[%mul3A_197] : memref<160000xi32, #tpu.memory_space<hbm>> -> memref<128xi32, #tpu.memory_space<hbm>>
      tpu.wait_dma2 semaphore(%arg19 : memref<!tpu.dma_semaphore, #tpu.memory_space<semaphore_mem>>) src(%dma_wait3A_203 : memref<128xi32, #tpu.memory_space<hbm>>) dst(%arg14 : memref<128xi32, #tpu.memory_space<vmem>>)
      %eq3A_204 = arith.constant 0 : i32
      %eq3A_205 = arith.cmpi eq, %arg0, %eq3A_204 : i32
      %convert_element_type3A_206 = arith.extui %eq3A_205 : i1 to i32
      %cond3A_207 = arith.constant 0 : i32
      %cond3A_208 = arith.cmpi ne, %convert_element_type3A_206, %cond3A_207 : i32
      scf.if %cond3A_208 {
        %dma_start3A_224 = arith.constant 0 : i32
        %dma_start3A_225 = arith.constant 0 : i32
        %dma_start3A_226 = tpu.memref_slice %arg4[%dma_start3A_224, %dma_start3A_225] : memref<10000x128xf32, #tpu.memory_space<hbm>> -> memref<10000x128xf32, #tpu.memory_space<hbm>>
        tpu.enqueue_indirect_dma source(%dma_start3A_226 : memref<10000x128xf32, #tpu.memory_space<hbm>>) target(%arg15 : memref<128x128xf32, #tpu.memory_space<vmem>>) offsets(%arg13 : memref<128xi32, #tpu.memory_space<vmem>>) semaphore(%arg18 : memref<!tpu.dma_semaphore, #tpu.memory_space<semaphore_mem>>)
      } else {
      }
      %eq3A_209 = arith.constant 1 : i32
      %eq3A_210 = arith.cmpi eq, %arg0, %eq3A_209 : i32
      %convert_element_type3A_211 = arith.extui %eq3A_210 : i1 to i32
      %cond3A_212 = arith.constant 0 : i32
      %cond3A_213 = arith.cmpi ne, %convert_element_type3A_211, %cond3A_212 : i32
      scf.if %cond3A_213 {
        %dma_start3A_224 = arith.constant 0 : i32
        %dma_start3A_225 = arith.constant 0 : i32
        %dma_start3A_226 = tpu.memref_slice %arg5[%dma_start3A_224, %dma_start3A_225] : memref<10000x128xf32, #tpu.memory_space<hbm>> -> memref<10000x128xf32, #tpu.memory_space<hbm>>
        tpu.enqueue_indirect_dma source(%dma_start3A_226 : memref<10000x128xf32, #tpu.memory_space<hbm>>) target(%arg15 : memref<128x128xf32, #tpu.memory_space<vmem>>) offsets(%arg13 : memref<128xi32, #tpu.memory_space<vmem>>) semaphore(%arg18 : memref<!tpu.dma_semaphore, #tpu.memory_space<semaphore_mem>>)
      } else {
      }
      %eq3A_214 = arith.constant 0 : i32
      %eq3A_215 = arith.cmpi eq, %arg0, %eq3A_214 : i32
      %convert_element_type3A_216 = arith.extui %eq3A_215 : i1 to i32
      %cond3A_217 = arith.constant 0 : i32
      %cond3A_218 = arith.cmpi ne, %convert_element_type3A_216, %cond3A_217 : i32
      scf.if %cond3A_218 {
        %dma_start3A_224 = arith.constant 0 : i32
        %dma_start3A_225 = arith.constant 0 : i32
        %dma_start3A_226 = tpu.memref_slice %arg6[%dma_start3A_224, %dma_start3A_225] : memref<10000x8xf32, #tpu.memory_space<hbm>> -> memref<10000x8xf32, #tpu.memory_space<hbm>>
        tpu.enqueue_indirect_dma source(%dma_start3A_226 : memref<10000x8xf32, #tpu.memory_space<hbm>>) target(%arg16 : memref<128x8xf32, #tpu.memory_space<vmem>>) offsets(%arg13 : memref<128xi32, #tpu.memory_space<vmem>>) semaphore(%arg18 : memref<!tpu.dma_semaphore, #tpu.memory_space<semaphore_mem>>)
        %dma_start3A_227 = arith.constant 0 : i32
        %dma_start3A_228 = arith.constant 0 : i32
        %dma_start3A_229 = tpu.memref_slice %arg6[%dma_start3A_227, %dma_start3A_228] : memref<10000x8xf32, #tpu.memory_space<hbm>> -> memref<10000x8xf32, #tpu.memory_space<hbm>>
        tpu.enqueue_indirect_dma source(%dma_start3A_229 : memref<10000x8xf32, #tpu.memory_space<hbm>>) target(%arg17 : memref<128x8xf32, #tpu.memory_space<vmem>>) offsets(%arg14 : memref<128xi32, #tpu.memory_space<vmem>>) semaphore(%arg18 : memref<!tpu.dma_semaphore, #tpu.memory_space<semaphore_mem>>)
      } else {
      }
      %gt3A_219 = arith.constant 1 : i32
      %gt3A_220 = arith.cmpi sgt, %select_n3A, %gt3A_219 : i32
      %convert_element_type3A_221 = arith.extui %gt3A_220 : i1 to i32
      %cond3A_222 = arith.constant 0 : i32
      %cond3A_223 = arith.cmpi ne, %convert_element_type3A_221, %cond3A_222 : i32
      scf.if %cond3A_223 {
        %add3A_224 = arith.constant 16 : i32
        %add3A_225 = arith.addi %arg1, %add3A_224 : i32
        %mul3A_226 = arith.constant 128 : i32
        %mul3A_227 = arith.muli %add3A_225, %mul3A_226 : i32
        %dma_start3A_228 = tpu.memref_slice %arg2[%mul3A_227] : memref<160000xi32, #tpu.memory_space<hbm>> -> memref<128xi32, #tpu.memory_space<hbm>>
        %dma_start3A_229 = tpu.memref_slice %arg2[%mul3A_227] : memref<160000xi32, #tpu.memory_space<hbm>> -> memref<128xi32, #tpu.memory_space<hbm>>
        tpu.enqueue_dma source(%dma_start3A_229 : memref<128xi32, #tpu.memory_space<hbm>>) target(%arg22 : memref<128xi32, #tpu.memory_space<vmem>>) target_semaphore(%arg28 : memref<!tpu.dma_semaphore, #tpu.memory_space<semaphore_mem>>)
        %dma_start3A_230 = tpu.memref_slice %arg3[%mul3A_227] : memref<160000xi32, #tpu.memory_space<hbm>> -> memref<128xi32, #tpu.memory_space<hbm>>
        %dma_start3A_231 = tpu.memref_slice %arg3[%mul3A_227] : memref<160000xi32, #tpu.memory_space<hbm>> -> memref<128xi32, #tpu.memory_space<hbm>>
        tpu.enqueue_dma source(%dma_start3A_231 : memref<128xi32, #tpu.memory_space<hbm>>) target(%arg23 : memref<128xi32, #tpu.memory_space<vmem>>) target_semaphore(%arg28 : memref<!tpu.dma_semaphore, #tpu.memory_space<semaphore_mem>>)
      } else {
      }
    } else {
    }
    %add3A_131 = arith.constant 1 : i32
    %add3A_132 = arith.addi %select_n3A, %add3A_131 : i32
    %jit3A_133 = arith.constant 2 : i32
    %div3A_134 = arith.divsi %add3A_132, %jit3A_133 : i32
    %sign3A_135 = arith.constant 0 : i32
    %sign3A_136 = arith.cmpi sgt, %add3A_132, %sign3A_135 : i32
    %sign3A_137 = arith.extui %sign3A_136 : i1 to i32
    %sign3A_138 = arith.constant 0 : i32
    %sign3A_139 = arith.cmpi slt, %add3A_132, %sign3A_138 : i32
    %sign3A_140 = arith.extui %sign3A_139 : i1 to i32
    %sign3A_141 = arith.subi %sign3A_137, %sign3A_140 : i32
    %sign3A_142 = arith.constant 0 : i32
    %sign3A_143 = arith.cmpi sgt, %jit3A_133, %sign3A_142 : i32
    %sign3A_144 = arith.extui %sign3A_143 : i1 to i32
    %sign3A_145 = arith.constant 0 : i32
    %sign3A_146 = arith.cmpi slt, %jit3A_133, %sign3A_145 : i32
    %sign3A_147 = arith.extui %sign3A_146 : i1 to i32
    %sign3A_148 = arith.subi %sign3A_144, %sign3A_147 : i32
    %ne3A_149 = arith.cmpi ne, %sign3A_141, %sign3A_148 : i32
    %rem3A_150 = arith.remsi %add3A_132, %jit3A_133 : i32
    %ne3A_151 = arith.constant 0 : i32
    %ne3A_152 = arith.cmpi ne, %rem3A_150, %ne3A_151 : i32
    %and3A_153 = arith.andi %ne3A_149, %ne3A_152 : i1
    %sub3A_154 = arith.constant 1 : i32
    %sub3A_155 = arith.subi %div3A_134, %sub3A_154 : i32
    %select_n3A_156 = arith.select %and3A_153, %sub3A_155, %div3A_134 : i32
    %sub3A_157 = arith.constant 0 : i32
    %sub3A_158 = arith.subi %select_n3A_156, %sub3A_157 : i32
    %sub3A_159 = arith.constant 1 : i32
    %sub3A_160 = arith.constant 1 : i32
    %sub3A_161 = arith.subi %sub3A_159, %sub3A_160 : i32
    %add3A_162 = arith.addi %sub3A_158, %sub3A_161 : i32
    %div3A_163 = arith.constant 1 : i32
    %div3A_164 = arith.divsi %add3A_162, %div3A_163 : i32
    %while3A = arith.constant 1 : i32
    %while3A_165 = arith.constant 0 : i32
    %while3A_166 = arith.constant 0 : i32
    %while3A_167 = arith.subi %div3A_164, %while3A_166 : i32
    %while3A_168 = arith.addi %while3A_166, %while3A_167 : i32
    %while3A_169 = arith.constant 1 : i32
    %while3A_170 = arith.divsi %while3A_167, %while3A_169 : i32
    %while3A_171 = arith.muli %while3A_170, %while3A_169 : i32
    %while3A_172 = arith.addi %while3A_166, %while3A_171 : i32
    %while3A_173 = arith.constant 1 : i32
    scf.for %while3A_194 = %while3A_166 to %while3A_172 step %while3A_173  : i32 {
      %mul3A_195 = arith.muli %while3A_194, %while3A : i32
      %add3A_196 = arith.addi %while3A_165, %mul3A_195 : i32
      %mul3A_197 = arith.constant 2 : i32
      %mul3A_198 = arith.muli %mul3A_197, %add3A_196 : i32
      %add3A_199 = arith.constant 1 : i32
      %add3A_200 = arith.addi %mul3A_198, %add3A_199 : i32
      %lt3A_201 = arith.cmpi slt, %add3A_200, %select_n3A : i32
      %convert_element_type3A_202 = arith.extui %lt3A_201 : i1 to i32
      %cond3A_203 = arith.constant 0 : i32
      %cond3A_204 = arith.cmpi ne, %convert_element_type3A_202, %cond3A_203 : i32
      scf.if %cond3A_204 {
        %ge3A_295 = arith.constant 1 : i32
        %ge3A_296 = arith.cmpi sge, %mul3A_198, %ge3A_295 : i32
        %convert_element_type3A_297 = arith.extui %ge3A_296 : i1 to i32
        %cond3A_298 = arith.constant 0 : i32
        %cond3A_299 = arith.cmpi ne, %convert_element_type3A_297, %cond3A_298 : i32
        scf.if %cond3A_299 {
          %sub3A_342 = arith.constant 1 : i32
          %sub3A_343 = arith.subi %mul3A_198, %sub3A_342 : i32
          %dma_wait3A_344 = arith.constant 0 : i32
          %dma_wait3A_345 = arith.constant 0 : i32
          %dma_wait3A_346 = tpu.memref_slice %arg31[%dma_wait3A_344, %dma_wait3A_345] : memref<10112x128xf32, #tpu.memory_space<vmem_shared>> -> memref<10112x128xf32, #tpu.memory_space<vmem_shared>>
          tpu.wait_indirect_dma semaphore(%arg30 : memref<!tpu.dma_semaphore, #tpu.memory_space<semaphore_mem>>) src(%arg24 : memref<128x128xf32, #tpu.memory_space<vmem>>) dst(%dma_wait3A_346 : memref<10112x128xf32, #tpu.memory_space<vmem_shared>>)
          %jit3A_347 = arith.constant 2 : i32
          %eq3A_348 = arith.constant 0 : i32
          %eq3A_349 = arith.cmpi eq, %jit3A_347, %eq3A_348 : i32
          %jit3A_350 = arith.constant 1 : i32
          %select_n3A_351 = arith.select %eq3A_349, %jit3A_350, %jit3A_347 : i32
          %rem3A_352 = arith.remsi %sub3A_343, %select_n3A_351 : i32
          %ne3A_353 = arith.constant 0 : i32
          %ne3A_354 = arith.cmpi ne, %rem3A_352, %ne3A_353 : i32
          %lt3A_355 = arith.constant 0 : i32
          %lt3A_356 = arith.cmpi slt, %rem3A_352, %lt3A_355 : i32
          %lt3A_357 = arith.constant 0 : i32
          %lt3A_358 = arith.cmpi slt, %select_n3A_351, %lt3A_357 : i32
          %ne3A_359 = arith.xori %lt3A_356, %lt3A_358 : i1
          %and3A_360 = arith.andi %ne3A_359, %ne3A_354 : i1
          %add3A_361 = arith.addi %rem3A_352, %select_n3A_351 : i32
          %select_n3A_362 = arith.select %and3A_360, %add3A_361, %rem3A_352 : i32
          %eq3A_363 = arith.cmpi eq, %select_n3A_362, %arg0 : i32
          %convert_element_type3A_364 = arith.extui %eq3A_363 : i1 to i32
          %cond3A_365 = arith.constant 0 : i32
          %cond3A_366 = arith.cmpi ne, %convert_element_type3A_364, %cond3A_365 : i32
          scf.if %cond3A_366 {
            %dma_wait3A_367 = arith.constant 0 : i32
            %dma_wait3A_368 = arith.constant 0 : i32
            %dma_wait3A_369 = tpu.memref_slice %arg32[%dma_wait3A_367, %dma_wait3A_368] : memref<10112x8xf32, #tpu.memory_space<vmem_shared>> -> memref<10112x8xf32, #tpu.memory_space<vmem_shared>>
            tpu.wait_indirect_dma semaphore(%arg30 : memref<!tpu.dma_semaphore, #tpu.memory_space<semaphore_mem>>) src(%arg25 : memref<128x8xf32, #tpu.memory_space<vmem>>) dst(%dma_wait3A_369 : memref<10112x8xf32, #tpu.memory_space<vmem_shared>>)
          } else {
          }
        } else {
        }
        %add3A_300 = arith.constant 1 : i32
        %add3A_301 = arith.addi %mul3A_198, %add3A_300 : i32
        %mul3A_302 = arith.constant 16 : i32
        %mul3A_303 = arith.muli %add3A_301, %mul3A_302 : i32
        %add3A_304 = arith.addi %arg1, %mul3A_303 : i32
        %mul3A_305 = arith.constant 128 : i32
        %mul3A_306 = arith.muli %add3A_304, %mul3A_305 : i32
        %dma_wait3A = tpu.memref_slice %arg2[%mul3A_306] : memref<160000xi32, #tpu.memory_space<hbm>> -> memref<128xi32, #tpu.memory_space<hbm>>
        %dma_wait3A_307 = tpu.memref_slice %arg2[%mul3A_306] : memref<160000xi32, #tpu.memory_space<hbm>> -> memref<128xi32, #tpu.memory_space<hbm>>
        tpu.wait_dma2 semaphore(%arg28 : memref<!tpu.dma_semaphore, #tpu.memory_space<semaphore_mem>>) src(%dma_wait3A_307 : memref<128xi32, #tpu.memory_space<hbm>>) dst(%arg22 : memref<128xi32, #tpu.memory_space<vmem>>)
        %dma_wait3A_308 = tpu.memref_slice %arg3[%mul3A_306] : memref<160000xi32, #tpu.memory_space<hbm>> -> memref<128xi32, #tpu.memory_space<hbm>>
        %dma_wait3A_309 = tpu.memref_slice %arg3[%mul3A_306] : memref<160000xi32, #tpu.memory_space<hbm>> -> memref<128xi32, #tpu.memory_space<hbm>>
        tpu.wait_dma2 semaphore(%arg28 : memref<!tpu.dma_semaphore, #tpu.memory_space<semaphore_mem>>) src(%dma_wait3A_309 : memref<128xi32, #tpu.memory_space<hbm>>) dst(%arg23 : memref<128xi32, #tpu.memory_space<vmem>>)
        %add3A_310 = arith.constant 1 : i32
        %add3A_311 = arith.addi %mul3A_198, %add3A_310 : i32
        %eq3A_312 = arith.constant 0 : i32
        %eq3A_313 = arith.cmpi eq, %arg0, %eq3A_312 : i32
        %convert_element_type3A_314 = arith.extui %eq3A_313 : i1 to i32
        %cond3A_315 = arith.constant 0 : i32
        %cond3A_316 = arith.cmpi ne, %convert_element_type3A_314, %cond3A_315 : i32
        scf.if %cond3A_316 {
          %dma_start3A_342 = arith.constant 0 : i32
          %dma_start3A_343 = arith.constant 0 : i32
          %dma_start3A_344 = tpu.memref_slice %arg4[%dma_start3A_342, %dma_start3A_343] : memref<10000x128xf32, #tpu.memory_space<hbm>> -> memref<10000x128xf32, #tpu.memory_space<hbm>>
          tpu.enqueue_indirect_dma source(%dma_start3A_344 : memref<10000x128xf32, #tpu.memory_space<hbm>>) target(%arg24 : memref<128x128xf32, #tpu.memory_space<vmem>>) offsets(%arg22 : memref<128xi32, #tpu.memory_space<vmem>>) semaphore(%arg27 : memref<!tpu.dma_semaphore, #tpu.memory_space<semaphore_mem>>)
        } else {
        }
        %eq3A_317 = arith.constant 1 : i32
        %eq3A_318 = arith.cmpi eq, %arg0, %eq3A_317 : i32
        %convert_element_type3A_319 = arith.extui %eq3A_318 : i1 to i32
        %cond3A_320 = arith.constant 0 : i32
        %cond3A_321 = arith.cmpi ne, %convert_element_type3A_319, %cond3A_320 : i32
        scf.if %cond3A_321 {
          %dma_start3A_342 = arith.constant 0 : i32
          %dma_start3A_343 = arith.constant 0 : i32
          %dma_start3A_344 = tpu.memref_slice %arg5[%dma_start3A_342, %dma_start3A_343] : memref<10000x128xf32, #tpu.memory_space<hbm>> -> memref<10000x128xf32, #tpu.memory_space<hbm>>
          tpu.enqueue_indirect_dma source(%dma_start3A_344 : memref<10000x128xf32, #tpu.memory_space<hbm>>) target(%arg24 : memref<128x128xf32, #tpu.memory_space<vmem>>) offsets(%arg22 : memref<128xi32, #tpu.memory_space<vmem>>) semaphore(%arg27 : memref<!tpu.dma_semaphore, #tpu.memory_space<semaphore_mem>>)
        } else {
        }
        %jit3A_322 = arith.constant 2 : i32
        %eq3A_323 = arith.constant 0 : i32
        %eq3A_324 = arith.cmpi eq, %jit3A_322, %eq3A_323 : i32
        %jit3A_325 = arith.constant 1 : i32
        %select_n3A_326 = arith.select %eq3A_324, %jit3A_325, %jit3A_322 : i32
        %rem3A_327 = arith.remsi %add3A_311, %select_n3A_326 : i32
        %ne3A_328 = arith.constant 0 : i32
        %ne3A_329 = arith.cmpi ne, %rem3A_327, %ne3A_328 : i32
        %lt3A_330 = arith.constant 0 : i32
        %lt3A_331 = arith.cmpi slt, %rem3A_327, %lt3A_330 : i32
        %lt3A_332 = arith.constant 0 : i32
        %lt3A_333 = arith.cmpi slt, %select_n3A_326, %lt3A_332 : i32
        %ne3A_334 = arith.xori %lt3A_331, %lt3A_333 : i1
        %and3A_335 = arith.andi %ne3A_334, %ne3A_329 : i1
        %add3A_336 = arith.addi %rem3A_327, %select_n3A_326 : i32
        %select_n3A_337 = arith.select %and3A_335, %add3A_336, %rem3A_327 : i32
        %eq3A_338 = arith.cmpi eq, %select_n3A_337, %arg0 : i32
        %convert_element_type3A_339 = arith.extui %eq3A_338 : i1 to i32
        %cond3A_340 = arith.constant 0 : i32
        %cond3A_341 = arith.cmpi ne, %convert_element_type3A_339, %cond3A_340 : i32
        scf.if %cond3A_341 {
          %dma_start3A_342 = arith.constant 0 : i32
          %dma_start3A_343 = arith.constant 0 : i32
          %dma_start3A_344 = tpu.memref_slice %arg6[%dma_start3A_342, %dma_start3A_343] : memref<10000x8xf32, #tpu.memory_space<hbm>> -> memref<10000x8xf32, #tpu.memory_space<hbm>>
          tpu.enqueue_indirect_dma source(%dma_start3A_344 : memref<10000x8xf32, #tpu.memory_space<hbm>>) target(%arg25 : memref<128x8xf32, #tpu.memory_space<vmem>>) offsets(%arg22 : memref<128xi32, #tpu.memory_space<vmem>>) semaphore(%arg27 : memref<!tpu.dma_semaphore, #tpu.memory_space<semaphore_mem>>)
          %dma_start3A_345 = arith.constant 0 : i32
          %dma_start3A_346 = arith.constant 0 : i32
          %dma_start3A_347 = tpu.memref_slice %arg6[%dma_start3A_345, %dma_start3A_346] : memref<10000x8xf32, #tpu.memory_space<hbm>> -> memref<10000x8xf32, #tpu.memory_space<hbm>>
          tpu.enqueue_indirect_dma source(%dma_start3A_347 : memref<10000x8xf32, #tpu.memory_space<hbm>>) target(%arg26 : memref<128x8xf32, #tpu.memory_space<vmem>>) offsets(%arg23 : memref<128xi32, #tpu.memory_space<vmem>>) semaphore(%arg27 : memref<!tpu.dma_semaphore, #tpu.memory_space<semaphore_mem>>)
        } else {
        }
      } else {
      }
      %eq3A_205 = arith.constant 0 : i32
      %eq3A_206 = arith.cmpi eq, %arg0, %eq3A_205 : i32
      %convert_element_type3A_207 = arith.extui %eq3A_206 : i1 to i32
      %cond3A_208 = arith.constant 0 : i32
      %cond3A_209 = arith.cmpi ne, %convert_element_type3A_207, %cond3A_208 : i32
      scf.if %cond3A_209 {
        %dma_wait3A = arith.constant 0 : i32
        %dma_wait3A_295 = arith.constant 0 : i32
        %dma_wait3A_296 = tpu.memref_slice %arg4[%dma_wait3A, %dma_wait3A_295] : memref<10000x128xf32, #tpu.memory_space<hbm>> -> memref<10000x128xf32, #tpu.memory_space<hbm>>
        tpu.wait_indirect_dma semaphore(%arg18 : memref<!tpu.dma_semaphore, #tpu.memory_space<semaphore_mem>>) src(%dma_wait3A_296 : memref<10000x128xf32, #tpu.memory_space<hbm>>) dst(%arg15 : memref<128x128xf32, #tpu.memory_space<vmem>>)
      } else {
      }
      %eq3A_210 = arith.constant 1 : i32
      %eq3A_211 = arith.cmpi eq, %arg0, %eq3A_210 : i32
      %convert_element_type3A_212 = arith.extui %eq3A_211 : i1 to i32
      %cond3A_213 = arith.constant 0 : i32
      %cond3A_214 = arith.cmpi ne, %convert_element_type3A_212, %cond3A_213 : i32
      scf.if %cond3A_214 {
        %dma_wait3A = arith.constant 0 : i32
        %dma_wait3A_295 = arith.constant 0 : i32
        %dma_wait3A_296 = tpu.memref_slice %arg5[%dma_wait3A, %dma_wait3A_295] : memref<10000x128xf32, #tpu.memory_space<hbm>> -> memref<10000x128xf32, #tpu.memory_space<hbm>>
        tpu.wait_indirect_dma semaphore(%arg18 : memref<!tpu.dma_semaphore, #tpu.memory_space<semaphore_mem>>) src(%dma_wait3A_296 : memref<10000x128xf32, #tpu.memory_space<hbm>>) dst(%arg15 : memref<128x128xf32, #tpu.memory_space<vmem>>)
      } else {
      }
      %jit3A_215 = arith.constant 2 : i32
      %eq3A_216 = arith.constant 0 : i32
      %eq3A_217 = arith.cmpi eq, %jit3A_215, %eq3A_216 : i32
      %jit3A_218 = arith.constant 1 : i32
      %select_n3A_219 = arith.select %eq3A_217, %jit3A_218, %jit3A_215 : i32
      %rem3A_220 = arith.remsi %mul3A_198, %select_n3A_219 : i32
      %ne3A_221 = arith.constant 0 : i32
      %ne3A_222 = arith.cmpi ne, %rem3A_220, %ne3A_221 : i32
      %lt3A_223 = arith.constant 0 : i32
      %lt3A_224 = arith.cmpi slt, %rem3A_220, %lt3A_223 : i32
      %lt3A_225 = arith.constant 0 : i32
      %lt3A_226 = arith.cmpi slt, %select_n3A_219, %lt3A_225 : i32
      %ne3A_227 = arith.xori %lt3A_224, %lt3A_226 : i1
      %and3A_228 = arith.andi %ne3A_227, %ne3A_222 : i1
      %add3A_229 = arith.addi %rem3A_220, %select_n3A_219 : i32
      %select_n3A_230 = arith.select %and3A_228, %add3A_229, %rem3A_220 : i32
      %eq3A_231 = arith.cmpi eq, %select_n3A_230, %arg0 : i32
      %convert_element_type3A_232 = arith.extui %eq3A_231 : i1 to i32
      %cond3A_233 = arith.constant 0 : i32
      %cond3A_234 = arith.cmpi ne, %convert_element_type3A_232, %cond3A_233 : i32
      scf.if %cond3A_234 {
        %dma_wait3A = arith.constant 0 : i32
        %dma_wait3A_295 = arith.constant 0 : i32
        %dma_wait3A_296 = tpu.memref_slice %arg6[%dma_wait3A, %dma_wait3A_295] : memref<10000x8xf32, #tpu.memory_space<hbm>> -> memref<10000x8xf32, #tpu.memory_space<hbm>>
        tpu.wait_indirect_dma semaphore(%arg18 : memref<!tpu.dma_semaphore, #tpu.memory_space<semaphore_mem>>) src(%dma_wait3A_296 : memref<10000x8xf32, #tpu.memory_space<hbm>>) dst(%arg16 : memref<128x8xf32, #tpu.memory_space<vmem>>)
        %dma_wait3A_297 = arith.constant 0 : i32
        %dma_wait3A_298 = arith.constant 0 : i32
        %dma_wait3A_299 = tpu.memref_slice %arg6[%dma_wait3A_297, %dma_wait3A_298] : memref<10000x8xf32, #tpu.memory_space<hbm>> -> memref<10000x8xf32, #tpu.memory_space<hbm>>
        tpu.wait_indirect_dma semaphore(%arg18 : memref<!tpu.dma_semaphore, #tpu.memory_space<semaphore_mem>>) src(%dma_wait3A_299 : memref<10000x8xf32, #tpu.memory_space<hbm>>) dst(%arg17 : memref<128x8xf32, #tpu.memory_space<vmem>>)
      } else {
      }
      %jit3A_235 = arith.constant 2 : i32
      %eq3A_236 = arith.constant 0 : i32
      %eq3A_237 = arith.cmpi eq, %jit3A_235, %eq3A_236 : i32
      %jit3A_238 = arith.constant 1 : i32
      %select_n3A_239 = arith.select %eq3A_237, %jit3A_238, %jit3A_235 : i32
      %rem3A_240 = arith.remsi %mul3A_198, %select_n3A_239 : i32
      %ne3A_241 = arith.constant 0 : i32
      %ne3A_242 = arith.cmpi ne, %rem3A_240, %ne3A_241 : i32
      %lt3A_243 = arith.constant 0 : i32
      %lt3A_244 = arith.cmpi slt, %rem3A_240, %lt3A_243 : i32
      %lt3A_245 = arith.constant 0 : i32
      %lt3A_246 = arith.cmpi slt, %select_n3A_239, %lt3A_245 : i32
      %ne3A_247 = arith.xori %lt3A_244, %lt3A_246 : i1
      %and3A_248 = arith.andi %ne3A_247, %ne3A_242 : i1
      %add3A_249 = arith.addi %rem3A_240, %select_n3A_239 : i32
      %select_n3A_250 = arith.select %and3A_248, %add3A_249, %rem3A_240 : i32
      %eq3A_251 = arith.cmpi eq, %select_n3A_250, %arg0 : i32
      %convert_element_type3A_252 = arith.extui %eq3A_251 : i1 to i32
      %cond3A_253 = arith.constant 0 : i32
      %cond3A_254 = arith.cmpi ne, %convert_element_type3A_252, %cond3A_253 : i32
      scf.if %cond3A_254 {
        %scan3A_295 = arith.constant 0 : i32
        %scan3A_296 = arith.constant 8 : i32
        %scan3A_297 = arith.addi %scan3A_295, %scan3A_296 : i32
        %scan3A_298 = arith.constant 1 : i32
        scf.for %scan3A_300 = %scan3A_295 to %scan3A_297 step %scan3A_298  : i32 {
          %mul3A_301 = arith.constant 1 : i32
          %mul3A_302 = arith.muli %scan3A_300, %mul3A_301 : i32
          %add3A_303 = arith.constant 0 : i32
          %add3A_304 = arith.addi %add3A_303, %mul3A_302 : i32
          %iota3A = tpu.iota {dimensions = array<i32: 0>} : vector<16xi32>
          %mul3A_305 = arith.constant 16 : i32
          %mul3A_306 = arith.muli %add3A_304, %mul3A_305 : i32
          %add3A_307 = vector.broadcast %mul3A_306 : i32 to vector<16xi32>
          %add3A_308 = arith.addi %iota3A, %add3A_307 : vector<16xi32>
          %broadcast_in_dim3A = arith.constant 0 : i32
          %broadcast_in_dim3A_309 = vector.broadcast %broadcast_in_dim3A : i32 to vector<16xi32>
          %broadcast_in_dim3A_310 = arith.constant 1 : i32
          %broadcast_in_dim3A_311 = vector.broadcast %broadcast_in_dim3A_310 : i32 to vector<16xi32>
          %broadcast_in_dim3A_312 = arith.constant 2 : i32
          %broadcast_in_dim3A_313 = vector.broadcast %broadcast_in_dim3A_312 : i32 to vector<16xi32>
          %gather3A = tpu.vector_load_idx %arg17[%add3A_308, %broadcast_in_dim3A_309] : memref<128x8xf32, #tpu.memory_space<vmem>>[vector<16xi32>, vector<16xi32>], vector<16xf32>,
          %gather3A_314 = tpu.vector_load_idx %arg16[%add3A_308, %broadcast_in_dim3A_309] : memref<128x8xf32, #tpu.memory_space<vmem>>[vector<16xi32>, vector<16xi32>], vector<16xf32>,
          %sub3A_315 = arith.subf %gather3A, %gather3A_314 : vector<16xf32>
          %gather3A_316 = tpu.vector_load_idx %arg17[%add3A_308, %broadcast_in_dim3A_311] : memref<128x8xf32, #tpu.memory_space<vmem>>[vector<16xi32>, vector<16xi32>], vector<16xf32>,
          %gather3A_317 = tpu.vector_load_idx %arg16[%add3A_308, %broadcast_in_dim3A_311] : memref<128x8xf32, #tpu.memory_space<vmem>>[vector<16xi32>, vector<16xi32>], vector<16xf32>,
          %sub3A_318 = arith.subf %gather3A_316, %gather3A_317 : vector<16xf32>
          %gather3A_319 = tpu.vector_load_idx %arg17[%add3A_308, %broadcast_in_dim3A_313] : memref<128x8xf32, #tpu.memory_space<vmem>>[vector<16xi32>, vector<16xi32>], vector<16xf32>,
          %gather3A_320 = tpu.vector_load_idx %arg16[%add3A_308, %broadcast_in_dim3A_313] : memref<128x8xf32, #tpu.memory_space<vmem>>[vector<16xi32>, vector<16xi32>], vector<16xf32>,
          %sub3A_321 = arith.subf %gather3A_319, %gather3A_320 : vector<16xf32>
          %mul3A_322 = arith.mulf %sub3A_315, %sub3A_315 : vector<16xf32>
          %mul3A_323 = arith.mulf %sub3A_318, %sub3A_318 : vector<16xf32>
          %add3A_324 = arith.addf %mul3A_322, %mul3A_323 : vector<16xf32>
          %mul3A_325 = arith.mulf %sub3A_321, %sub3A_321 : vector<16xf32>
          %add3A_326 = arith.addf %add3A_324, %mul3A_325 : vector<16xf32>
          %max3A = arith.constant 1.000000e-30 : f32
          %max3A_327 = vector.broadcast %max3A : f32 to vector<16xf32>
          %max3A_328 = arith.maximumf %add3A_326, %max3A_327 : vector<16xf32>
          %bitcast3A = vector.bitcast %max3A_328 : vector<16xf32> to vector<16xi32>
          %shift_right_arithmetic3A = arith.constant 1 : i32
          %shift_right_arithmetic3A_329 = vector.broadcast %shift_right_arithmetic3A : i32 to vector<16xi32>
          %shift_right_arithmetic3A_330 = arith.shrsi %bitcast3A, %shift_right_arithmetic3A_329 : vector<16xi32>
          %sub3A_331 = arith.constant 1597463007 : i32
          %sub3A_332 = vector.broadcast %sub3A_331 : i32 to vector<16xi32>
          %sub3A_333 = arith.subi %sub3A_332, %shift_right_arithmetic3A_330 : vector<16xi32>
          %bitcast3A_334 = vector.bitcast %sub3A_333 : vector<16xi32> to vector<16xf32>
          %mul3A_335 = arith.constant 5.000000e-01 : f32
          %mul3A_336 = vector.broadcast %mul3A_335 : f32 to vector<16xf32>
          %mul3A_337 = arith.mulf %mul3A_336, %max3A_328 : vector<16xf32>
          %mul3A_338 = arith.mulf %mul3A_337, %bitcast3A_334 : vector<16xf32>
          %mul3A_339 = arith.mulf %mul3A_338, %bitcast3A_334 : vector<16xf32>
          %sub3A_340 = arith.constant 1.500000e+00 : f32
          %sub3A_341 = vector.broadcast %sub3A_340 : f32 to vector<16xf32>
          %sub3A_342 = arith.subf %sub3A_341, %mul3A_339 : vector<16xf32>
          %mul3A_343 = arith.mulf %bitcast3A_334, %sub3A_342 : vector<16xf32>
          %mul3A_344 = arith.constant 5.000000e-01 : f32
          %mul3A_345 = vector.broadcast %mul3A_344 : f32 to vector<16xf32>
          %mul3A_346 = arith.mulf %mul3A_345, %max3A_328 : vector<16xf32>
          %mul3A_347 = arith.mulf %mul3A_346, %mul3A_343 : vector<16xf32>
          %mul3A_348 = arith.mulf %mul3A_347, %mul3A_343 : vector<16xf32>
          %sub3A_349 = arith.constant 1.500000e+00 : f32
          %sub3A_350 = vector.broadcast %sub3A_349 : f32 to vector<16xf32>
          %sub3A_351 = arith.subf %sub3A_350, %mul3A_348 : vector<16xf32>
          %mul3A_352 = arith.mulf %mul3A_343, %sub3A_351 : vector<16xf32>
          %mul3A_353 = arith.constant 5.000000e-01 : f32
          %mul3A_354 = vector.broadcast %mul3A_353 : f32 to vector<16xf32>
          %mul3A_355 = arith.mulf %mul3A_354, %max3A_328 : vector<16xf32>
          %mul3A_356 = arith.mulf %mul3A_355, %mul3A_352 : vector<16xf32>
          %mul3A_357 = arith.mulf %mul3A_356, %mul3A_352 : vector<16xf32>
          %sub3A_358 = arith.constant 1.500000e+00 : f32
          %sub3A_359 = vector.broadcast %sub3A_358 : f32 to vector<16xf32>
          %sub3A_360 = arith.subf %sub3A_359, %mul3A_357 : vector<16xf32>
          %mul3A_361 = arith.mulf %mul3A_352, %sub3A_360 : vector<16xf32>
          %mul3A_362 = arith.mulf %add3A_326, %mul3A_361 : vector<16xf32>
          %broadcast_in_dim3A_363 = arith.constant 4 : i32
          %broadcast_in_dim3A_364 = vector.broadcast %broadcast_in_dim3A_363 : i32 to vector<16xi32>
          tpu.vector_store_idx %arg16[%add3A_308, %broadcast_in_dim3A_364], %mul3A_362 : memref<128x8xf32, #tpu.memory_space<vmem>>[vector<16xi32>, vector<16xi32>], vector<16xf32>,
        }
        %scan3A_299 = arith.constant 8 : i32
      } else {
      }
      %scan3A = arith.constant 0 : i32
      %scan3A_255 = arith.constant 8 : i32
      %scan3A_256 = arith.addi %scan3A, %scan3A_255 : i32
      %scan3A_257 = arith.constant 1 : i32
      scf.for %scan3A_295 = %scan3A to %scan3A_256 step %scan3A_257  : i32 {
        %mul3A_296 = arith.constant 1 : i32
        %mul3A_297 = arith.muli %scan3A_295, %mul3A_296 : i32
        %add3A_298 = arith.constant 0 : i32
        %add3A_299 = arith.addi %add3A_298, %mul3A_297 : i32
        %mul3A_300 = arith.constant 16 : i32
        %mul3A_301 = arith.muli %add3A_299, %mul3A_300 : i32
        %get3A = arith.index_cast %mul3A_301 : i32 to index
        %get3A_302 = tpu.vector_load %arg14[%get3A] {strides = array<i32>} : memref<128xi32, #tpu.memory_space<vmem>>, vector<16xi32>,
        %swap3A = arith.index_cast %mul3A_301 : i32 to index
        %swap3A_303 = tpu.vector_load %arg20[%swap3A] {strides = array<i32>} : memref<128xi32, #tpu.memory_space<vmem>>, vector<16xi32>,
        tpu.vector_store %arg20[%swap3A], %get3A_302 {strides = array<i32>} : memref<128xi32, #tpu.memory_space<vmem>>, vector<16xi32>,
      }
      %scan3A_258 = arith.constant 8 : i32
      %dma_start3A = arith.constant 0 : i32
      %dma_start3A_259 = arith.constant 0 : i32
      %dma_start3A_260 = tpu.memref_slice %arg31[%dma_start3A, %dma_start3A_259] : memref<10112x128xf32, #tpu.memory_space<vmem_shared>> -> memref<10112x128xf32, #tpu.memory_space<vmem_shared>>
      tpu.enqueue_indirect_dma source(%arg15 : memref<128x128xf32, #tpu.memory_space<vmem>>) target(%dma_start3A_260 : memref<10112x128xf32, #tpu.memory_space<vmem_shared>>) offsets(%arg20 : memref<128xi32, #tpu.memory_space<vmem>>) semaphore(%arg21 : memref<!tpu.dma_semaphore, #tpu.memory_space<semaphore_mem>>) {add = true}
      %jit3A_261 = arith.constant 2 : i32
      %eq3A_262 = arith.constant 0 : i32
      %eq3A_263 = arith.cmpi eq, %jit3A_261, %eq3A_262 : i32
      %jit3A_264 = arith.constant 1 : i32
      %select_n3A_265 = arith.select %eq3A_263, %jit3A_264, %jit3A_261 : i32
      %rem3A_266 = arith.remsi %mul3A_198, %select_n3A_265 : i32
      %ne3A_267 = arith.constant 0 : i32
      %ne3A_268 = arith.cmpi ne, %rem3A_266, %ne3A_267 : i32
      %lt3A_269 = arith.constant 0 : i32
      %lt3A_270 = arith.cmpi slt, %rem3A_266, %lt3A_269 : i32
      %lt3A_271 = arith.constant 0 : i32
      %lt3A_272 = arith.cmpi slt, %select_n3A_265, %lt3A_271 : i32
      %ne3A_273 = arith.xori %lt3A_270, %lt3A_272 : i1
      %and3A_274 = arith.andi %ne3A_273, %ne3A_268 : i1
      %add3A_275 = arith.addi %rem3A_266, %select_n3A_265 : i32
      %select_n3A_276 = arith.select %and3A_274, %add3A_275, %rem3A_266 : i32
      %eq3A_277 = arith.cmpi eq, %select_n3A_276, %arg0 : i32
      %convert_element_type3A_278 = arith.extui %eq3A_277 : i1 to i32
      %cond3A_279 = arith.constant 0 : i32
      %cond3A_280 = arith.cmpi ne, %convert_element_type3A_278, %cond3A_279 : i32
      scf.if %cond3A_280 {
        %dma_start3A_295 = arith.constant 0 : i32
        %dma_start3A_296 = arith.constant 0 : i32
        %dma_start3A_297 = tpu.memref_slice %arg32[%dma_start3A_295, %dma_start3A_296] : memref<10112x8xf32, #tpu.memory_space<vmem_shared>> -> memref<10112x8xf32, #tpu.memory_space<vmem_shared>>
        tpu.enqueue_indirect_dma source(%arg16 : memref<128x8xf32, #tpu.memory_space<vmem>>) target(%dma_start3A_297 : memref<10112x8xf32, #tpu.memory_space<vmem_shared>>) offsets(%arg20 : memref<128xi32, #tpu.memory_space<vmem>>) semaphore(%arg21 : memref<!tpu.dma_semaphore, #tpu.memory_space<semaphore_mem>>) {add = true}
      } else {
      }
      %add3A_281 = arith.constant 2 : i32
      %add3A_282 = arith.addi %mul3A_198, %add3A_281 : i32
      %lt3A_283 = arith.cmpi slt, %add3A_282, %select_n3A : i32
      %convert_element_type3A_284 = arith.extui %lt3A_283 : i1 to i32
      %cond3A_285 = arith.constant 0 : i32
      %cond3A_286 = arith.cmpi ne, %convert_element_type3A_284, %cond3A_285 : i32
      scf.if %cond3A_286 {
        %add3A_295 = arith.constant 2 : i32
        %add3A_296 = arith.addi %mul3A_198, %add3A_295 : i32
        %mul3A_297 = arith.constant 16 : i32
        %mul3A_298 = arith.muli %add3A_296, %mul3A_297 : i32
        %add3A_299 = arith.addi %arg1, %mul3A_298 : i32
        %mul3A_300 = arith.constant 128 : i32
        %mul3A_301 = arith.muli %add3A_299, %mul3A_300 : i32
        %dma_start3A_302 = tpu.memref_slice %arg2[%mul3A_301] : memref<160000xi32, #tpu.memory_space<hbm>> -> memref<128xi32, #tpu.memory_space<hbm>>
        %dma_start3A_303 = tpu.memref_slice %arg2[%mul3A_301] : memref<160000xi32, #tpu.memory_space<hbm>> -> memref<128xi32, #tpu.memory_space<hbm>>
        tpu.enqueue_dma source(%dma_start3A_303 : memref<128xi32, #tpu.memory_space<hbm>>) target(%arg13 : memref<128xi32, #tpu.memory_space<vmem>>) target_semaphore(%arg19 : memref<!tpu.dma_semaphore, #tpu.memory_space<semaphore_mem>>)
        %dma_start3A_304 = tpu.memref_slice %arg3[%mul3A_301] : memref<160000xi32, #tpu.memory_space<hbm>> -> memref<128xi32, #tpu.memory_space<hbm>>
        %dma_start3A_305 = tpu.memref_slice %arg3[%mul3A_301] : memref<160000xi32, #tpu.memory_space<hbm>> -> memref<128xi32, #tpu.memory_space<hbm>>
        tpu.enqueue_dma source(%dma_start3A_305 : memref<128xi32, #tpu.memory_space<hbm>>) target(%arg14 : memref<128xi32, #tpu.memory_space<vmem>>) target_semaphore(%arg19 : memref<!tpu.dma_semaphore, #tpu.memory_space<semaphore_mem>>)
      } else {
      }
      %mul3A_287 = arith.constant 2 : i32
      %mul3A_288 = arith.muli %mul3A_287, %add3A_196 : i32
      %add3A_289 = arith.constant 1 : i32
      %add3A_290 = arith.addi %mul3A_288, %add3A_289 : i32
      %lt3A_291 = arith.cmpi slt, %add3A_290, %select_n3A : i32
      %convert_element_type3A_292 = arith.extui %lt3A_291 : i1 to i32
      %cond3A_293 = arith.constant 0 : i32
      %cond3A_294 = arith.cmpi ne, %convert_element_type3A_292, %cond3A_293 : i32
      scf.if %cond3A_294 {
        %mul3A_295 = arith.constant 2 : i32
        %mul3A_296 = arith.muli %mul3A_295, %add3A_196 : i32
        %add3A_297 = arith.constant 1 : i32
        %add3A_298 = arith.addi %mul3A_296, %add3A_297 : i32
        %add3A_299 = arith.constant 1 : i32
        %add3A_300 = arith.addi %add3A_298, %add3A_299 : i32
        %lt3A_301 = arith.cmpi slt, %add3A_300, %select_n3A : i32
        %convert_element_type3A_302 = arith.extui %lt3A_301 : i1 to i32
        %cond3A_303 = arith.constant 0 : i32
        %cond3A_304 = arith.cmpi ne, %convert_element_type3A_302, %cond3A_303 : i32
        scf.if %cond3A_304 {
          %ge3A_389 = arith.constant 1 : i32
          %ge3A_390 = arith.cmpi sge, %add3A_298, %ge3A_389 : i32
          %convert_element_type3A_391 = arith.extui %ge3A_390 : i1 to i32
          %cond3A_392 = arith.constant 0 : i32
          %cond3A_393 = arith.cmpi ne, %convert_element_type3A_391, %cond3A_392 : i32
          scf.if %cond3A_393 {
            %sub3A_436 = arith.constant 1 : i32
            %sub3A_437 = arith.subi %add3A_298, %sub3A_436 : i32
            %dma_wait3A_438 = arith.constant 0 : i32
            %dma_wait3A_439 = arith.constant 0 : i32
            %dma_wait3A_440 = tpu.memref_slice %arg31[%dma_wait3A_438, %dma_wait3A_439] : memref<10112x128xf32, #tpu.memory_space<vmem_shared>> -> memref<10112x128xf32, #tpu.memory_space<vmem_shared>>
            tpu.wait_indirect_dma semaphore(%arg21 : memref<!tpu.dma_semaphore, #tpu.memory_space<semaphore_mem>>) src(%arg15 : memref<128x128xf32, #tpu.memory_space<vmem>>) dst(%dma_wait3A_440 : memref<10112x128xf32, #tpu.memory_space<vmem_shared>>)
            %jit3A_441 = arith.constant 2 : i32
            %eq3A_442 = arith.constant 0 : i32
            %eq3A_443 = arith.cmpi eq, %jit3A_441, %eq3A_442 : i32
            %jit3A_444 = arith.constant 1 : i32
            %select_n3A_445 = arith.select %eq3A_443, %jit3A_444, %jit3A_441 : i32
            %rem3A_446 = arith.remsi %sub3A_437, %select_n3A_445 : i32
            %ne3A_447 = arith.constant 0 : i32
            %ne3A_448 = arith.cmpi ne, %rem3A_446, %ne3A_447 : i32
            %lt3A_449 = arith.constant 0 : i32
            %lt3A_450 = arith.cmpi slt, %rem3A_446, %lt3A_449 : i32
            %lt3A_451 = arith.constant 0 : i32
            %lt3A_452 = arith.cmpi slt, %select_n3A_445, %lt3A_451 : i32
            %ne3A_453 = arith.xori %lt3A_450, %lt3A_452 : i1
            %and3A_454 = arith.andi %ne3A_453, %ne3A_448 : i1
            %add3A_455 = arith.addi %rem3A_446, %select_n3A_445 : i32
            %select_n3A_456 = arith.select %and3A_454, %add3A_455, %rem3A_446 : i32
            %eq3A_457 = arith.cmpi eq, %select_n3A_456, %arg0 : i32
            %convert_element_type3A_458 = arith.extui %eq3A_457 : i1 to i32
            %cond3A_459 = arith.constant 0 : i32
            %cond3A_460 = arith.cmpi ne, %convert_element_type3A_458, %cond3A_459 : i32
            scf.if %cond3A_460 {
              %dma_wait3A_461 = arith.constant 0 : i32
              %dma_wait3A_462 = arith.constant 0 : i32
              %dma_wait3A_463 = tpu.memref_slice %arg32[%dma_wait3A_461, %dma_wait3A_462] : memref<10112x8xf32, #tpu.memory_space<vmem_shared>> -> memref<10112x8xf32, #tpu.memory_space<vmem_shared>>
              tpu.wait_indirect_dma semaphore(%arg21 : memref<!tpu.dma_semaphore, #tpu.memory_space<semaphore_mem>>) src(%arg16 : memref<128x8xf32, #tpu.memory_space<vmem>>) dst(%dma_wait3A_463 : memref<10112x8xf32, #tpu.memory_space<vmem_shared>>)
            } else {
            }
          } else {
          }
          %add3A_394 = arith.constant 1 : i32
          %add3A_395 = arith.addi %add3A_298, %add3A_394 : i32
          %mul3A_396 = arith.constant 16 : i32
          %mul3A_397 = arith.muli %add3A_395, %mul3A_396 : i32
          %add3A_398 = arith.addi %arg1, %mul3A_397 : i32
          %mul3A_399 = arith.constant 128 : i32
          %mul3A_400 = arith.muli %add3A_398, %mul3A_399 : i32
          %dma_wait3A = tpu.memref_slice %arg2[%mul3A_400] : memref<160000xi32, #tpu.memory_space<hbm>> -> memref<128xi32, #tpu.memory_space<hbm>>
          %dma_wait3A_401 = tpu.memref_slice %arg2[%mul3A_400] : memref<160000xi32, #tpu.memory_space<hbm>> -> memref<128xi32, #tpu.memory_space<hbm>>
          tpu.wait_dma2 semaphore(%arg19 : memref<!tpu.dma_semaphore, #tpu.memory_space<semaphore_mem>>) src(%dma_wait3A_401 : memref<128xi32, #tpu.memory_space<hbm>>) dst(%arg13 : memref<128xi32, #tpu.memory_space<vmem>>)
          %dma_wait3A_402 = tpu.memref_slice %arg3[%mul3A_400] : memref<160000xi32, #tpu.memory_space<hbm>> -> memref<128xi32, #tpu.memory_space<hbm>>
          %dma_wait3A_403 = tpu.memref_slice %arg3[%mul3A_400] : memref<160000xi32, #tpu.memory_space<hbm>> -> memref<128xi32, #tpu.memory_space<hbm>>
          tpu.wait_dma2 semaphore(%arg19 : memref<!tpu.dma_semaphore, #tpu.memory_space<semaphore_mem>>) src(%dma_wait3A_403 : memref<128xi32, #tpu.memory_space<hbm>>) dst(%arg14 : memref<128xi32, #tpu.memory_space<vmem>>)
          %add3A_404 = arith.constant 1 : i32
          %add3A_405 = arith.addi %add3A_298, %add3A_404 : i32
          %eq3A_406 = arith.constant 0 : i32
          %eq3A_407 = arith.cmpi eq, %arg0, %eq3A_406 : i32
          %convert_element_type3A_408 = arith.extui %eq3A_407 : i1 to i32
          %cond3A_409 = arith.constant 0 : i32
          %cond3A_410 = arith.cmpi ne, %convert_element_type3A_408, %cond3A_409 : i32
          scf.if %cond3A_410 {
            %dma_start3A_436 = arith.constant 0 : i32
            %dma_start3A_437 = arith.constant 0 : i32
            %dma_start3A_438 = tpu.memref_slice %arg4[%dma_start3A_436, %dma_start3A_437] : memref<10000x128xf32, #tpu.memory_space<hbm>> -> memref<10000x128xf32, #tpu.memory_space<hbm>>
            tpu.enqueue_indirect_dma source(%dma_start3A_438 : memref<10000x128xf32, #tpu.memory_space<hbm>>) target(%arg15 : memref<128x128xf32, #tpu.memory_space<vmem>>) offsets(%arg13 : memref<128xi32, #tpu.memory_space<vmem>>) semaphore(%arg18 : memref<!tpu.dma_semaphore, #tpu.memory_space<semaphore_mem>>)
          } else {
          }
          %eq3A_411 = arith.constant 1 : i32
          %eq3A_412 = arith.cmpi eq, %arg0, %eq3A_411 : i32
          %convert_element_type3A_413 = arith.extui %eq3A_412 : i1 to i32
          %cond3A_414 = arith.constant 0 : i32
          %cond3A_415 = arith.cmpi ne, %convert_element_type3A_413, %cond3A_414 : i32
          scf.if %cond3A_415 {
            %dma_start3A_436 = arith.constant 0 : i32
            %dma_start3A_437 = arith.constant 0 : i32
            %dma_start3A_438 = tpu.memref_slice %arg5[%dma_start3A_436, %dma_start3A_437] : memref<10000x128xf32, #tpu.memory_space<hbm>> -> memref<10000x128xf32, #tpu.memory_space<hbm>>
            tpu.enqueue_indirect_dma source(%dma_start3A_438 : memref<10000x128xf32, #tpu.memory_space<hbm>>) target(%arg15 : memref<128x128xf32, #tpu.memory_space<vmem>>) offsets(%arg13 : memref<128xi32, #tpu.memory_space<vmem>>) semaphore(%arg18 : memref<!tpu.dma_semaphore, #tpu.memory_space<semaphore_mem>>)
          } else {
          }
          %jit3A_416 = arith.constant 2 : i32
          %eq3A_417 = arith.constant 0 : i32
          %eq3A_418 = arith.cmpi eq, %jit3A_416, %eq3A_417 : i32
          %jit3A_419 = arith.constant 1 : i32
          %select_n3A_420 = arith.select %eq3A_418, %jit3A_419, %jit3A_416 : i32
          %rem3A_421 = arith.remsi %add3A_405, %select_n3A_420 : i32
          %ne3A_422 = arith.constant 0 : i32
          %ne3A_423 = arith.cmpi ne, %rem3A_421, %ne3A_422 : i32
          %lt3A_424 = arith.constant 0 : i32
          %lt3A_425 = arith.cmpi slt, %rem3A_421, %lt3A_424 : i32
          %lt3A_426 = arith.constant 0 : i32
          %lt3A_427 = arith.cmpi slt, %select_n3A_420, %lt3A_426 : i32
          %ne3A_428 = arith.xori %lt3A_425, %lt3A_427 : i1
          %and3A_429 = arith.andi %ne3A_428, %ne3A_423 : i1
          %add3A_430 = arith.addi %rem3A_421, %select_n3A_420 : i32
          %select_n3A_431 = arith.select %and3A_429, %add3A_430, %rem3A_421 : i32
          %eq3A_432 = arith.cmpi eq, %select_n3A_431, %arg0 : i32
          %convert_element_type3A_433 = arith.extui %eq3A_432 : i1 to i32
          %cond3A_434 = arith.constant 0 : i32
          %cond3A_435 = arith.cmpi ne, %convert_element_type3A_433, %cond3A_434 : i32
          scf.if %cond3A_435 {
            %dma_start3A_436 = arith.constant 0 : i32
            %dma_start3A_437 = arith.constant 0 : i32
            %dma_start3A_438 = tpu.memref_slice %arg6[%dma_start3A_436, %dma_start3A_437] : memref<10000x8xf32, #tpu.memory_space<hbm>> -> memref<10000x8xf32, #tpu.memory_space<hbm>>
            tpu.enqueue_indirect_dma source(%dma_start3A_438 : memref<10000x8xf32, #tpu.memory_space<hbm>>) target(%arg16 : memref<128x8xf32, #tpu.memory_space<vmem>>) offsets(%arg13 : memref<128xi32, #tpu.memory_space<vmem>>) semaphore(%arg18 : memref<!tpu.dma_semaphore, #tpu.memory_space<semaphore_mem>>)
            %dma_start3A_439 = arith.constant 0 : i32
            %dma_start3A_440 = arith.constant 0 : i32
            %dma_start3A_441 = tpu.memref_slice %arg6[%dma_start3A_439, %dma_start3A_440] : memref<10000x8xf32, #tpu.memory_space<hbm>> -> memref<10000x8xf32, #tpu.memory_space<hbm>>
            tpu.enqueue_indirect_dma source(%dma_start3A_441 : memref<10000x8xf32, #tpu.memory_space<hbm>>) target(%arg17 : memref<128x8xf32, #tpu.memory_space<vmem>>) offsets(%arg14 : memref<128xi32, #tpu.memory_space<vmem>>) semaphore(%arg18 : memref<!tpu.dma_semaphore, #tpu.memory_space<semaphore_mem>>)
          } else {
          }
        } else {
        }
        %eq3A_305 = arith.constant 0 : i32
        %eq3A_306 = arith.cmpi eq, %arg0, %eq3A_305 : i32
        %convert_element_type3A_307 = arith.extui %eq3A_306 : i1 to i32
        %cond3A_308 = arith.constant 0 : i32
        %cond3A_309 = arith.cmpi ne, %convert_element_type3A_307, %cond3A_308 : i32
        scf.if %cond3A_309 {
          %dma_wait3A = arith.constant 0 : i32
          %dma_wait3A_389 = arith.constant 0 : i32
          %dma_wait3A_390 = tpu.memref_slice %arg4[%dma_wait3A, %dma_wait3A_389] : memref<10000x128xf32, #tpu.memory_space<hbm>> -> memref<10000x128xf32, #tpu.memory_space<hbm>>
          tpu.wait_indirect_dma semaphore(%arg27 : memref<!tpu.dma_semaphore, #tpu.memory_space<semaphore_mem>>) src(%dma_wait3A_390 : memref<10000x128xf32, #tpu.memory_space<hbm>>) dst(%arg24 : memref<128x128xf32, #tpu.memory_space<vmem>>)
        } else {
        }
        %eq3A_310 = arith.constant 1 : i32
        %eq3A_311 = arith.cmpi eq, %arg0, %eq3A_310 : i32
        %convert_element_type3A_312 = arith.extui %eq3A_311 : i1 to i32
        %cond3A_313 = arith.constant 0 : i32
        %cond3A_314 = arith.cmpi ne, %convert_element_type3A_312, %cond3A_313 : i32
        scf.if %cond3A_314 {
          %dma_wait3A = arith.constant 0 : i32
          %dma_wait3A_389 = arith.constant 0 : i32
          %dma_wait3A_390 = tpu.memref_slice %arg5[%dma_wait3A, %dma_wait3A_389] : memref<10000x128xf32, #tpu.memory_space<hbm>> -> memref<10000x128xf32, #tpu.memory_space<hbm>>
          tpu.wait_indirect_dma semaphore(%arg27 : memref<!tpu.dma_semaphore, #tpu.memory_space<semaphore_mem>>) src(%dma_wait3A_390 : memref<10000x128xf32, #tpu.memory_space<hbm>>) dst(%arg24 : memref<128x128xf32, #tpu.memory_space<vmem>>)
        } else {
        }
        %jit3A_315 = arith.constant 2 : i32
        %eq3A_316 = arith.constant 0 : i32
        %eq3A_317 = arith.cmpi eq, %jit3A_315, %eq3A_316 : i32
        %jit3A_318 = arith.constant 1 : i32
        %select_n3A_319 = arith.select %eq3A_317, %jit3A_318, %jit3A_315 : i32
        %rem3A_320 = arith.remsi %add3A_298, %select_n3A_319 : i32
        %ne3A_321 = arith.constant 0 : i32
        %ne3A_322 = arith.cmpi ne, %rem3A_320, %ne3A_321 : i32
        %lt3A_323 = arith.constant 0 : i32
        %lt3A_324 = arith.cmpi slt, %rem3A_320, %lt3A_323 : i32
        %lt3A_325 = arith.constant 0 : i32
        %lt3A_326 = arith.cmpi slt, %select_n3A_319, %lt3A_325 : i32
        %ne3A_327 = arith.xori %lt3A_324, %lt3A_326 : i1
        %and3A_328 = arith.andi %ne3A_327, %ne3A_322 : i1
        %add3A_329 = arith.addi %rem3A_320, %select_n3A_319 : i32
        %select_n3A_330 = arith.select %and3A_328, %add3A_329, %rem3A_320 : i32
        %eq3A_331 = arith.cmpi eq, %select_n3A_330, %arg0 : i32
        %convert_element_type3A_332 = arith.extui %eq3A_331 : i1 to i32
        %cond3A_333 = arith.constant 0 : i32
        %cond3A_334 = arith.cmpi ne, %convert_element_type3A_332, %cond3A_333 : i32
        scf.if %cond3A_334 {
          %dma_wait3A = arith.constant 0 : i32
          %dma_wait3A_389 = arith.constant 0 : i32
          %dma_wait3A_390 = tpu.memref_slice %arg6[%dma_wait3A, %dma_wait3A_389] : memref<10000x8xf32, #tpu.memory_space<hbm>> -> memref<10000x8xf32, #tpu.memory_space<hbm>>
          tpu.wait_indirect_dma semaphore(%arg27 : memref<!tpu.dma_semaphore, #tpu.memory_space<semaphore_mem>>) src(%dma_wait3A_390 : memref<10000x8xf32, #tpu.memory_space<hbm>>) dst(%arg25 : memref<128x8xf32, #tpu.memory_space<vmem>>)
          %dma_wait3A_391 = arith.constant 0 : i32
          %dma_wait3A_392 = arith.constant 0 : i32
          %dma_wait3A_393 = tpu.memref_slice %arg6[%dma_wait3A_391, %dma_wait3A_392] : memref<10000x8xf32, #tpu.memory_space<hbm>> -> memref<10000x8xf32, #tpu.memory_space<hbm>>
          tpu.wait_indirect_dma semaphore(%arg27 : memref<!tpu.dma_semaphore, #tpu.memory_space<semaphore_mem>>) src(%dma_wait3A_393 : memref<10000x8xf32, #tpu.memory_space<hbm>>) dst(%arg26 : memref<128x8xf32, #tpu.memory_space<vmem>>)
        } else {
        }
        %jit3A_335 = arith.constant 2 : i32
        %eq3A_336 = arith.constant 0 : i32
        %eq3A_337 = arith.cmpi eq, %jit3A_335, %eq3A_336 : i32
        %jit3A_338 = arith.constant 1 : i32
        %select_n3A_339 = arith.select %eq3A_337, %jit3A_338, %jit3A_335 : i32
        %rem3A_340 = arith.remsi %add3A_298, %select_n3A_339 : i32
        %ne3A_341 = arith.constant 0 : i32
        %ne3A_342 = arith.cmpi ne, %rem3A_340, %ne3A_341 : i32
        %lt3A_343 = arith.constant 0 : i32
        %lt3A_344 = arith.cmpi slt, %rem3A_340, %lt3A_343 : i32
        %lt3A_345 = arith.constant 0 : i32
        %lt3A_346 = arith.cmpi slt, %select_n3A_339, %lt3A_345 : i32
        %ne3A_347 = arith.xori %lt3A_344, %lt3A_346 : i1
        %and3A_348 = arith.andi %ne3A_347, %ne3A_342 : i1
        %add3A_349 = arith.addi %rem3A_340, %select_n3A_339 : i32
        %select_n3A_350 = arith.select %and3A_348, %add3A_349, %rem3A_340 : i32
        %eq3A_351 = arith.cmpi eq, %select_n3A_350, %arg0 : i32
        %convert_element_type3A_352 = arith.extui %eq3A_351 : i1 to i32
        %cond3A_353 = arith.constant 0 : i32
        %cond3A_354 = arith.cmpi ne, %convert_element_type3A_352, %cond3A_353 : i32
        scf.if %cond3A_354 {
          %scan3A_389 = arith.constant 0 : i32
          %scan3A_390 = arith.constant 8 : i32
          %scan3A_391 = arith.addi %scan3A_389, %scan3A_390 : i32
          %scan3A_392 = arith.constant 1 : i32
          scf.for %scan3A_394 = %scan3A_389 to %scan3A_391 step %scan3A_392  : i32 {
            %mul3A_395 = arith.constant 1 : i32
            %mul3A_396 = arith.muli %scan3A_394, %mul3A_395 : i32
            %add3A_397 = arith.constant 0 : i32
            %add3A_398 = arith.addi %add3A_397, %mul3A_396 : i32
            %iota3A = tpu.iota {dimensions = array<i32: 0>} : vector<16xi32>
            %mul3A_399 = arith.constant 16 : i32
            %mul3A_400 = arith.muli %add3A_398, %mul3A_399 : i32
            %add3A_401 = vector.broadcast %mul3A_400 : i32 to vector<16xi32>
            %add3A_402 = arith.addi %iota3A, %add3A_401 : vector<16xi32>
            %broadcast_in_dim3A = arith.constant 0 : i32
            %broadcast_in_dim3A_403 = vector.broadcast %broadcast_in_dim3A : i32 to vector<16xi32>
            %broadcast_in_dim3A_404 = arith.constant 1 : i32
            %broadcast_in_dim3A_405 = vector.broadcast %broadcast_in_dim3A_404 : i32 to vector<16xi32>
            %broadcast_in_dim3A_406 = arith.constant 2 : i32
            %broadcast_in_dim3A_407 = vector.broadcast %broadcast_in_dim3A_406 : i32 to vector<16xi32>
            %gather3A = tpu.vector_load_idx %arg26[%add3A_402, %broadcast_in_dim3A_403] : memref<128x8xf32, #tpu.memory_space<vmem>>[vector<16xi32>, vector<16xi32>], vector<16xf32>,
            %gather3A_408 = tpu.vector_load_idx %arg25[%add3A_402, %broadcast_in_dim3A_403] : memref<128x8xf32, #tpu.memory_space<vmem>>[vector<16xi32>, vector<16xi32>], vector<16xf32>,
            %sub3A_409 = arith.subf %gather3A, %gather3A_408 : vector<16xf32>
            %gather3A_410 = tpu.vector_load_idx %arg26[%add3A_402, %broadcast_in_dim3A_405] : memref<128x8xf32, #tpu.memory_space<vmem>>[vector<16xi32>, vector<16xi32>], vector<16xf32>,
            %gather3A_411 = tpu.vector_load_idx %arg25[%add3A_402, %broadcast_in_dim3A_405] : memref<128x8xf32, #tpu.memory_space<vmem>>[vector<16xi32>, vector<16xi32>], vector<16xf32>,
            %sub3A_412 = arith.subf %gather3A_410, %gather3A_411 : vector<16xf32>
            %gather3A_413 = tpu.vector_load_idx %arg26[%add3A_402, %broadcast_in_dim3A_407] : memref<128x8xf32, #tpu.memory_space<vmem>>[vector<16xi32>, vector<16xi32>], vector<16xf32>,
            %gather3A_414 = tpu.vector_load_idx %arg25[%add3A_402, %broadcast_in_dim3A_407] : memref<128x8xf32, #tpu.memory_space<vmem>>[vector<16xi32>, vector<16xi32>], vector<16xf32>,
            %sub3A_415 = arith.subf %gather3A_413, %gather3A_414 : vector<16xf32>
            %mul3A_416 = arith.mulf %sub3A_409, %sub3A_409 : vector<16xf32>
            %mul3A_417 = arith.mulf %sub3A_412, %sub3A_412 : vector<16xf32>
            %add3A_418 = arith.addf %mul3A_416, %mul3A_417 : vector<16xf32>
            %mul3A_419 = arith.mulf %sub3A_415, %sub3A_415 : vector<16xf32>
            %add3A_420 = arith.addf %add3A_418, %mul3A_419 : vector<16xf32>
            %max3A = arith.constant 1.000000e-30 : f32
            %max3A_421 = vector.broadcast %max3A : f32 to vector<16xf32>
            %max3A_422 = arith.maximumf %add3A_420, %max3A_421 : vector<16xf32>
            %bitcast3A = vector.bitcast %max3A_422 : vector<16xf32> to vector<16xi32>
            %shift_right_arithmetic3A = arith.constant 1 : i32
            %shift_right_arithmetic3A_423 = vector.broadcast %shift_right_arithmetic3A : i32 to vector<16xi32>
            %shift_right_arithmetic3A_424 = arith.shrsi %bitcast3A, %shift_right_arithmetic3A_423 : vector<16xi32>
            %sub3A_425 = arith.constant 1597463007 : i32
            %sub3A_426 = vector.broadcast %sub3A_425 : i32 to vector<16xi32>
            %sub3A_427 = arith.subi %sub3A_426, %shift_right_arithmetic3A_424 : vector<16xi32>
            %bitcast3A_428 = vector.bitcast %sub3A_427 : vector<16xi32> to vector<16xf32>
            %mul3A_429 = arith.constant 5.000000e-01 : f32
            %mul3A_430 = vector.broadcast %mul3A_429 : f32 to vector<16xf32>
            %mul3A_431 = arith.mulf %mul3A_430, %max3A_422 : vector<16xf32>
            %mul3A_432 = arith.mulf %mul3A_431, %bitcast3A_428 : vector<16xf32>
            %mul3A_433 = arith.mulf %mul3A_432, %bitcast3A_428 : vector<16xf32>
            %sub3A_434 = arith.constant 1.500000e+00 : f32
            %sub3A_435 = vector.broadcast %sub3A_434 : f32 to vector<16xf32>
            %sub3A_436 = arith.subf %sub3A_435, %mul3A_433 : vector<16xf32>
            %mul3A_437 = arith.mulf %bitcast3A_428, %sub3A_436 : vector<16xf32>
            %mul3A_438 = arith.constant 5.000000e-01 : f32
            %mul3A_439 = vector.broadcast %mul3A_438 : f32 to vector<16xf32>
            %mul3A_440 = arith.mulf %mul3A_439, %max3A_422 : vector<16xf32>
            %mul3A_441 = arith.mulf %mul3A_440, %mul3A_437 : vector<16xf32>
            %mul3A_442 = arith.mulf %mul3A_441, %mul3A_437 : vector<16xf32>
            %sub3A_443 = arith.constant 1.500000e+00 : f32
            %sub3A_444 = vector.broadcast %sub3A_443 : f32 to vector<16xf32>
            %sub3A_445 = arith.subf %sub3A_444, %mul3A_442 : vector<16xf32>
            %mul3A_446 = arith.mulf %mul3A_437, %sub3A_445 : vector<16xf32>
            %mul3A_447 = arith.constant 5.000000e-01 : f32
            %mul3A_448 = vector.broadcast %mul3A_447 : f32 to vector<16xf32>
            %mul3A_449 = arith.mulf %mul3A_448, %max3A_422 : vector<16xf32>
            %mul3A_450 = arith.mulf %mul3A_449, %mul3A_446 : vector<16xf32>
            %mul3A_451 = arith.mulf %mul3A_450, %mul3A_446 : vector<16xf32>
            %sub3A_452 = arith.constant 1.500000e+00 : f32
            %sub3A_453 = vector.broadcast %sub3A_452 : f32 to vector<16xf32>
            %sub3A_454 = arith.subf %sub3A_453, %mul3A_451 : vector<16xf32>
            %mul3A_455 = arith.mulf %mul3A_446, %sub3A_454 : vector<16xf32>
            %mul3A_456 = arith.mulf %add3A_420, %mul3A_455 : vector<16xf32>
            %broadcast_in_dim3A_457 = arith.constant 4 : i32
            %broadcast_in_dim3A_458 = vector.broadcast %broadcast_in_dim3A_457 : i32 to vector<16xi32>
            tpu.vector_store_idx %arg25[%add3A_402, %broadcast_in_dim3A_458], %mul3A_456 : memref<128x8xf32, #tpu.memory_space<vmem>>[vector<16xi32>, vector<16xi32>], vector<16xf32>,
          }
          %scan3A_393 = arith.constant 8 : i32
        } else {
        }
        %scan3A_355 = arith.constant 0 : i32
        %scan3A_356 = arith.constant 8 : i32
        %scan3A_357 = arith.addi %scan3A_355, %scan3A_356 : i32
        %scan3A_358 = arith.constant 1 : i32
        scf.for %scan3A_389 = %scan3A_355 to %scan3A_357 step %scan3A_358  : i32 {
          %mul3A_390 = arith.constant 1 : i32
          %mul3A_391 = arith.muli %scan3A_389, %mul3A_390 : i32
          %add3A_392 = arith.constant 0 : i32
          %add3A_393 = arith.addi %add3A_392, %mul3A_391 : i32
          %mul3A_394 = arith.constant 16 : i32
          %mul3A_395 = arith.muli %add3A_393, %mul3A_394 : i32
          %get3A = arith.index_cast %mul3A_395 : i32 to index
          %get3A_396 = tpu.vector_load %arg23[%get3A] {strides = array<i32>} : memref<128xi32, #tpu.memory_space<vmem>>, vector<16xi32>,
          %swap3A = arith.index_cast %mul3A_395 : i32 to index
          %swap3A_397 = tpu.vector_load %arg29[%swap3A] {strides = array<i32>} : memref<128xi32, #tpu.memory_space<vmem>>, vector<16xi32>,
          tpu.vector_store %arg29[%swap3A], %get3A_396 {strides = array<i32>} : memref<128xi32, #tpu.memory_space<vmem>>, vector<16xi32>,
        }
        %scan3A_359 = arith.constant 8 : i32
        %dma_start3A_360 = arith.constant 0 : i32
        %dma_start3A_361 = arith.constant 0 : i32
        %dma_start3A_362 = tpu.memref_slice %arg31[%dma_start3A_360, %dma_start3A_361] : memref<10112x128xf32, #tpu.memory_space<vmem_shared>> -> memref<10112x128xf32, #tpu.memory_space<vmem_shared>>
        tpu.enqueue_indirect_dma source(%arg24 : memref<128x128xf32, #tpu.memory_space<vmem>>) target(%dma_start3A_362 : memref<10112x128xf32, #tpu.memory_space<vmem_shared>>) offsets(%arg29 : memref<128xi32, #tpu.memory_space<vmem>>) semaphore(%arg30 : memref<!tpu.dma_semaphore, #tpu.memory_space<semaphore_mem>>) {add = true}
        %jit3A_363 = arith.constant 2 : i32
        %eq3A_364 = arith.constant 0 : i32
        %eq3A_365 = arith.cmpi eq, %jit3A_363, %eq3A_364 : i32
        %jit3A_366 = arith.constant 1 : i32
        %select_n3A_367 = arith.select %eq3A_365, %jit3A_366, %jit3A_363 : i32
        %rem3A_368 = arith.remsi %add3A_298, %select_n3A_367 : i32
        %ne3A_369 = arith.constant 0 : i32
        %ne3A_370 = arith.cmpi ne, %rem3A_368, %ne3A_369 : i32
        %lt3A_371 = arith.constant 0 : i32
        %lt3A_372 = arith.cmpi slt, %rem3A_368, %lt3A_371 : i32
        %lt3A_373 = arith.constant 0 : i32
        %lt3A_374 = arith.cmpi slt, %select_n3A_367, %lt3A_373 : i32
        %ne3A_375 = arith.xori %lt3A_372, %lt3A_374 : i1
        %and3A_376 = arith.andi %ne3A_375, %ne3A_370 : i1
        %add3A_377 = arith.addi %rem3A_368, %select_n3A_367 : i32
        %select_n3A_378 = arith.select %and3A_376, %add3A_377, %rem3A_368 : i32
        %eq3A_379 = arith.cmpi eq, %select_n3A_378, %arg0 : i32
        %convert_element_type3A_380 = arith.extui %eq3A_379 : i1 to i32
        %cond3A_381 = arith.constant 0 : i32
        %cond3A_382 = arith.cmpi ne, %convert_element_type3A_380, %cond3A_381 : i32
        scf.if %cond3A_382 {
          %dma_start3A_389 = arith.constant 0 : i32
          %dma_start3A_390 = arith.constant 0 : i32
          %dma_start3A_391 = tpu.memref_slice %arg32[%dma_start3A_389, %dma_start3A_390] : memref<10112x8xf32, #tpu.memory_space<vmem_shared>> -> memref<10112x8xf32, #tpu.memory_space<vmem_shared>>
          tpu.enqueue_indirect_dma source(%arg25 : memref<128x8xf32, #tpu.memory_space<vmem>>) target(%dma_start3A_391 : memref<10112x8xf32, #tpu.memory_space<vmem_shared>>) offsets(%arg29 : memref<128xi32, #tpu.memory_space<vmem>>) semaphore(%arg30 : memref<!tpu.dma_semaphore, #tpu.memory_space<semaphore_mem>>) {add = true}
        } else {
        }
        %add3A_383 = arith.constant 2 : i32
        %add3A_384 = arith.addi %add3A_298, %add3A_383 : i32
        %lt3A_385 = arith.cmpi slt, %add3A_384, %select_n3A : i32
        %convert_element_type3A_386 = arith.extui %lt3A_385 : i1 to i32
        %cond3A_387 = arith.constant 0 : i32
        %cond3A_388 = arith.cmpi ne, %convert_element_type3A_386, %cond3A_387 : i32
        scf.if %cond3A_388 {
          %add3A_389 = arith.constant 2 : i32
          %add3A_390 = arith.addi %add3A_298, %add3A_389 : i32
          %mul3A_391 = arith.constant 16 : i32
          %mul3A_392 = arith.muli %add3A_390, %mul3A_391 : i32
          %add3A_393 = arith.addi %arg1, %mul3A_392 : i32
          %mul3A_394 = arith.constant 128 : i32
          %mul3A_395 = arith.muli %add3A_393, %mul3A_394 : i32
          %dma_start3A_396 = tpu.memref_slice %arg2[%mul3A_395] : memref<160000xi32, #tpu.memory_space<hbm>> -> memref<128xi32, #tpu.memory_space<hbm>>
          %dma_start3A_397 = tpu.memref_slice %arg2[%mul3A_395] : memref<160000xi32, #tpu.memory_space<hbm>> -> memref<128xi32, #tpu.memory_space<hbm>>
          tpu.enqueue_dma source(%dma_start3A_397 : memref<128xi32, #tpu.memory_space<hbm>>) target(%arg22 : memref<128xi32, #tpu.memory_space<vmem>>) target_semaphore(%arg28 : memref<!tpu.dma_semaphore, #tpu.memory_space<semaphore_mem>>)
          %dma_start3A_398 = tpu.memref_slice %arg3[%mul3A_395] : memref<160000xi32, #tpu.memory_space<hbm>> -> memref<128xi32, #tpu.memory_space<hbm>>
          %dma_start3A_399 = tpu.memref_slice %arg3[%mul3A_395] : memref<160000xi32, #tpu.memory_space<hbm>> -> memref<128xi32, #tpu.memory_space<hbm>>
          tpu.enqueue_dma source(%dma_start3A_399 : memref<128xi32, #tpu.memory_space<hbm>>) target(%arg23 : memref<128xi32, #tpu.memory_space<vmem>>) target_semaphore(%arg28 : memref<!tpu.dma_semaphore, #tpu.memory_space<semaphore_mem>>)
        } else {
        }
      } else {
      }
    }
    %while3A_174 = arith.constant 1 : i32
    scf.for %while3A_194 = %while3A_172 to %while3A_168 step %while3A_174  : i32 {
      %mul3A_195 = arith.muli %while3A_194, %while3A : i32
      %add3A_196 = arith.addi %while3A_165, %mul3A_195 : i32
      %mul3A_197 = arith.constant 2 : i32
      %mul3A_198 = arith.muli %mul3A_197, %add3A_196 : i32
      %add3A_199 = arith.constant 1 : i32
      %add3A_200 = arith.addi %mul3A_198, %add3A_199 : i32
      %lt3A_201 = arith.cmpi slt, %add3A_200, %select_n3A : i32
      %convert_element_type3A_202 = arith.extui %lt3A_201 : i1 to i32
      %cond3A_203 = arith.constant 0 : i32
      %cond3A_204 = arith.cmpi ne, %convert_element_type3A_202, %cond3A_203 : i32
      scf.if %cond3A_204 {
        %ge3A_295 = arith.constant 1 : i32
        %ge3A_296 = arith.cmpi sge, %mul3A_198, %ge3A_295 : i32
        %convert_element_type3A_297 = arith.extui %ge3A_296 : i1 to i32
        %cond3A_298 = arith.constant 0 : i32
        %cond3A_299 = arith.cmpi ne, %convert_element_type3A_297, %cond3A_298 : i32
        scf.if %cond3A_299 {
          %sub3A_342 = arith.constant 1 : i32
          %sub3A_343 = arith.subi %mul3A_198, %sub3A_342 : i32
          %dma_wait3A_344 = arith.constant 0 : i32
          %dma_wait3A_345 = arith.constant 0 : i32
          %dma_wait3A_346 = tpu.memref_slice %arg31[%dma_wait3A_344, %dma_wait3A_345] : memref<10112x128xf32, #tpu.memory_space<vmem_shared>> -> memref<10112x128xf32, #tpu.memory_space<vmem_shared>>
          tpu.wait_indirect_dma semaphore(%arg30 : memref<!tpu.dma_semaphore, #tpu.memory_space<semaphore_mem>>) src(%arg24 : memref<128x128xf32, #tpu.memory_space<vmem>>) dst(%dma_wait3A_346 : memref<10112x128xf32, #tpu.memory_space<vmem_shared>>)
          %jit3A_347 = arith.constant 2 : i32
          %eq3A_348 = arith.constant 0 : i32
          %eq3A_349 = arith.cmpi eq, %jit3A_347, %eq3A_348 : i32
          %jit3A_350 = arith.constant 1 : i32
          %select_n3A_351 = arith.select %eq3A_349, %jit3A_350, %jit3A_347 : i32
          %rem3A_352 = arith.remsi %sub3A_343, %select_n3A_351 : i32
          %ne3A_353 = arith.constant 0 : i32
          %ne3A_354 = arith.cmpi ne, %rem3A_352, %ne3A_353 : i32
          %lt3A_355 = arith.constant 0 : i32
          %lt3A_356 = arith.cmpi slt, %rem3A_352, %lt3A_355 : i32
          %lt3A_357 = arith.constant 0 : i32
          %lt3A_358 = arith.cmpi slt, %select_n3A_351, %lt3A_357 : i32
          %ne3A_359 = arith.xori %lt3A_356, %lt3A_358 : i1
          %and3A_360 = arith.andi %ne3A_359, %ne3A_354 : i1
          %add3A_361 = arith.addi %rem3A_352, %select_n3A_351 : i32
          %select_n3A_362 = arith.select %and3A_360, %add3A_361, %rem3A_352 : i32
          %eq3A_363 = arith.cmpi eq, %select_n3A_362, %arg0 : i32
          %convert_element_type3A_364 = arith.extui %eq3A_363 : i1 to i32
          %cond3A_365 = arith.constant 0 : i32
          %cond3A_366 = arith.cmpi ne, %convert_element_type3A_364, %cond3A_365 : i32
          scf.if %cond3A_366 {
            %dma_wait3A_367 = arith.constant 0 : i32
            %dma_wait3A_368 = arith.constant 0 : i32
            %dma_wait3A_369 = tpu.memref_slice %arg32[%dma_wait3A_367, %dma_wait3A_368] : memref<10112x8xf32, #tpu.memory_space<vmem_shared>> -> memref<10112x8xf32, #tpu.memory_space<vmem_shared>>
            tpu.wait_indirect_dma semaphore(%arg30 : memref<!tpu.dma_semaphore, #tpu.memory_space<semaphore_mem>>) src(%arg25 : memref<128x8xf32, #tpu.memory_space<vmem>>) dst(%dma_wait3A_369 : memref<10112x8xf32, #tpu.memory_space<vmem_shared>>)
          } else {
          }
        } else {
        }
        %add3A_300 = arith.constant 1 : i32
        %add3A_301 = arith.addi %mul3A_198, %add3A_300 : i32
        %mul3A_302 = arith.constant 16 : i32
        %mul3A_303 = arith.muli %add3A_301, %mul3A_302 : i32
        %add3A_304 = arith.addi %arg1, %mul3A_303 : i32
        %mul3A_305 = arith.constant 128 : i32
        %mul3A_306 = arith.muli %add3A_304, %mul3A_305 : i32
        %dma_wait3A = tpu.memref_slice %arg2[%mul3A_306] : memref<160000xi32, #tpu.memory_space<hbm>> -> memref<128xi32, #tpu.memory_space<hbm>>
        %dma_wait3A_307 = tpu.memref_slice %arg2[%mul3A_306] : memref<160000xi32, #tpu.memory_space<hbm>> -> memref<128xi32, #tpu.memory_space<hbm>>
        tpu.wait_dma2 semaphore(%arg28 : memref<!tpu.dma_semaphore, #tpu.memory_space<semaphore_mem>>) src(%dma_wait3A_307 : memref<128xi32, #tpu.memory_space<hbm>>) dst(%arg22 : memref<128xi32, #tpu.memory_space<vmem>>)
        %dma_wait3A_308 = tpu.memref_slice %arg3[%mul3A_306] : memref<160000xi32, #tpu.memory_space<hbm>> -> memref<128xi32, #tpu.memory_space<hbm>>
        %dma_wait3A_309 = tpu.memref_slice %arg3[%mul3A_306] : memref<160000xi32, #tpu.memory_space<hbm>> -> memref<128xi32, #tpu.memory_space<hbm>>
        tpu.wait_dma2 semaphore(%arg28 : memref<!tpu.dma_semaphore, #tpu.memory_space<semaphore_mem>>) src(%dma_wait3A_309 : memref<128xi32, #tpu.memory_space<hbm>>) dst(%arg23 : memref<128xi32, #tpu.memory_space<vmem>>)
        %add3A_310 = arith.constant 1 : i32
        %add3A_311 = arith.addi %mul3A_198, %add3A_310 : i32
        %eq3A_312 = arith.constant 0 : i32
        %eq3A_313 = arith.cmpi eq, %arg0, %eq3A_312 : i32
        %convert_element_type3A_314 = arith.extui %eq3A_313 : i1 to i32
        %cond3A_315 = arith.constant 0 : i32
        %cond3A_316 = arith.cmpi ne, %convert_element_type3A_314, %cond3A_315 : i32
        scf.if %cond3A_316 {
          %dma_start3A_342 = arith.constant 0 : i32
          %dma_start3A_343 = arith.constant 0 : i32
          %dma_start3A_344 = tpu.memref_slice %arg4[%dma_start3A_342, %dma_start3A_343] : memref<10000x128xf32, #tpu.memory_space<hbm>> -> memref<10000x128xf32, #tpu.memory_space<hbm>>
          tpu.enqueue_indirect_dma source(%dma_start3A_344 : memref<10000x128xf32, #tpu.memory_space<hbm>>) target(%arg24 : memref<128x128xf32, #tpu.memory_space<vmem>>) offsets(%arg22 : memref<128xi32, #tpu.memory_space<vmem>>) semaphore(%arg27 : memref<!tpu.dma_semaphore, #tpu.memory_space<semaphore_mem>>)
        } else {
        }
        %eq3A_317 = arith.constant 1 : i32
        %eq3A_318 = arith.cmpi eq, %arg0, %eq3A_317 : i32
        %convert_element_type3A_319 = arith.extui %eq3A_318 : i1 to i32
        %cond3A_320 = arith.constant 0 : i32
        %cond3A_321 = arith.cmpi ne, %convert_element_type3A_319, %cond3A_320 : i32
        scf.if %cond3A_321 {
          %dma_start3A_342 = arith.constant 0 : i32
          %dma_start3A_343 = arith.constant 0 : i32
          %dma_start3A_344 = tpu.memref_slice %arg5[%dma_start3A_342, %dma_start3A_343] : memref<10000x128xf32, #tpu.memory_space<hbm>> -> memref<10000x128xf32, #tpu.memory_space<hbm>>
          tpu.enqueue_indirect_dma source(%dma_start3A_344 : memref<10000x128xf32, #tpu.memory_space<hbm>>) target(%arg24 : memref<128x128xf32, #tpu.memory_space<vmem>>) offsets(%arg22 : memref<128xi32, #tpu.memory_space<vmem>>) semaphore(%arg27 : memref<!tpu.dma_semaphore, #tpu.memory_space<semaphore_mem>>)
        } else {
        }
        %jit3A_322 = arith.constant 2 : i32
        %eq3A_323 = arith.constant 0 : i32
        %eq3A_324 = arith.cmpi eq, %jit3A_322, %eq3A_323 : i32
        %jit3A_325 = arith.constant 1 : i32
        %select_n3A_326 = arith.select %eq3A_324, %jit3A_325, %jit3A_322 : i32
        %rem3A_327 = arith.remsi %add3A_311, %select_n3A_326 : i32
        %ne3A_328 = arith.constant 0 : i32
        %ne3A_329 = arith.cmpi ne, %rem3A_327, %ne3A_328 : i32
        %lt3A_330 = arith.constant 0 : i32
        %lt3A_331 = arith.cmpi slt, %rem3A_327, %lt3A_330 : i32
        %lt3A_332 = arith.constant 0 : i32
        %lt3A_333 = arith.cmpi slt, %select_n3A_326, %lt3A_332 : i32
        %ne3A_334 = arith.xori %lt3A_331, %lt3A_333 : i1
        %and3A_335 = arith.andi %ne3A_334, %ne3A_329 : i1
        %add3A_336 = arith.addi %rem3A_327, %select_n3A_326 : i32
        %select_n3A_337 = arith.select %and3A_335, %add3A_336, %rem3A_327 : i32
        %eq3A_338 = arith.cmpi eq, %select_n3A_337, %arg0 : i32
        %convert_element_type3A_339 = arith.extui %eq3A_338 : i1 to i32
        %cond3A_340 = arith.constant 0 : i32
        %cond3A_341 = arith.cmpi ne, %convert_element_type3A_339, %cond3A_340 : i32
        scf.if %cond3A_341 {
          %dma_start3A_342 = arith.constant 0 : i32
          %dma_start3A_343 = arith.constant 0 : i32
          %dma_start3A_344 = tpu.memref_slice %arg6[%dma_start3A_342, %dma_start3A_343] : memref<10000x8xf32, #tpu.memory_space<hbm>> -> memref<10000x8xf32, #tpu.memory_space<hbm>>
          tpu.enqueue_indirect_dma source(%dma_start3A_344 : memref<10000x8xf32, #tpu.memory_space<hbm>>) target(%arg25 : memref<128x8xf32, #tpu.memory_space<vmem>>) offsets(%arg22 : memref<128xi32, #tpu.memory_space<vmem>>) semaphore(%arg27 : memref<!tpu.dma_semaphore, #tpu.memory_space<semaphore_mem>>)
          %dma_start3A_345 = arith.constant 0 : i32
          %dma_start3A_346 = arith.constant 0 : i32
          %dma_start3A_347 = tpu.memref_slice %arg6[%dma_start3A_345, %dma_start3A_346] : memref<10000x8xf32, #tpu.memory_space<hbm>> -> memref<10000x8xf32, #tpu.memory_space<hbm>>
          tpu.enqueue_indirect_dma source(%dma_start3A_347 : memref<10000x8xf32, #tpu.memory_space<hbm>>) target(%arg26 : memref<128x8xf32, #tpu.memory_space<vmem>>) offsets(%arg23 : memref<128xi32, #tpu.memory_space<vmem>>) semaphore(%arg27 : memref<!tpu.dma_semaphore, #tpu.memory_space<semaphore_mem>>)
        } else {
        }
      } else {
      }
      %eq3A_205 = arith.constant 0 : i32
      %eq3A_206 = arith.cmpi eq, %arg0, %eq3A_205 : i32
      %convert_element_type3A_207 = arith.extui %eq3A_206 : i1 to i32
      %cond3A_208 = arith.constant 0 : i32
      %cond3A_209 = arith.cmpi ne, %convert_element_type3A_207, %cond3A_208 : i32
      scf.if %cond3A_209 {
        %dma_wait3A = arith.constant 0 : i32
        %dma_wait3A_295 = arith.constant 0 : i32
        %dma_wait3A_296 = tpu.memref_slice %arg4[%dma_wait3A, %dma_wait3A_295] : memref<10000x128xf32, #tpu.memory_space<hbm>> -> memref<10000x128xf32, #tpu.memory_space<hbm>>
        tpu.wait_indirect_dma semaphore(%arg18 : memref<!tpu.dma_semaphore, #tpu.memory_space<semaphore_mem>>) src(%dma_wait3A_296 : memref<10000x128xf32, #tpu.memory_space<hbm>>) dst(%arg15 : memref<128x128xf32, #tpu.memory_space<vmem>>)
      } else {
      }
      %eq3A_210 = arith.constant 1 : i32
      %eq3A_211 = arith.cmpi eq, %arg0, %eq3A_210 : i32
      %convert_element_type3A_212 = arith.extui %eq3A_211 : i1 to i32
      %cond3A_213 = arith.constant 0 : i32
      %cond3A_214 = arith.cmpi ne, %convert_element_type3A_212, %cond3A_213 : i32
      scf.if %cond3A_214 {
        %dma_wait3A = arith.constant 0 : i32
        %dma_wait3A_295 = arith.constant 0 : i32
        %dma_wait3A_296 = tpu.memref_slice %arg5[%dma_wait3A, %dma_wait3A_295] : memref<10000x128xf32, #tpu.memory_space<hbm>> -> memref<10000x128xf32, #tpu.memory_space<hbm>>
        tpu.wait_indirect_dma semaphore(%arg18 : memref<!tpu.dma_semaphore, #tpu.memory_space<semaphore_mem>>) src(%dma_wait3A_296 : memref<10000x128xf32, #tpu.memory_space<hbm>>) dst(%arg15 : memref<128x128xf32, #tpu.memory_space<vmem>>)
      } else {
      }
      %jit3A_215 = arith.constant 2 : i32
      %eq3A_216 = arith.constant 0 : i32
      %eq3A_217 = arith.cmpi eq, %jit3A_215, %eq3A_216 : i32
      %jit3A_218 = arith.constant 1 : i32
      %select_n3A_219 = arith.select %eq3A_217, %jit3A_218, %jit3A_215 : i32
      %rem3A_220 = arith.remsi %mul3A_198, %select_n3A_219 : i32
      %ne3A_221 = arith.constant 0 : i32
      %ne3A_222 = arith.cmpi ne, %rem3A_220, %ne3A_221 : i32
      %lt3A_223 = arith.constant 0 : i32
      %lt3A_224 = arith.cmpi slt, %rem3A_220, %lt3A_223 : i32
      %lt3A_225 = arith.constant 0 : i32
      %lt3A_226 = arith.cmpi slt, %select_n3A_219, %lt3A_225 : i32
      %ne3A_227 = arith.xori %lt3A_224, %lt3A_226 : i1
      %and3A_228 = arith.andi %ne3A_227, %ne3A_222 : i1
      %add3A_229 = arith.addi %rem3A_220, %select_n3A_219 : i32
      %select_n3A_230 = arith.select %and3A_228, %add3A_229, %rem3A_220 : i32
      %eq3A_231 = arith.cmpi eq, %select_n3A_230, %arg0 : i32
      %convert_element_type3A_232 = arith.extui %eq3A_231 : i1 to i32
      %cond3A_233 = arith.constant 0 : i32
      %cond3A_234 = arith.cmpi ne, %convert_element_type3A_232, %cond3A_233 : i32
      scf.if %cond3A_234 {
        %dma_wait3A = arith.constant 0 : i32
        %dma_wait3A_295 = arith.constant 0 : i32
        %dma_wait3A_296 = tpu.memref_slice %arg6[%dma_wait3A, %dma_wait3A_295] : memref<10000x8xf32, #tpu.memory_space<hbm>> -> memref<10000x8xf32, #tpu.memory_space<hbm>>
        tpu.wait_indirect_dma semaphore(%arg18 : memref<!tpu.dma_semaphore, #tpu.memory_space<semaphore_mem>>) src(%dma_wait3A_296 : memref<10000x8xf32, #tpu.memory_space<hbm>>) dst(%arg16 : memref<128x8xf32, #tpu.memory_space<vmem>>)
        %dma_wait3A_297 = arith.constant 0 : i32
        %dma_wait3A_298 = arith.constant 0 : i32
        %dma_wait3A_299 = tpu.memref_slice %arg6[%dma_wait3A_297, %dma_wait3A_298] : memref<10000x8xf32, #tpu.memory_space<hbm>> -> memref<10000x8xf32, #tpu.memory_space<hbm>>
        tpu.wait_indirect_dma semaphore(%arg18 : memref<!tpu.dma_semaphore, #tpu.memory_space<semaphore_mem>>) src(%dma_wait3A_299 : memref<10000x8xf32, #tpu.memory_space<hbm>>) dst(%arg17 : memref<128x8xf32, #tpu.memory_space<vmem>>)
      } else {
      }
      %jit3A_235 = arith.constant 2 : i32
      %eq3A_236 = arith.constant 0 : i32
      %eq3A_237 = arith.cmpi eq, %jit3A_235, %eq3A_236 : i32
      %jit3A_238 = arith.constant 1 : i32
      %select_n3A_239 = arith.select %eq3A_237, %jit3A_238, %jit3A_235 : i32
      %rem3A_240 = arith.remsi %mul3A_198, %select_n3A_239 : i32
      %ne3A_241 = arith.constant 0 : i32
      %ne3A_242 = arith.cmpi ne, %rem3A_240, %ne3A_241 : i32
      %lt3A_243 = arith.constant 0 : i32
      %lt3A_244 = arith.cmpi slt, %rem3A_240, %lt3A_243 : i32
      %lt3A_245 = arith.constant 0 : i32
      %lt3A_246 = arith.cmpi slt, %select_n3A_239, %lt3A_245 : i32
      %ne3A_247 = arith.xori %lt3A_244, %lt3A_246 : i1
      %and3A_248 = arith.andi %ne3A_247, %ne3A_242 : i1
      %add3A_249 = arith.addi %rem3A_240, %select_n3A_239 : i32
      %select_n3A_250 = arith.select %and3A_248, %add3A_249, %rem3A_240 : i32
      %eq3A_251 = arith.cmpi eq, %select_n3A_250, %arg0 : i32
      %convert_element_type3A_252 = arith.extui %eq3A_251 : i1 to i32
      %cond3A_253 = arith.constant 0 : i32
      %cond3A_254 = arith.cmpi ne, %convert_element_type3A_252, %cond3A_253 : i32
      scf.if %cond3A_254 {
        %scan3A_295 = arith.constant 0 : i32
        %scan3A_296 = arith.constant 8 : i32
        %scan3A_297 = arith.addi %scan3A_295, %scan3A_296 : i32
        %scan3A_298 = arith.constant 1 : i32
        scf.for %scan3A_300 = %scan3A_295 to %scan3A_297 step %scan3A_298  : i32 {
          %mul3A_301 = arith.constant 1 : i32
          %mul3A_302 = arith.muli %scan3A_300, %mul3A_301 : i32
          %add3A_303 = arith.constant 0 : i32
          %add3A_304 = arith.addi %add3A_303, %mul3A_302 : i32
          %iota3A = tpu.iota {dimensions = array<i32: 0>} : vector<16xi32>
          %mul3A_305 = arith.constant 16 : i32
          %mul3A_306 = arith.muli %add3A_304, %mul3A_305 : i32
          %add3A_307 = vector.broadcast %mul3A_306 : i32 to vector<16xi32>
          %add3A_308 = arith.addi %iota3A, %add3A_307 : vector<16xi32>
          %broadcast_in_dim3A = arith.constant 0 : i32
          %broadcast_in_dim3A_309 = vector.broadcast %broadcast_in_dim3A : i32 to vector<16xi32>
          %broadcast_in_dim3A_310 = arith.constant 1 : i32
          %broadcast_in_dim3A_311 = vector.broadcast %broadcast_in_dim3A_310 : i32 to vector<16xi32>
          %broadcast_in_dim3A_312 = arith.constant 2 : i32
          %broadcast_in_dim3A_313 = vector.broadcast %broadcast_in_dim3A_312 : i32 to vector<16xi32>
          %gather3A = tpu.vector_load_idx %arg17[%add3A_308, %broadcast_in_dim3A_309] : memref<128x8xf32, #tpu.memory_space<vmem>>[vector<16xi32>, vector<16xi32>], vector<16xf32>,
          %gather3A_314 = tpu.vector_load_idx %arg16[%add3A_308, %broadcast_in_dim3A_309] : memref<128x8xf32, #tpu.memory_space<vmem>>[vector<16xi32>, vector<16xi32>], vector<16xf32>,
          %sub3A_315 = arith.subf %gather3A, %gather3A_314 : vector<16xf32>
          %gather3A_316 = tpu.vector_load_idx %arg17[%add3A_308, %broadcast_in_dim3A_311] : memref<128x8xf32, #tpu.memory_space<vmem>>[vector<16xi32>, vector<16xi32>], vector<16xf32>,
          %gather3A_317 = tpu.vector_load_idx %arg16[%add3A_308, %broadcast_in_dim3A_311] : memref<128x8xf32, #tpu.memory_space<vmem>>[vector<16xi32>, vector<16xi32>], vector<16xf32>,
          %sub3A_318 = arith.subf %gather3A_316, %gather3A_317 : vector<16xf32>
          %gather3A_319 = tpu.vector_load_idx %arg17[%add3A_308, %broadcast_in_dim3A_313] : memref<128x8xf32, #tpu.memory_space<vmem>>[vector<16xi32>, vector<16xi32>], vector<16xf32>,
          %gather3A_320 = tpu.vector_load_idx %arg16[%add3A_308, %broadcast_in_dim3A_313] : memref<128x8xf32, #tpu.memory_space<vmem>>[vector<16xi32>, vector<16xi32>], vector<16xf32>,
          %sub3A_321 = arith.subf %gather3A_319, %gather3A_320 : vector<16xf32>
          %mul3A_322 = arith.mulf %sub3A_315, %sub3A_315 : vector<16xf32>
          %mul3A_323 = arith.mulf %sub3A_318, %sub3A_318 : vector<16xf32>
          %add3A_324 = arith.addf %mul3A_322, %mul3A_323 : vector<16xf32>
          %mul3A_325 = arith.mulf %sub3A_321, %sub3A_321 : vector<16xf32>
          %add3A_326 = arith.addf %add3A_324, %mul3A_325 : vector<16xf32>
          %max3A = arith.constant 1.000000e-30 : f32
          %max3A_327 = vector.broadcast %max3A : f32 to vector<16xf32>
          %max3A_328 = arith.maximumf %add3A_326, %max3A_327 : vector<16xf32>
          %bitcast3A = vector.bitcast %max3A_328 : vector<16xf32> to vector<16xi32>
          %shift_right_arithmetic3A = arith.constant 1 : i32
          %shift_right_arithmetic3A_329 = vector.broadcast %shift_right_arithmetic3A : i32 to vector<16xi32>
          %shift_right_arithmetic3A_330 = arith.shrsi %bitcast3A, %shift_right_arithmetic3A_329 : vector<16xi32>
          %sub3A_331 = arith.constant 1597463007 : i32
          %sub3A_332 = vector.broadcast %sub3A_331 : i32 to vector<16xi32>
          %sub3A_333 = arith.subi %sub3A_332, %shift_right_arithmetic3A_330 : vector<16xi32>
          %bitcast3A_334 = vector.bitcast %sub3A_333 : vector<16xi32> to vector<16xf32>
          %mul3A_335 = arith.constant 5.000000e-01 : f32
          %mul3A_336 = vector.broadcast %mul3A_335 : f32 to vector<16xf32>
          %mul3A_337 = arith.mulf %mul3A_336, %max3A_328 : vector<16xf32>
          %mul3A_338 = arith.mulf %mul3A_337, %bitcast3A_334 : vector<16xf32>
          %mul3A_339 = arith.mulf %mul3A_338, %bitcast3A_334 : vector<16xf32>
          %sub3A_340 = arith.constant 1.500000e+00 : f32
          %sub3A_341 = vector.broadcast %sub3A_340 : f32 to vector<16xf32>
          %sub3A_342 = arith.subf %sub3A_341, %mul3A_339 : vector<16xf32>
          %mul3A_343 = arith.mulf %bitcast3A_334, %sub3A_342 : vector<16xf32>
          %mul3A_344 = arith.constant 5.000000e-01 : f32
          %mul3A_345 = vector.broadcast %mul3A_344 : f32 to vector<16xf32>
          %mul3A_346 = arith.mulf %mul3A_345, %max3A_328 : vector<16xf32>
          %mul3A_347 = arith.mulf %mul3A_346, %mul3A_343 : vector<16xf32>
          %mul3A_348 = arith.mulf %mul3A_347, %mul3A_343 : vector<16xf32>
          %sub3A_349 = arith.constant 1.500000e+00 : f32
          %sub3A_350 = vector.broadcast %sub3A_349 : f32 to vector<16xf32>
          %sub3A_351 = arith.subf %sub3A_350, %mul3A_348 : vector<16xf32>
          %mul3A_352 = arith.mulf %mul3A_343, %sub3A_351 : vector<16xf32>
          %mul3A_353 = arith.constant 5.000000e-01 : f32
          %mul3A_354 = vector.broadcast %mul3A_353 : f32 to vector<16xf32>
          %mul3A_355 = arith.mulf %mul3A_354, %max3A_328 : vector<16xf32>
          %mul3A_356 = arith.mulf %mul3A_355, %mul3A_352 : vector<16xf32>
          %mul3A_357 = arith.mulf %mul3A_356, %mul3A_352 : vector<16xf32>
          %sub3A_358 = arith.constant 1.500000e+00 : f32
          %sub3A_359 = vector.broadcast %sub3A_358 : f32 to vector<16xf32>
          %sub3A_360 = arith.subf %sub3A_359, %mul3A_357 : vector<16xf32>
          %mul3A_361 = arith.mulf %mul3A_352, %sub3A_360 : vector<16xf32>
          %mul3A_362 = arith.mulf %add3A_326, %mul3A_361 : vector<16xf32>
          %broadcast_in_dim3A_363 = arith.constant 4 : i32
          %broadcast_in_dim3A_364 = vector.broadcast %broadcast_in_dim3A_363 : i32 to vector<16xi32>
          tpu.vector_store_idx %arg16[%add3A_308, %broadcast_in_dim3A_364], %mul3A_362 : memref<128x8xf32, #tpu.memory_space<vmem>>[vector<16xi32>, vector<16xi32>], vector<16xf32>,
        }
        %scan3A_299 = arith.constant 8 : i32
      } else {
      }
      %scan3A = arith.constant 0 : i32
      %scan3A_255 = arith.constant 8 : i32
      %scan3A_256 = arith.addi %scan3A, %scan3A_255 : i32
      %scan3A_257 = arith.constant 1 : i32
      scf.for %scan3A_295 = %scan3A to %scan3A_256 step %scan3A_257  : i32 {
        %mul3A_296 = arith.constant 1 : i32
        %mul3A_297 = arith.muli %scan3A_295, %mul3A_296 : i32
        %add3A_298 = arith.constant 0 : i32
        %add3A_299 = arith.addi %add3A_298, %mul3A_297 : i32
        %mul3A_300 = arith.constant 16 : i32
        %mul3A_301 = arith.muli %add3A_299, %mul3A_300 : i32
        %get3A = arith.index_cast %mul3A_301 : i32 to index
        %get3A_302 = tpu.vector_load %arg14[%get3A] {strides = array<i32>} : memref<128xi32, #tpu.memory_space<vmem>>, vector<16xi32>,
        %swap3A = arith.index_cast %mul3A_301 : i32 to index
        %swap3A_303 = tpu.vector_load %arg20[%swap3A] {strides = array<i32>} : memref<128xi32, #tpu.memory_space<vmem>>, vector<16xi32>,
        tpu.vector_store %arg20[%swap3A], %get3A_302 {strides = array<i32>} : memref<128xi32, #tpu.memory_space<vmem>>, vector<16xi32>,
      }
      %scan3A_258 = arith.constant 8 : i32
      %dma_start3A = arith.constant 0 : i32
      %dma_start3A_259 = arith.constant 0 : i32
      %dma_start3A_260 = tpu.memref_slice %arg31[%dma_start3A, %dma_start3A_259] : memref<10112x128xf32, #tpu.memory_space<vmem_shared>> -> memref<10112x128xf32, #tpu.memory_space<vmem_shared>>
      tpu.enqueue_indirect_dma source(%arg15 : memref<128x128xf32, #tpu.memory_space<vmem>>) target(%dma_start3A_260 : memref<10112x128xf32, #tpu.memory_space<vmem_shared>>) offsets(%arg20 : memref<128xi32, #tpu.memory_space<vmem>>) semaphore(%arg21 : memref<!tpu.dma_semaphore, #tpu.memory_space<semaphore_mem>>) {add = true}
      %jit3A_261 = arith.constant 2 : i32
      %eq3A_262 = arith.constant 0 : i32
      %eq3A_263 = arith.cmpi eq, %jit3A_261, %eq3A_262 : i32
      %jit3A_264 = arith.constant 1 : i32
      %select_n3A_265 = arith.select %eq3A_263, %jit3A_264, %jit3A_261 : i32
      %rem3A_266 = arith.remsi %mul3A_198, %select_n3A_265 : i32
      %ne3A_267 = arith.constant 0 : i32
      %ne3A_268 = arith.cmpi ne, %rem3A_266, %ne3A_267 : i32
      %lt3A_269 = arith.constant 0 : i32
      %lt3A_270 = arith.cmpi slt, %rem3A_266, %lt3A_269 : i32
      %lt3A_271 = arith.constant 0 : i32
      %lt3A_272 = arith.cmpi slt, %select_n3A_265, %lt3A_271 : i32
      %ne3A_273 = arith.xori %lt3A_270, %lt3A_272 : i1
      %and3A_274 = arith.andi %ne3A_273, %ne3A_268 : i1
      %add3A_275 = arith.addi %rem3A_266, %select_n3A_265 : i32
      %select_n3A_276 = arith.select %and3A_274, %add3A_275, %rem3A_266 : i32
      %eq3A_277 = arith.cmpi eq, %select_n3A_276, %arg0 : i32
      %convert_element_type3A_278 = arith.extui %eq3A_277 : i1 to i32
      %cond3A_279 = arith.constant 0 : i32
      %cond3A_280 = arith.cmpi ne, %convert_element_type3A_278, %cond3A_279 : i32
      scf.if %cond3A_280 {
        %dma_start3A_295 = arith.constant 0 : i32
        %dma_start3A_296 = arith.constant 0 : i32
        %dma_start3A_297 = tpu.memref_slice %arg32[%dma_start3A_295, %dma_start3A_296] : memref<10112x8xf32, #tpu.memory_space<vmem_shared>> -> memref<10112x8xf32, #tpu.memory_space<vmem_shared>>
        tpu.enqueue_indirect_dma source(%arg16 : memref<128x8xf32, #tpu.memory_space<vmem>>) target(%dma_start3A_297 : memref<10112x8xf32, #tpu.memory_space<vmem_shared>>) offsets(%arg20 : memref<128xi32, #tpu.memory_space<vmem>>) semaphore(%arg21 : memref<!tpu.dma_semaphore, #tpu.memory_space<semaphore_mem>>) {add = true}
      } else {
      }
      %add3A_281 = arith.constant 2 : i32
      %add3A_282 = arith.addi %mul3A_198, %add3A_281 : i32
      %lt3A_283 = arith.cmpi slt, %add3A_282, %select_n3A : i32
      %convert_element_type3A_284 = arith.extui %lt3A_283 : i1 to i32
      %cond3A_285 = arith.constant 0 : i32
      %cond3A_286 = arith.cmpi ne, %convert_element_type3A_284, %cond3A_285 : i32
      scf.if %cond3A_286 {
        %add3A_295 = arith.constant 2 : i32
        %add3A_296 = arith.addi %mul3A_198, %add3A_295 : i32
        %mul3A_297 = arith.constant 16 : i32
        %mul3A_298 = arith.muli %add3A_296, %mul3A_297 : i32
        %add3A_299 = arith.addi %arg1, %mul3A_298 : i32
        %mul3A_300 = arith.constant 128 : i32
        %mul3A_301 = arith.muli %add3A_299, %mul3A_300 : i32
        %dma_start3A_302 = tpu.memref_slice %arg2[%mul3A_301] : memref<160000xi32, #tpu.memory_space<hbm>> -> memref<128xi32, #tpu.memory_space<hbm>>
        %dma_start3A_303 = tpu.memref_slice %arg2[%mul3A_301] : memref<160000xi32, #tpu.memory_space<hbm>> -> memref<128xi32, #tpu.memory_space<hbm>>
        tpu.enqueue_dma source(%dma_start3A_303 : memref<128xi32, #tpu.memory_space<hbm>>) target(%arg13 : memref<128xi32, #tpu.memory_space<vmem>>) target_semaphore(%arg19 : memref<!tpu.dma_semaphore, #tpu.memory_space<semaphore_mem>>)
        %dma_start3A_304 = tpu.memref_slice %arg3[%mul3A_301] : memref<160000xi32, #tpu.memory_space<hbm>> -> memref<128xi32, #tpu.memory_space<hbm>>
        %dma_start3A_305 = tpu.memref_slice %arg3[%mul3A_301] : memref<160000xi32, #tpu.memory_space<hbm>> -> memref<128xi32, #tpu.memory_space<hbm>>
        tpu.enqueue_dma source(%dma_start3A_305 : memref<128xi32, #tpu.memory_space<hbm>>) target(%arg14 : memref<128xi32, #tpu.memory_space<vmem>>) target_semaphore(%arg19 : memref<!tpu.dma_semaphore, #tpu.memory_space<semaphore_mem>>)
      } else {
      }
      %mul3A_287 = arith.constant 2 : i32
      %mul3A_288 = arith.muli %mul3A_287, %add3A_196 : i32
      %add3A_289 = arith.constant 1 : i32
      %add3A_290 = arith.addi %mul3A_288, %add3A_289 : i32
      %lt3A_291 = arith.cmpi slt, %add3A_290, %select_n3A : i32
      %convert_element_type3A_292 = arith.extui %lt3A_291 : i1 to i32
      %cond3A_293 = arith.constant 0 : i32
      %cond3A_294 = arith.cmpi ne, %convert_element_type3A_292, %cond3A_293 : i32
      scf.if %cond3A_294 {
        %mul3A_295 = arith.constant 2 : i32
        %mul3A_296 = arith.muli %mul3A_295, %add3A_196 : i32
        %add3A_297 = arith.constant 1 : i32
        %add3A_298 = arith.addi %mul3A_296, %add3A_297 : i32
        %add3A_299 = arith.constant 1 : i32
        %add3A_300 = arith.addi %add3A_298, %add3A_299 : i32
        %lt3A_301 = arith.cmpi slt, %add3A_300, %select_n3A : i32
        %convert_element_type3A_302 = arith.extui %lt3A_301 : i1 to i32
        %cond3A_303 = arith.constant 0 : i32
        %cond3A_304 = arith.cmpi ne, %convert_element_type3A_302, %cond3A_303 : i32
        scf.if %cond3A_304 {
          %ge3A_389 = arith.constant 1 : i32
          %ge3A_390 = arith.cmpi sge, %add3A_298, %ge3A_389 : i32
          %convert_element_type3A_391 = arith.extui %ge3A_390 : i1 to i32
          %cond3A_392 = arith.constant 0 : i32
          %cond3A_393 = arith.cmpi ne, %convert_element_type3A_391, %cond3A_392 : i32
          scf.if %cond3A_393 {
            %sub3A_436 = arith.constant 1 : i32
            %sub3A_437 = arith.subi %add3A_298, %sub3A_436 : i32
            %dma_wait3A_438 = arith.constant 0 : i32
            %dma_wait3A_439 = arith.constant 0 : i32
            %dma_wait3A_440 = tpu.memref_slice %arg31[%dma_wait3A_438, %dma_wait3A_439] : memref<10112x128xf32, #tpu.memory_space<vmem_shared>> -> memref<10112x128xf32, #tpu.memory_space<vmem_shared>>
            tpu.wait_indirect_dma semaphore(%arg21 : memref<!tpu.dma_semaphore, #tpu.memory_space<semaphore_mem>>) src(%arg15 : memref<128x128xf32, #tpu.memory_space<vmem>>) dst(%dma_wait3A_440 : memref<10112x128xf32, #tpu.memory_space<vmem_shared>>)
            %jit3A_441 = arith.constant 2 : i32
            %eq3A_442 = arith.constant 0 : i32
            %eq3A_443 = arith.cmpi eq, %jit3A_441, %eq3A_442 : i32
            %jit3A_444 = arith.constant 1 : i32
            %select_n3A_445 = arith.select %eq3A_443, %jit3A_444, %jit3A_441 : i32
            %rem3A_446 = arith.remsi %sub3A_437, %select_n3A_445 : i32
            %ne3A_447 = arith.constant 0 : i32
            %ne3A_448 = arith.cmpi ne, %rem3A_446, %ne3A_447 : i32
            %lt3A_449 = arith.constant 0 : i32
            %lt3A_450 = arith.cmpi slt, %rem3A_446, %lt3A_449 : i32
            %lt3A_451 = arith.constant 0 : i32
            %lt3A_452 = arith.cmpi slt, %select_n3A_445, %lt3A_451 : i32
            %ne3A_453 = arith.xori %lt3A_450, %lt3A_452 : i1
            %and3A_454 = arith.andi %ne3A_453, %ne3A_448 : i1
            %add3A_455 = arith.addi %rem3A_446, %select_n3A_445 : i32
            %select_n3A_456 = arith.select %and3A_454, %add3A_455, %rem3A_446 : i32
            %eq3A_457 = arith.cmpi eq, %select_n3A_456, %arg0 : i32
            %convert_element_type3A_458 = arith.extui %eq3A_457 : i1 to i32
            %cond3A_459 = arith.constant 0 : i32
            %cond3A_460 = arith.cmpi ne, %convert_element_type3A_458, %cond3A_459 : i32
            scf.if %cond3A_460 {
              %dma_wait3A_461 = arith.constant 0 : i32
              %dma_wait3A_462 = arith.constant 0 : i32
              %dma_wait3A_463 = tpu.memref_slice %arg32[%dma_wait3A_461, %dma_wait3A_462] : memref<10112x8xf32, #tpu.memory_space<vmem_shared>> -> memref<10112x8xf32, #tpu.memory_space<vmem_shared>>
              tpu.wait_indirect_dma semaphore(%arg21 : memref<!tpu.dma_semaphore, #tpu.memory_space<semaphore_mem>>) src(%arg16 : memref<128x8xf32, #tpu.memory_space<vmem>>) dst(%dma_wait3A_463 : memref<10112x8xf32, #tpu.memory_space<vmem_shared>>)
            } else {
            }
          } else {
          }
          %add3A_394 = arith.constant 1 : i32
          %add3A_395 = arith.addi %add3A_298, %add3A_394 : i32
          %mul3A_396 = arith.constant 16 : i32
          %mul3A_397 = arith.muli %add3A_395, %mul3A_396 : i32
          %add3A_398 = arith.addi %arg1, %mul3A_397 : i32
          %mul3A_399 = arith.constant 128 : i32
          %mul3A_400 = arith.muli %add3A_398, %mul3A_399 : i32
          %dma_wait3A = tpu.memref_slice %arg2[%mul3A_400] : memref<160000xi32, #tpu.memory_space<hbm>> -> memref<128xi32, #tpu.memory_space<hbm>>
          %dma_wait3A_401 = tpu.memref_slice %arg2[%mul3A_400] : memref<160000xi32, #tpu.memory_space<hbm>> -> memref<128xi32, #tpu.memory_space<hbm>>
          tpu.wait_dma2 semaphore(%arg19 : memref<!tpu.dma_semaphore, #tpu.memory_space<semaphore_mem>>) src(%dma_wait3A_401 : memref<128xi32, #tpu.memory_space<hbm>>) dst(%arg13 : memref<128xi32, #tpu.memory_space<vmem>>)
          %dma_wait3A_402 = tpu.memref_slice %arg3[%mul3A_400] : memref<160000xi32, #tpu.memory_space<hbm>> -> memref<128xi32, #tpu.memory_space<hbm>>
          %dma_wait3A_403 = tpu.memref_slice %arg3[%mul3A_400] : memref<160000xi32, #tpu.memory_space<hbm>> -> memref<128xi32, #tpu.memory_space<hbm>>
          tpu.wait_dma2 semaphore(%arg19 : memref<!tpu.dma_semaphore, #tpu.memory_space<semaphore_mem>>) src(%dma_wait3A_403 : memref<128xi32, #tpu.memory_space<hbm>>) dst(%arg14 : memref<128xi32, #tpu.memory_space<vmem>>)
          %add3A_404 = arith.constant 1 : i32
          %add3A_405 = arith.addi %add3A_298, %add3A_404 : i32
          %eq3A_406 = arith.constant 0 : i32
          %eq3A_407 = arith.cmpi eq, %arg0, %eq3A_406 : i32
          %convert_element_type3A_408 = arith.extui %eq3A_407 : i1 to i32
          %cond3A_409 = arith.constant 0 : i32
          %cond3A_410 = arith.cmpi ne, %convert_element_type3A_408, %cond3A_409 : i32
          scf.if %cond3A_410 {
            %dma_start3A_436 = arith.constant 0 : i32
            %dma_start3A_437 = arith.constant 0 : i32
            %dma_start3A_438 = tpu.memref_slice %arg4[%dma_start3A_436, %dma_start3A_437] : memref<10000x128xf32, #tpu.memory_space<hbm>> -> memref<10000x128xf32, #tpu.memory_space<hbm>>
            tpu.enqueue_indirect_dma source(%dma_start3A_438 : memref<10000x128xf32, #tpu.memory_space<hbm>>) target(%arg15 : memref<128x128xf32, #tpu.memory_space<vmem>>) offsets(%arg13 : memref<128xi32, #tpu.memory_space<vmem>>) semaphore(%arg18 : memref<!tpu.dma_semaphore, #tpu.memory_space<semaphore_mem>>)
          } else {
          }
          %eq3A_411 = arith.constant 1 : i32
          %eq3A_412 = arith.cmpi eq, %arg0, %eq3A_411 : i32
          %convert_element_type3A_413 = arith.extui %eq3A_412 : i1 to i32
          %cond3A_414 = arith.constant 0 : i32
          %cond3A_415 = arith.cmpi ne, %convert_element_type3A_413, %cond3A_414 : i32
          scf.if %cond3A_415 {
            %dma_start3A_436 = arith.constant 0 : i32
            %dma_start3A_437 = arith.constant 0 : i32
            %dma_start3A_438 = tpu.memref_slice %arg5[%dma_start3A_436, %dma_start3A_437] : memref<10000x128xf32, #tpu.memory_space<hbm>> -> memref<10000x128xf32, #tpu.memory_space<hbm>>
            tpu.enqueue_indirect_dma source(%dma_start3A_438 : memref<10000x128xf32, #tpu.memory_space<hbm>>) target(%arg15 : memref<128x128xf32, #tpu.memory_space<vmem>>) offsets(%arg13 : memref<128xi32, #tpu.memory_space<vmem>>) semaphore(%arg18 : memref<!tpu.dma_semaphore, #tpu.memory_space<semaphore_mem>>)
          } else {
          }
          %jit3A_416 = arith.constant 2 : i32
          %eq3A_417 = arith.constant 0 : i32
          %eq3A_418 = arith.cmpi eq, %jit3A_416, %eq3A_417 : i32
          %jit3A_419 = arith.constant 1 : i32
          %select_n3A_420 = arith.select %eq3A_418, %jit3A_419, %jit3A_416 : i32
          %rem3A_421 = arith.remsi %add3A_405, %select_n3A_420 : i32
          %ne3A_422 = arith.constant 0 : i32
          %ne3A_423 = arith.cmpi ne, %rem3A_421, %ne3A_422 : i32
          %lt3A_424 = arith.constant 0 : i32
          %lt3A_425 = arith.cmpi slt, %rem3A_421, %lt3A_424 : i32
          %lt3A_426 = arith.constant 0 : i32
          %lt3A_427 = arith.cmpi slt, %select_n3A_420, %lt3A_426 : i32
          %ne3A_428 = arith.xori %lt3A_425, %lt3A_427 : i1
          %and3A_429 = arith.andi %ne3A_428, %ne3A_423 : i1
          %add3A_430 = arith.addi %rem3A_421, %select_n3A_420 : i32
          %select_n3A_431 = arith.select %and3A_429, %add3A_430, %rem3A_421 : i32
          %eq3A_432 = arith.cmpi eq, %select_n3A_431, %arg0 : i32
          %convert_element_type3A_433 = arith.extui %eq3A_432 : i1 to i32
          %cond3A_434 = arith.constant 0 : i32
          %cond3A_435 = arith.cmpi ne, %convert_element_type3A_433, %cond3A_434 : i32
          scf.if %cond3A_435 {
            %dma_start3A_436 = arith.constant 0 : i32
            %dma_start3A_437 = arith.constant 0 : i32
            %dma_start3A_438 = tpu.memref_slice %arg6[%dma_start3A_436, %dma_start3A_437] : memref<10000x8xf32, #tpu.memory_space<hbm>> -> memref<10000x8xf32, #tpu.memory_space<hbm>>
            tpu.enqueue_indirect_dma source(%dma_start3A_438 : memref<10000x8xf32, #tpu.memory_space<hbm>>) target(%arg16 : memref<128x8xf32, #tpu.memory_space<vmem>>) offsets(%arg13 : memref<128xi32, #tpu.memory_space<vmem>>) semaphore(%arg18 : memref<!tpu.dma_semaphore, #tpu.memory_space<semaphore_mem>>)
            %dma_start3A_439 = arith.constant 0 : i32
            %dma_start3A_440 = arith.constant 0 : i32
            %dma_start3A_441 = tpu.memref_slice %arg6[%dma_start3A_439, %dma_start3A_440] : memref<10000x8xf32, #tpu.memory_space<hbm>> -> memref<10000x8xf32, #tpu.memory_space<hbm>>
            tpu.enqueue_indirect_dma source(%dma_start3A_441 : memref<10000x8xf32, #tpu.memory_space<hbm>>) target(%arg17 : memref<128x8xf32, #tpu.memory_space<vmem>>) offsets(%arg14 : memref<128xi32, #tpu.memory_space<vmem>>) semaphore(%arg18 : memref<!tpu.dma_semaphore, #tpu.memory_space<semaphore_mem>>)
          } else {
          }
        } else {
        }
        %eq3A_305 = arith.constant 0 : i32
        %eq3A_306 = arith.cmpi eq, %arg0, %eq3A_305 : i32
        %convert_element_type3A_307 = arith.extui %eq3A_306 : i1 to i32
        %cond3A_308 = arith.constant 0 : i32
        %cond3A_309 = arith.cmpi ne, %convert_element_type3A_307, %cond3A_308 : i32
        scf.if %cond3A_309 {
          %dma_wait3A = arith.constant 0 : i32
          %dma_wait3A_389 = arith.constant 0 : i32
          %dma_wait3A_390 = tpu.memref_slice %arg4[%dma_wait3A, %dma_wait3A_389] : memref<10000x128xf32, #tpu.memory_space<hbm>> -> memref<10000x128xf32, #tpu.memory_space<hbm>>
          tpu.wait_indirect_dma semaphore(%arg27 : memref<!tpu.dma_semaphore, #tpu.memory_space<semaphore_mem>>) src(%dma_wait3A_390 : memref<10000x128xf32, #tpu.memory_space<hbm>>) dst(%arg24 : memref<128x128xf32, #tpu.memory_space<vmem>>)
        } else {
        }
        %eq3A_310 = arith.constant 1 : i32
        %eq3A_311 = arith.cmpi eq, %arg0, %eq3A_310 : i32
        %convert_element_type3A_312 = arith.extui %eq3A_311 : i1 to i32
        %cond3A_313 = arith.constant 0 : i32
        %cond3A_314 = arith.cmpi ne, %convert_element_type3A_312, %cond3A_313 : i32
        scf.if %cond3A_314 {
          %dma_wait3A = arith.constant 0 : i32
          %dma_wait3A_389 = arith.constant 0 : i32
          %dma_wait3A_390 = tpu.memref_slice %arg5[%dma_wait3A, %dma_wait3A_389] : memref<10000x128xf32, #tpu.memory_space<hbm>> -> memref<10000x128xf32, #tpu.memory_space<hbm>>
          tpu.wait_indirect_dma semaphore(%arg27 : memref<!tpu.dma_semaphore, #tpu.memory_space<semaphore_mem>>) src(%dma_wait3A_390 : memref<10000x128xf32, #tpu.memory_space<hbm>>) dst(%arg24 : memref<128x128xf32, #tpu.memory_space<vmem>>)
        } else {
        }
        %jit3A_315 = arith.constant 2 : i32
        %eq3A_316 = arith.constant 0 : i32
        %eq3A_317 = arith.cmpi eq, %jit3A_315, %eq3A_316 : i32
        %jit3A_318 = arith.constant 1 : i32
        %select_n3A_319 = arith.select %eq3A_317, %jit3A_318, %jit3A_315 : i32
        %rem3A_320 = arith.remsi %add3A_298, %select_n3A_319 : i32
        %ne3A_321 = arith.constant 0 : i32
        %ne3A_322 = arith.cmpi ne, %rem3A_320, %ne3A_321 : i32
        %lt3A_323 = arith.constant 0 : i32
        %lt3A_324 = arith.cmpi slt, %rem3A_320, %lt3A_323 : i32
        %lt3A_325 = arith.constant 0 : i32
        %lt3A_326 = arith.cmpi slt, %select_n3A_319, %lt3A_325 : i32
        %ne3A_327 = arith.xori %lt3A_324, %lt3A_326 : i1
        %and3A_328 = arith.andi %ne3A_327, %ne3A_322 : i1
        %add3A_329 = arith.addi %rem3A_320, %select_n3A_319 : i32
        %select_n3A_330 = arith.select %and3A_328, %add3A_329, %rem3A_320 : i32
        %eq3A_331 = arith.cmpi eq, %select_n3A_330, %arg0 : i32
        %convert_element_type3A_332 = arith.extui %eq3A_331 : i1 to i32
        %cond3A_333 = arith.constant 0 : i32
        %cond3A_334 = arith.cmpi ne, %convert_element_type3A_332, %cond3A_333 : i32
        scf.if %cond3A_334 {
          %dma_wait3A = arith.constant 0 : i32
          %dma_wait3A_389 = arith.constant 0 : i32
          %dma_wait3A_390 = tpu.memref_slice %arg6[%dma_wait3A, %dma_wait3A_389] : memref<10000x8xf32, #tpu.memory_space<hbm>> -> memref<10000x8xf32, #tpu.memory_space<hbm>>
          tpu.wait_indirect_dma semaphore(%arg27 : memref<!tpu.dma_semaphore, #tpu.memory_space<semaphore_mem>>) src(%dma_wait3A_390 : memref<10000x8xf32, #tpu.memory_space<hbm>>) dst(%arg25 : memref<128x8xf32, #tpu.memory_space<vmem>>)
          %dma_wait3A_391 = arith.constant 0 : i32
          %dma_wait3A_392 = arith.constant 0 : i32
          %dma_wait3A_393 = tpu.memref_slice %arg6[%dma_wait3A_391, %dma_wait3A_392] : memref<10000x8xf32, #tpu.memory_space<hbm>> -> memref<10000x8xf32, #tpu.memory_space<hbm>>
          tpu.wait_indirect_dma semaphore(%arg27 : memref<!tpu.dma_semaphore, #tpu.memory_space<semaphore_mem>>) src(%dma_wait3A_393 : memref<10000x8xf32, #tpu.memory_space<hbm>>) dst(%arg26 : memref<128x8xf32, #tpu.memory_space<vmem>>)
        } else {
        }
        %jit3A_335 = arith.constant 2 : i32
        %eq3A_336 = arith.constant 0 : i32
        %eq3A_337 = arith.cmpi eq, %jit3A_335, %eq3A_336 : i32
        %jit3A_338 = arith.constant 1 : i32
        %select_n3A_339 = arith.select %eq3A_337, %jit3A_338, %jit3A_335 : i32
        %rem3A_340 = arith.remsi %add3A_298, %select_n3A_339 : i32
        %ne3A_341 = arith.constant 0 : i32
        %ne3A_342 = arith.cmpi ne, %rem3A_340, %ne3A_341 : i32
        %lt3A_343 = arith.constant 0 : i32
        %lt3A_344 = arith.cmpi slt, %rem3A_340, %lt3A_343 : i32
        %lt3A_345 = arith.constant 0 : i32
        %lt3A_346 = arith.cmpi slt, %select_n3A_339, %lt3A_345 : i32
        %ne3A_347 = arith.xori %lt3A_344, %lt3A_346 : i1
        %and3A_348 = arith.andi %ne3A_347, %ne3A_342 : i1
        %add3A_349 = arith.addi %rem3A_340, %select_n3A_339 : i32
        %select_n3A_350 = arith.select %and3A_348, %add3A_349, %rem3A_340 : i32
        %eq3A_351 = arith.cmpi eq, %select_n3A_350, %arg0 : i32
        %convert_element_type3A_352 = arith.extui %eq3A_351 : i1 to i32
        %cond3A_353 = arith.constant 0 : i32
        %cond3A_354 = arith.cmpi ne, %convert_element_type3A_352, %cond3A_353 : i32
        scf.if %cond3A_354 {
          %scan3A_389 = arith.constant 0 : i32
          %scan3A_390 = arith.constant 8 : i32
          %scan3A_391 = arith.addi %scan3A_389, %scan3A_390 : i32
          %scan3A_392 = arith.constant 1 : i32
          scf.for %scan3A_394 = %scan3A_389 to %scan3A_391 step %scan3A_392  : i32 {
            %mul3A_395 = arith.constant 1 : i32
            %mul3A_396 = arith.muli %scan3A_394, %mul3A_395 : i32
            %add3A_397 = arith.constant 0 : i32
            %add3A_398 = arith.addi %add3A_397, %mul3A_396 : i32
            %iota3A = tpu.iota {dimensions = array<i32: 0>} : vector<16xi32>
            %mul3A_399 = arith.constant 16 : i32
            %mul3A_400 = arith.muli %add3A_398, %mul3A_399 : i32
            %add3A_401 = vector.broadcast %mul3A_400 : i32 to vector<16xi32>
            %add3A_402 = arith.addi %iota3A, %add3A_401 : vector<16xi32>
            %broadcast_in_dim3A = arith.constant 0 : i32
            %broadcast_in_dim3A_403 = vector.broadcast %broadcast_in_dim3A : i32 to vector<16xi32>
            %broadcast_in_dim3A_404 = arith.constant 1 : i32
            %broadcast_in_dim3A_405 = vector.broadcast %broadcast_in_dim3A_404 : i32 to vector<16xi32>
            %broadcast_in_dim3A_406 = arith.constant 2 : i32
            %broadcast_in_dim3A_407 = vector.broadcast %broadcast_in_dim3A_406 : i32 to vector<16xi32>
            %gather3A = tpu.vector_load_idx %arg26[%add3A_402, %broadcast_in_dim3A_403] : memref<128x8xf32, #tpu.memory_space<vmem>>[vector<16xi32>, vector<16xi32>], vector<16xf32>,
            %gather3A_408 = tpu.vector_load_idx %arg25[%add3A_402, %broadcast_in_dim3A_403] : memref<128x8xf32, #tpu.memory_space<vmem>>[vector<16xi32>, vector<16xi32>], vector<16xf32>,
            %sub3A_409 = arith.subf %gather3A, %gather3A_408 : vector<16xf32>
            %gather3A_410 = tpu.vector_load_idx %arg26[%add3A_402, %broadcast_in_dim3A_405] : memref<128x8xf32, #tpu.memory_space<vmem>>[vector<16xi32>, vector<16xi32>], vector<16xf32>,
            %gather3A_411 = tpu.vector_load_idx %arg25[%add3A_402, %broadcast_in_dim3A_405] : memref<128x8xf32, #tpu.memory_space<vmem>>[vector<16xi32>, vector<16xi32>], vector<16xf32>,
            %sub3A_412 = arith.subf %gather3A_410, %gather3A_411 : vector<16xf32>
            %gather3A_413 = tpu.vector_load_idx %arg26[%add3A_402, %broadcast_in_dim3A_407] : memref<128x8xf32, #tpu.memory_space<vmem>>[vector<16xi32>, vector<16xi32>], vector<16xf32>,
            %gather3A_414 = tpu.vector_load_idx %arg25[%add3A_402, %broadcast_in_dim3A_407] : memref<128x8xf32, #tpu.memory_space<vmem>>[vector<16xi32>, vector<16xi32>], vector<16xf32>,
            %sub3A_415 = arith.subf %gather3A_413, %gather3A_414 : vector<16xf32>
            %mul3A_416 = arith.mulf %sub3A_409, %sub3A_409 : vector<16xf32>
            %mul3A_417 = arith.mulf %sub3A_412, %sub3A_412 : vector<16xf32>
            %add3A_418 = arith.addf %mul3A_416, %mul3A_417 : vector<16xf32>
            %mul3A_419 = arith.mulf %sub3A_415, %sub3A_415 : vector<16xf32>
            %add3A_420 = arith.addf %add3A_418, %mul3A_419 : vector<16xf32>
            %max3A = arith.constant 1.000000e-30 : f32
            %max3A_421 = vector.broadcast %max3A : f32 to vector<16xf32>
            %max3A_422 = arith.maximumf %add3A_420, %max3A_421 : vector<16xf32>
            %bitcast3A = vector.bitcast %max3A_422 : vector<16xf32> to vector<16xi32>
            %shift_right_arithmetic3A = arith.constant 1 : i32
            %shift_right_arithmetic3A_423 = vector.broadcast %shift_right_arithmetic3A : i32 to vector<16xi32>
            %shift_right_arithmetic3A_424 = arith.shrsi %bitcast3A, %shift_right_arithmetic3A_423 : vector<16xi32>
            %sub3A_425 = arith.constant 1597463007 : i32
            %sub3A_426 = vector.broadcast %sub3A_425 : i32 to vector<16xi32>
            %sub3A_427 = arith.subi %sub3A_426, %shift_right_arithmetic3A_424 : vector<16xi32>
            %bitcast3A_428 = vector.bitcast %sub3A_427 : vector<16xi32> to vector<16xf32>
            %mul3A_429 = arith.constant 5.000000e-01 : f32
            %mul3A_430 = vector.broadcast %mul3A_429 : f32 to vector<16xf32>
            %mul3A_431 = arith.mulf %mul3A_430, %max3A_422 : vector<16xf32>
            %mul3A_432 = arith.mulf %mul3A_431, %bitcast3A_428 : vector<16xf32>
            %mul3A_433 = arith.mulf %mul3A_432, %bitcast3A_428 : vector<16xf32>
            %sub3A_434 = arith.constant 1.500000e+00 : f32
            %sub3A_435 = vector.broadcast %sub3A_434 : f32 to vector<16xf32>
            %sub3A_436 = arith.subf %sub3A_435, %mul3A_433 : vector<16xf32>
            %mul3A_437 = arith.mulf %bitcast3A_428, %sub3A_436 : vector<16xf32>
            %mul3A_438 = arith.constant 5.000000e-01 : f32
            %mul3A_439 = vector.broadcast %mul3A_438 : f32 to vector<16xf32>
            %mul3A_440 = arith.mulf %mul3A_439, %max3A_422 : vector<16xf32>
            %mul3A_441 = arith.mulf %mul3A_440, %mul3A_437 : vector<16xf32>
            %mul3A_442 = arith.mulf %mul3A_441, %mul3A_437 : vector<16xf32>
            %sub3A_443 = arith.constant 1.500000e+00 : f32
            %sub3A_444 = vector.broadcast %sub3A_443 : f32 to vector<16xf32>
            %sub3A_445 = arith.subf %sub3A_444, %mul3A_442 : vector<16xf32>
            %mul3A_446 = arith.mulf %mul3A_437, %sub3A_445 : vector<16xf32>
            %mul3A_447 = arith.constant 5.000000e-01 : f32
            %mul3A_448 = vector.broadcast %mul3A_447 : f32 to vector<16xf32>
            %mul3A_449 = arith.mulf %mul3A_448, %max3A_422 : vector<16xf32>
            %mul3A_450 = arith.mulf %mul3A_449, %mul3A_446 : vector<16xf32>
            %mul3A_451 = arith.mulf %mul3A_450, %mul3A_446 : vector<16xf32>
            %sub3A_452 = arith.constant 1.500000e+00 : f32
            %sub3A_453 = vector.broadcast %sub3A_452 : f32 to vector<16xf32>
            %sub3A_454 = arith.subf %sub3A_453, %mul3A_451 : vector<16xf32>
            %mul3A_455 = arith.mulf %mul3A_446, %sub3A_454 : vector<16xf32>
            %mul3A_456 = arith.mulf %add3A_420, %mul3A_455 : vector<16xf32>
            %broadcast_in_dim3A_457 = arith.constant 4 : i32
            %broadcast_in_dim3A_458 = vector.broadcast %broadcast_in_dim3A_457 : i32 to vector<16xi32>
            tpu.vector_store_idx %arg25[%add3A_402, %broadcast_in_dim3A_458], %mul3A_456 : memref<128x8xf32, #tpu.memory_space<vmem>>[vector<16xi32>, vector<16xi32>], vector<16xf32>,
          }
          %scan3A_393 = arith.constant 8 : i32
        } else {
        }
        %scan3A_355 = arith.constant 0 : i32
        %scan3A_356 = arith.constant 8 : i32
        %scan3A_357 = arith.addi %scan3A_355, %scan3A_356 : i32
        %scan3A_358 = arith.constant 1 : i32
        scf.for %scan3A_389 = %scan3A_355 to %scan3A_357 step %scan3A_358  : i32 {
          %mul3A_390 = arith.constant 1 : i32
          %mul3A_391 = arith.muli %scan3A_389, %mul3A_390 : i32
          %add3A_392 = arith.constant 0 : i32
          %add3A_393 = arith.addi %add3A_392, %mul3A_391 : i32
          %mul3A_394 = arith.constant 16 : i32
          %mul3A_395 = arith.muli %add3A_393, %mul3A_394 : i32
          %get3A = arith.index_cast %mul3A_395 : i32 to index
          %get3A_396 = tpu.vector_load %arg23[%get3A] {strides = array<i32>} : memref<128xi32, #tpu.memory_space<vmem>>, vector<16xi32>,
          %swap3A = arith.index_cast %mul3A_395 : i32 to index
          %swap3A_397 = tpu.vector_load %arg29[%swap3A] {strides = array<i32>} : memref<128xi32, #tpu.memory_space<vmem>>, vector<16xi32>,
          tpu.vector_store %arg29[%swap3A], %get3A_396 {strides = array<i32>} : memref<128xi32, #tpu.memory_space<vmem>>, vector<16xi32>,
        }
        %scan3A_359 = arith.constant 8 : i32
        %dma_start3A_360 = arith.constant 0 : i32
        %dma_start3A_361 = arith.constant 0 : i32
        %dma_start3A_362 = tpu.memref_slice %arg31[%dma_start3A_360, %dma_start3A_361] : memref<10112x128xf32, #tpu.memory_space<vmem_shared>> -> memref<10112x128xf32, #tpu.memory_space<vmem_shared>>
        tpu.enqueue_indirect_dma source(%arg24 : memref<128x128xf32, #tpu.memory_space<vmem>>) target(%dma_start3A_362 : memref<10112x128xf32, #tpu.memory_space<vmem_shared>>) offsets(%arg29 : memref<128xi32, #tpu.memory_space<vmem>>) semaphore(%arg30 : memref<!tpu.dma_semaphore, #tpu.memory_space<semaphore_mem>>) {add = true}
        %jit3A_363 = arith.constant 2 : i32
        %eq3A_364 = arith.constant 0 : i32
        %eq3A_365 = arith.cmpi eq, %jit3A_363, %eq3A_364 : i32
        %jit3A_366 = arith.constant 1 : i32
        %select_n3A_367 = arith.select %eq3A_365, %jit3A_366, %jit3A_363 : i32
        %rem3A_368 = arith.remsi %add3A_298, %select_n3A_367 : i32
        %ne3A_369 = arith.constant 0 : i32
        %ne3A_370 = arith.cmpi ne, %rem3A_368, %ne3A_369 : i32
        %lt3A_371 = arith.constant 0 : i32
        %lt3A_372 = arith.cmpi slt, %rem3A_368, %lt3A_371 : i32
        %lt3A_373 = arith.constant 0 : i32
        %lt3A_374 = arith.cmpi slt, %select_n3A_367, %lt3A_373 : i32
        %ne3A_375 = arith.xori %lt3A_372, %lt3A_374 : i1
        %and3A_376 = arith.andi %ne3A_375, %ne3A_370 : i1
        %add3A_377 = arith.addi %rem3A_368, %select_n3A_367 : i32
        %select_n3A_378 = arith.select %and3A_376, %add3A_377, %rem3A_368 : i32
        %eq3A_379 = arith.cmpi eq, %select_n3A_378, %arg0 : i32
        %convert_element_type3A_380 = arith.extui %eq3A_379 : i1 to i32
        %cond3A_381 = arith.constant 0 : i32
        %cond3A_382 = arith.cmpi ne, %convert_element_type3A_380, %cond3A_381 : i32
        scf.if %cond3A_382 {
          %dma_start3A_389 = arith.constant 0 : i32
          %dma_start3A_390 = arith.constant 0 : i32
          %dma_start3A_391 = tpu.memref_slice %arg32[%dma_start3A_389, %dma_start3A_390] : memref<10112x8xf32, #tpu.memory_space<vmem_shared>> -> memref<10112x8xf32, #tpu.memory_space<vmem_shared>>
          tpu.enqueue_indirect_dma source(%arg25 : memref<128x8xf32, #tpu.memory_space<vmem>>) target(%dma_start3A_391 : memref<10112x8xf32, #tpu.memory_space<vmem_shared>>) offsets(%arg29 : memref<128xi32, #tpu.memory_space<vmem>>) semaphore(%arg30 : memref<!tpu.dma_semaphore, #tpu.memory_space<semaphore_mem>>) {add = true}
        } else {
        }
        %add3A_383 = arith.constant 2 : i32
        %add3A_384 = arith.addi %add3A_298, %add3A_383 : i32
        %lt3A_385 = arith.cmpi slt, %add3A_384, %select_n3A : i32
        %convert_element_type3A_386 = arith.extui %lt3A_385 : i1 to i32
        %cond3A_387 = arith.constant 0 : i32
        %cond3A_388 = arith.cmpi ne, %convert_element_type3A_386, %cond3A_387 : i32
        scf.if %cond3A_388 {
          %add3A_389 = arith.constant 2 : i32
          %add3A_390 = arith.addi %add3A_298, %add3A_389 : i32
          %mul3A_391 = arith.constant 16 : i32
          %mul3A_392 = arith.muli %add3A_390, %mul3A_391 : i32
          %add3A_393 = arith.addi %arg1, %mul3A_392 : i32
          %mul3A_394 = arith.constant 128 : i32
          %mul3A_395 = arith.muli %add3A_393, %mul3A_394 : i32
          %dma_start3A_396 = tpu.memref_slice %arg2[%mul3A_395] : memref<160000xi32, #tpu.memory_space<hbm>> -> memref<128xi32, #tpu.memory_space<hbm>>
          %dma_start3A_397 = tpu.memref_slice %arg2[%mul3A_395] : memref<160000xi32, #tpu.memory_space<hbm>> -> memref<128xi32, #tpu.memory_space<hbm>>
          tpu.enqueue_dma source(%dma_start3A_397 : memref<128xi32, #tpu.memory_space<hbm>>) target(%arg22 : memref<128xi32, #tpu.memory_space<vmem>>) target_semaphore(%arg28 : memref<!tpu.dma_semaphore, #tpu.memory_space<semaphore_mem>>)
          %dma_start3A_398 = tpu.memref_slice %arg3[%mul3A_395] : memref<160000xi32, #tpu.memory_space<hbm>> -> memref<128xi32, #tpu.memory_space<hbm>>
          %dma_start3A_399 = tpu.memref_slice %arg3[%mul3A_395] : memref<160000xi32, #tpu.memory_space<hbm>> -> memref<128xi32, #tpu.memory_space<hbm>>
          tpu.enqueue_dma source(%dma_start3A_399 : memref<128xi32, #tpu.memory_space<hbm>>) target(%arg23 : memref<128xi32, #tpu.memory_space<vmem>>) target_semaphore(%arg28 : memref<!tpu.dma_semaphore, #tpu.memory_space<semaphore_mem>>)
        } else {
        }
      } else {
      }
    }
    %ge3A = arith.constant 1 : i32
    %ge3A_175 = arith.cmpi sge, %select_n3A, %ge3A : i32
    %convert_element_type3A_176 = arith.extui %ge3A_175 : i1 to i32
    %cond3A_177 = arith.constant 0 : i32
    %cond3A_178 = arith.cmpi ne, %convert_element_type3A_176, %cond3A_177 : i32
    scf.if %cond3A_178 {
      %dma_wait3A = arith.constant 0 : i32
      %dma_wait3A_194 = arith.constant 0 : i32
      %dma_wait3A_195 = tpu.memref_slice %arg31[%dma_wait3A, %dma_wait3A_194] : memref<10112x128xf32, #tpu.memory_space<vmem_shared>> -> memref<10112x128xf32, #tpu.memory_space<vmem_shared>>
      tpu.wait_indirect_dma semaphore(%arg21 : memref<!tpu.dma_semaphore, #tpu.memory_space<semaphore_mem>>) src(%arg15 : memref<128x128xf32, #tpu.memory_space<vmem>>) dst(%dma_wait3A_195 : memref<10112x128xf32, #tpu.memory_space<vmem_shared>>)
      %eq3A_196 = arith.constant 0 : i32
      %eq3A_197 = arith.cmpi eq, %arg0, %eq3A_196 : i32
      %convert_element_type3A_198 = arith.extui %eq3A_197 : i1 to i32
      %cond3A_199 = arith.constant 0 : i32
      %cond3A_200 = arith.cmpi ne, %convert_element_type3A_198, %cond3A_199 : i32
      scf.if %cond3A_200 {
        %dma_wait3A_201 = arith.constant 0 : i32
        %dma_wait3A_202 = arith.constant 0 : i32
        %dma_wait3A_203 = tpu.memref_slice %arg32[%dma_wait3A_201, %dma_wait3A_202] : memref<10112x8xf32, #tpu.memory_space<vmem_shared>> -> memref<10112x8xf32, #tpu.memory_space<vmem_shared>>
        tpu.wait_indirect_dma semaphore(%arg21 : memref<!tpu.dma_semaphore, #tpu.memory_space<semaphore_mem>>) src(%arg16 : memref<128x8xf32, #tpu.memory_space<vmem>>) dst(%dma_wait3A_203 : memref<10112x8xf32, #tpu.memory_space<vmem_shared>>)
      } else {
      }
    } else {
    }
    %ge3A_179 = arith.constant 2 : i32
    %ge3A_180 = arith.cmpi sge, %select_n3A, %ge3A_179 : i32
    %convert_element_type3A_181 = arith.extui %ge3A_180 : i1 to i32
    %cond3A_182 = arith.constant 0 : i32
    %cond3A_183 = arith.cmpi ne, %convert_element_type3A_181, %cond3A_182 : i32
    scf.if %cond3A_183 {
      %dma_wait3A = arith.constant 0 : i32
      %dma_wait3A_194 = arith.constant 0 : i32
      %dma_wait3A_195 = tpu.memref_slice %arg31[%dma_wait3A, %dma_wait3A_194] : memref<10112x128xf32, #tpu.memory_space<vmem_shared>> -> memref<10112x128xf32, #tpu.memory_space<vmem_shared>>
      tpu.wait_indirect_dma semaphore(%arg30 : memref<!tpu.dma_semaphore, #tpu.memory_space<semaphore_mem>>) src(%arg24 : memref<128x128xf32, #tpu.memory_space<vmem>>) dst(%dma_wait3A_195 : memref<10112x128xf32, #tpu.memory_space<vmem_shared>>)
      %eq3A_196 = arith.constant 1 : i32
      %eq3A_197 = arith.cmpi eq, %arg0, %eq3A_196 : i32
      %convert_element_type3A_198 = arith.extui %eq3A_197 : i1 to i32
      %cond3A_199 = arith.constant 0 : i32
      %cond3A_200 = arith.cmpi ne, %convert_element_type3A_198, %cond3A_199 : i32
      scf.if %cond3A_200 {
        %dma_wait3A_201 = arith.constant 0 : i32
        %dma_wait3A_202 = arith.constant 0 : i32
        %dma_wait3A_203 = tpu.memref_slice %arg32[%dma_wait3A_201, %dma_wait3A_202] : memref<10112x8xf32, #tpu.memory_space<vmem_shared>> -> memref<10112x8xf32, #tpu.memory_space<vmem_shared>>
        tpu.wait_indirect_dma semaphore(%arg30 : memref<!tpu.dma_semaphore, #tpu.memory_space<semaphore_mem>>) src(%arg25 : memref<128x8xf32, #tpu.memory_space<vmem>>) dst(%dma_wait3A_203 : memref<10112x8xf32, #tpu.memory_space<vmem_shared>>)
      } else {
      }
    } else {
    }
    %barrier3A_184 = arith.constant 0 : index
    tpu.barrier barrier_id(%barrier3A_184)
    %eq3A = arith.constant 0 : i32
    %eq3A_185 = arith.cmpi eq, %arg0, %eq3A : i32
    %convert_element_type3A_186 = arith.extui %eq3A_185 : i1 to i32
    %cond3A_187 = arith.constant 0 : i32
    %cond3A_188 = arith.cmpi ne, %convert_element_type3A_186, %cond3A_187 : i32
    scf.if %cond3A_188 {
      %add3A_194 = arith.constant 0 : i32
      %add3A_195 = arith.addi %arg1, %add3A_194 : i32
      %mul3A_196 = arith.constant 128 : i32
      %mul3A_197 = arith.muli %add3A_195, %mul3A_196 : i32
      %add3A_198 = arith.constant 0 : i32
      %add3A_199 = arith.addi %arg1, %add3A_198 : i32
      %lt3A_200 = arith.constant 79 : i32
      %lt3A_201 = arith.cmpi slt, %add3A_199, %lt3A_200 : i32
      %convert_element_type3A_202 = arith.extui %lt3A_201 : i1 to i32
      %cond3A_203 = arith.constant 0 : i32
      %cond3A_204 = arith.cmpi ne, %convert_element_type3A_202, %cond3A_203 : i32
      scf.if %cond3A_204 {
        %dma_start3A = arith.constant 0 : i32
        %dma_start3A_304 = tpu.memref_slice %arg9[%mul3A_197, %dma_start3A] : memref<10112x128xf32, #tpu.memory_space<hbm>> -> memref<128x128xf32, #tpu.memory_space<hbm>>
        %dma_start3A_305 = arith.constant 0 : i32
        %dma_start3A_306 = tpu.memref_slice %arg31[%mul3A_197, %dma_start3A_305] : memref<10112x128xf32, #tpu.memory_space<vmem_shared>> -> memref<128x128xf32, #tpu.memory_space<vmem_shared>>
        tpu.enqueue_dma source(%dma_start3A_306 : memref<128x128xf32, #tpu.memory_space<vmem_shared>>) target(%dma_start3A_304 : memref<128x128xf32, #tpu.memory_space<hbm>>) target_semaphore(%arg33 : memref<!tpu.dma_semaphore, #tpu.memory_space<semaphore_mem>>)
        %dma_start3A_307 = arith.constant 0 : i32
        %dma_start3A_308 = tpu.memref_slice %arg11[%mul3A_197, %dma_start3A_307] : memref<10112x8xf32, #tpu.memory_space<hbm>> -> memref<128x8xf32, #tpu.memory_space<hbm>>
        %dma_start3A_309 = arith.constant 0 : i32
        %dma_start3A_310 = tpu.memref_slice %arg32[%mul3A_197, %dma_start3A_309] : memref<10112x8xf32, #tpu.memory_space<vmem_shared>> -> memref<128x8xf32, #tpu.memory_space<vmem_shared>>
        tpu.enqueue_dma source(%dma_start3A_310 : memref<128x8xf32, #tpu.memory_space<vmem_shared>>) target(%dma_start3A_308 : memref<128x8xf32, #tpu.memory_space<hbm>>) target_semaphore(%arg33 : memref<!tpu.dma_semaphore, #tpu.memory_space<semaphore_mem>>)
      } else {
      }
      %add3A_205 = arith.constant 16 : i32
      %add3A_206 = arith.addi %arg1, %add3A_205 : i32
      %mul3A_207 = arith.constant 128 : i32
      %mul3A_208 = arith.muli %add3A_206, %mul3A_207 : i32
      %add3A_209 = arith.constant 16 : i32
      %add3A_210 = arith.addi %arg1, %add3A_209 : i32
      %lt3A_211 = arith.constant 79 : i32
      %lt3A_212 = arith.cmpi slt, %add3A_210, %lt3A_211 : i32
      %convert_element_type3A_213 = arith.extui %lt3A_212 : i1 to i32
      %cond3A_214 = arith.constant 0 : i32
      %cond3A_215 = arith.cmpi ne, %convert_element_type3A_213, %cond3A_214 : i32
      scf.if %cond3A_215 {
        %dma_start3A = arith.constant 0 : i32
        %dma_start3A_304 = tpu.memref_slice %arg9[%mul3A_208, %dma_start3A] : memref<10112x128xf32, #tpu.memory_space<hbm>> -> memref<128x128xf32, #tpu.memory_space<hbm>>
        %dma_start3A_305 = arith.constant 0 : i32
        %dma_start3A_306 = tpu.memref_slice %arg31[%mul3A_208, %dma_start3A_305] : memref<10112x128xf32, #tpu.memory_space<vmem_shared>> -> memref<128x128xf32, #tpu.memory_space<vmem_shared>>
        tpu.enqueue_dma source(%dma_start3A_306 : memref<128x128xf32, #tpu.memory_space<vmem_shared>>) target(%dma_start3A_304 : memref<128x128xf32, #tpu.memory_space<hbm>>) target_semaphore(%arg33 : memref<!tpu.dma_semaphore, #tpu.memory_space<semaphore_mem>>)
        %dma_start3A_307 = arith.constant 0 : i32
        %dma_start3A_308 = tpu.memref_slice %arg11[%mul3A_208, %dma_start3A_307] : memref<10112x8xf32, #tpu.memory_space<hbm>> -> memref<128x8xf32, #tpu.memory_space<hbm>>
        %dma_start3A_309 = arith.constant 0 : i32
        %dma_start3A_310 = tpu.memref_slice %arg32[%mul3A_208, %dma_start3A_309] : memref<10112x8xf32, #tpu.memory_space<vmem_shared>> -> memref<128x8xf32, #tpu.memory_space<vmem_shared>>
        tpu.enqueue_dma source(%dma_start3A_310 : memref<128x8xf32, #tpu.memory_space<vmem_shared>>) target(%dma_start3A_308 : memref<128x8xf32, #tpu.memory_space<hbm>>) target_semaphore(%arg33 : memref<!tpu.dma_semaphore, #tpu.memory_space<semaphore_mem>>)
      } else {
      }
      %add3A_216 = arith.constant 32 : i32
      %add3A_217 = arith.addi %arg1, %add3A_216 : i32
      %mul3A_218 = arith.constant 128 : i32
      %mul3A_219 = arith.muli %add3A_217, %mul3A_218 : i32
      %add3A_220 = arith.constant 32 : i32
      %add3A_221 = arith.addi %arg1, %add3A_220 : i32
      %lt3A_222 = arith.constant 79 : i32
      %lt3A_223 = arith.cmpi slt, %add3A_221, %lt3A_222 : i32
      %convert_element_type3A_224 = arith.extui %lt3A_223 : i1 to i32
      %cond3A_225 = arith.constant 0 : i32
      %cond3A_226 = arith.cmpi ne, %convert_element_type3A_224, %cond3A_225 : i32
      scf.if %cond3A_226 {
        %dma_start3A = arith.constant 0 : i32
        %dma_start3A_304 = tpu.memref_slice %arg9[%mul3A_219, %dma_start3A] : memref<10112x128xf32, #tpu.memory_space<hbm>> -> memref<128x128xf32, #tpu.memory_space<hbm>>
        %dma_start3A_305 = arith.constant 0 : i32
        %dma_start3A_306 = tpu.memref_slice %arg31[%mul3A_219, %dma_start3A_305] : memref<10112x128xf32, #tpu.memory_space<vmem_shared>> -> memref<128x128xf32, #tpu.memory_space<vmem_shared>>
        tpu.enqueue_dma source(%dma_start3A_306 : memref<128x128xf32, #tpu.memory_space<vmem_shared>>) target(%dma_start3A_304 : memref<128x128xf32, #tpu.memory_space<hbm>>) target_semaphore(%arg33 : memref<!tpu.dma_semaphore, #tpu.memory_space<semaphore_mem>>)
        %dma_start3A_307 = arith.constant 0 : i32
        %dma_start3A_308 = tpu.memref_slice %arg11[%mul3A_219, %dma_start3A_307] : memref<10112x8xf32, #tpu.memory_space<hbm>> -> memref<128x8xf32, #tpu.memory_space<hbm>>
        %dma_start3A_309 = arith.constant 0 : i32
        %dma_start3A_310 = tpu.memref_slice %arg32[%mul3A_219, %dma_start3A_309] : memref<10112x8xf32, #tpu.memory_space<vmem_shared>> -> memref<128x8xf32, #tpu.memory_space<vmem_shared>>
        tpu.enqueue_dma source(%dma_start3A_310 : memref<128x8xf32, #tpu.memory_space<vmem_shared>>) target(%dma_start3A_308 : memref<128x8xf32, #tpu.memory_space<hbm>>) target_semaphore(%arg33 : memref<!tpu.dma_semaphore, #tpu.memory_space<semaphore_mem>>)
      } else {
      }
      %add3A_227 = arith.constant 48 : i32
      %add3A_228 = arith.addi %arg1, %add3A_227 : i32
      %mul3A_229 = arith.constant 128 : i32
      %mul3A_230 = arith.muli %add3A_228, %mul3A_229 : i32
      %add3A_231 = arith.constant 48 : i32
      %add3A_232 = arith.addi %arg1, %add3A_231 : i32
      %lt3A_233 = arith.constant 79 : i32
      %lt3A_234 = arith.cmpi slt, %add3A_232, %lt3A_233 : i32
      %convert_element_type3A_235 = arith.extui %lt3A_234 : i1 to i32
      %cond3A_236 = arith.constant 0 : i32
      %cond3A_237 = arith.cmpi ne, %convert_element_type3A_235, %cond3A_236 : i32
      scf.if %cond3A_237 {
        %dma_start3A = arith.constant 0 : i32
        %dma_start3A_304 = tpu.memref_slice %arg9[%mul3A_230, %dma_start3A] : memref<10112x128xf32, #tpu.memory_space<hbm>> -> memref<128x128xf32, #tpu.memory_space<hbm>>
        %dma_start3A_305 = arith.constant 0 : i32
        %dma_start3A_306 = tpu.memref_slice %arg31[%mul3A_230, %dma_start3A_305] : memref<10112x128xf32, #tpu.memory_space<vmem_shared>> -> memref<128x128xf32, #tpu.memory_space<vmem_shared>>
        tpu.enqueue_dma source(%dma_start3A_306 : memref<128x128xf32, #tpu.memory_space<vmem_shared>>) target(%dma_start3A_304 : memref<128x128xf32, #tpu.memory_space<hbm>>) target_semaphore(%arg33 : memref<!tpu.dma_semaphore, #tpu.memory_space<semaphore_mem>>)
        %dma_start3A_307 = arith.constant 0 : i32
        %dma_start3A_308 = tpu.memref_slice %arg11[%mul3A_230, %dma_start3A_307] : memref<10112x8xf32, #tpu.memory_space<hbm>> -> memref<128x8xf32, #tpu.memory_space<hbm>>
        %dma_start3A_309 = arith.constant 0 : i32
        %dma_start3A_310 = tpu.memref_slice %arg32[%mul3A_230, %dma_start3A_309] : memref<10112x8xf32, #tpu.memory_space<vmem_shared>> -> memref<128x8xf32, #tpu.memory_space<vmem_shared>>
        tpu.enqueue_dma source(%dma_start3A_310 : memref<128x8xf32, #tpu.memory_space<vmem_shared>>) target(%dma_start3A_308 : memref<128x8xf32, #tpu.memory_space<hbm>>) target_semaphore(%arg33 : memref<!tpu.dma_semaphore, #tpu.memory_space<semaphore_mem>>)
      } else {
      }
      %add3A_238 = arith.constant 64 : i32
      %add3A_239 = arith.addi %arg1, %add3A_238 : i32
      %mul3A_240 = arith.constant 128 : i32
      %mul3A_241 = arith.muli %add3A_239, %mul3A_240 : i32
      %add3A_242 = arith.constant 64 : i32
      %add3A_243 = arith.addi %arg1, %add3A_242 : i32
      %lt3A_244 = arith.constant 79 : i32
      %lt3A_245 = arith.cmpi slt, %add3A_243, %lt3A_244 : i32
      %convert_element_type3A_246 = arith.extui %lt3A_245 : i1 to i32
      %cond3A_247 = arith.constant 0 : i32
      %cond3A_248 = arith.cmpi ne, %convert_element_type3A_246, %cond3A_247 : i32
      scf.if %cond3A_248 {
        %dma_start3A = arith.constant 0 : i32
        %dma_start3A_304 = tpu.memref_slice %arg9[%mul3A_241, %dma_start3A] : memref<10112x128xf32, #tpu.memory_space<hbm>> -> memref<128x128xf32, #tpu.memory_space<hbm>>
        %dma_start3A_305 = arith.constant 0 : i32
        %dma_start3A_306 = tpu.memref_slice %arg31[%mul3A_241, %dma_start3A_305] : memref<10112x128xf32, #tpu.memory_space<vmem_shared>> -> memref<128x128xf32, #tpu.memory_space<vmem_shared>>
        tpu.enqueue_dma source(%dma_start3A_306 : memref<128x128xf32, #tpu.memory_space<vmem_shared>>) target(%dma_start3A_304 : memref<128x128xf32, #tpu.memory_space<hbm>>) target_semaphore(%arg33 : memref<!tpu.dma_semaphore, #tpu.memory_space<semaphore_mem>>)
        %dma_start3A_307 = arith.constant 0 : i32
        %dma_start3A_308 = tpu.memref_slice %arg11[%mul3A_241, %dma_start3A_307] : memref<10112x8xf32, #tpu.memory_space<hbm>> -> memref<128x8xf32, #tpu.memory_space<hbm>>
        %dma_start3A_309 = arith.constant 0 : i32
        %dma_start3A_310 = tpu.memref_slice %arg32[%mul3A_241, %dma_start3A_309] : memref<10112x8xf32, #tpu.memory_space<vmem_shared>> -> memref<128x8xf32, #tpu.memory_space<vmem_shared>>
        tpu.enqueue_dma source(%dma_start3A_310 : memref<128x8xf32, #tpu.memory_space<vmem_shared>>) target(%dma_start3A_308 : memref<128x8xf32, #tpu.memory_space<hbm>>) target_semaphore(%arg33 : memref<!tpu.dma_semaphore, #tpu.memory_space<semaphore_mem>>)
      } else {
      }
      %add3A_249 = arith.constant 0 : i32
      %add3A_250 = arith.addi %arg1, %add3A_249 : i32
      %mul3A_251 = arith.constant 128 : i32
      %mul3A_252 = arith.muli %add3A_250, %mul3A_251 : i32
      %add3A_253 = arith.constant 0 : i32
      %add3A_254 = arith.addi %arg1, %add3A_253 : i32
      %lt3A_255 = arith.constant 79 : i32
      %lt3A_256 = arith.cmpi slt, %add3A_254, %lt3A_255 : i32
      %convert_element_type3A_257 = arith.extui %lt3A_256 : i1 to i32
      %cond3A_258 = arith.constant 0 : i32
      %cond3A_259 = arith.cmpi ne, %convert_element_type3A_257, %cond3A_258 : i32
      scf.if %cond3A_259 {
        %dma_wait3A = arith.constant 0 : i32
        %dma_wait3A_304 = tpu.memref_slice %arg9[%mul3A_252, %dma_wait3A] : memref<10112x128xf32, #tpu.memory_space<hbm>> -> memref<128x128xf32, #tpu.memory_space<hbm>>
        %dma_wait3A_305 = arith.constant 0 : i32
        %dma_wait3A_306 = tpu.memref_slice %arg31[%mul3A_252, %dma_wait3A_305] : memref<10112x128xf32, #tpu.memory_space<vmem_shared>> -> memref<128x128xf32, #tpu.memory_space<vmem_shared>>
        tpu.wait_dma2 semaphore(%arg33 : memref<!tpu.dma_semaphore, #tpu.memory_space<semaphore_mem>>) src(%dma_wait3A_306 : memref<128x128xf32, #tpu.memory_space<vmem_shared>>) dst(%dma_wait3A_304 : memref<128x128xf32, #tpu.memory_space<hbm>>)
        %dma_wait3A_307 = arith.constant 0 : i32
        %dma_wait3A_308 = tpu.memref_slice %arg11[%mul3A_252, %dma_wait3A_307] : memref<10112x8xf32, #tpu.memory_space<hbm>> -> memref<128x8xf32, #tpu.memory_space<hbm>>
        %dma_wait3A_309 = arith.constant 0 : i32
        %dma_wait3A_310 = tpu.memref_slice %arg32[%mul3A_252, %dma_wait3A_309] : memref<10112x8xf32, #tpu.memory_space<vmem_shared>> -> memref<128x8xf32, #tpu.memory_space<vmem_shared>>
        tpu.wait_dma2 semaphore(%arg33 : memref<!tpu.dma_semaphore, #tpu.memory_space<semaphore_mem>>) src(%dma_wait3A_310 : memref<128x8xf32, #tpu.memory_space<vmem_shared>>) dst(%dma_wait3A_308 : memref<128x8xf32, #tpu.memory_space<hbm>>)
      } else {
      }
      %add3A_260 = arith.constant 16 : i32
      %add3A_261 = arith.addi %arg1, %add3A_260 : i32
      %mul3A_262 = arith.constant 128 : i32
      %mul3A_263 = arith.muli %add3A_261, %mul3A_262 : i32
      %add3A_264 = arith.constant 16 : i32
      %add3A_265 = arith.addi %arg1, %add3A_264 : i32
      %lt3A_266 = arith.constant 79 : i32
      %lt3A_267 = arith.cmpi slt, %add3A_265, %lt3A_266 : i32
      %convert_element_type3A_268 = arith.extui %lt3A_267 : i1 to i32
      %cond3A_269 = arith.constant 0 : i32
      %cond3A_270 = arith.cmpi ne, %convert_element_type3A_268, %cond3A_269 : i32
      scf.if %cond3A_270 {
        %dma_wait3A = arith.constant 0 : i32
        %dma_wait3A_304 = tpu.memref_slice %arg9[%mul3A_263, %dma_wait3A] : memref<10112x128xf32, #tpu.memory_space<hbm>> -> memref<128x128xf32, #tpu.memory_space<hbm>>
        %dma_wait3A_305 = arith.constant 0 : i32
        %dma_wait3A_306 = tpu.memref_slice %arg31[%mul3A_263, %dma_wait3A_305] : memref<10112x128xf32, #tpu.memory_space<vmem_shared>> -> memref<128x128xf32, #tpu.memory_space<vmem_shared>>
        tpu.wait_dma2 semaphore(%arg33 : memref<!tpu.dma_semaphore, #tpu.memory_space<semaphore_mem>>) src(%dma_wait3A_306 : memref<128x128xf32, #tpu.memory_space<vmem_shared>>) dst(%dma_wait3A_304 : memref<128x128xf32, #tpu.memory_space<hbm>>)
        %dma_wait3A_307 = arith.constant 0 : i32
        %dma_wait3A_308 = tpu.memref_slice %arg11[%mul3A_263, %dma_wait3A_307] : memref<10112x8xf32, #tpu.memory_space<hbm>> -> memref<128x8xf32, #tpu.memory_space<hbm>>
        %dma_wait3A_309 = arith.constant 0 : i32
        %dma_wait3A_310 = tpu.memref_slice %arg32[%mul3A_263, %dma_wait3A_309] : memref<10112x8xf32, #tpu.memory_space<vmem_shared>> -> memref<128x8xf32, #tpu.memory_space<vmem_shared>>
        tpu.wait_dma2 semaphore(%arg33 : memref<!tpu.dma_semaphore, #tpu.memory_space<semaphore_mem>>) src(%dma_wait3A_310 : memref<128x8xf32, #tpu.memory_space<vmem_shared>>) dst(%dma_wait3A_308 : memref<128x8xf32, #tpu.memory_space<hbm>>)
      } else {
      }
      %add3A_271 = arith.constant 32 : i32
      %add3A_272 = arith.addi %arg1, %add3A_271 : i32
      %mul3A_273 = arith.constant 128 : i32
      %mul3A_274 = arith.muli %add3A_272, %mul3A_273 : i32
      %add3A_275 = arith.constant 32 : i32
      %add3A_276 = arith.addi %arg1, %add3A_275 : i32
      %lt3A_277 = arith.constant 79 : i32
      %lt3A_278 = arith.cmpi slt, %add3A_276, %lt3A_277 : i32
      %convert_element_type3A_279 = arith.extui %lt3A_278 : i1 to i32
      %cond3A_280 = arith.constant 0 : i32
      %cond3A_281 = arith.cmpi ne, %convert_element_type3A_279, %cond3A_280 : i32
      scf.if %cond3A_281 {
        %dma_wait3A = arith.constant 0 : i32
        %dma_wait3A_304 = tpu.memref_slice %arg9[%mul3A_274, %dma_wait3A] : memref<10112x128xf32, #tpu.memory_space<hbm>> -> memref<128x128xf32, #tpu.memory_space<hbm>>
        %dma_wait3A_305 = arith.constant 0 : i32
        %dma_wait3A_306 = tpu.memref_slice %arg31[%mul3A_274, %dma_wait3A_305] : memref<10112x128xf32, #tpu.memory_space<vmem_shared>> -> memref<128x128xf32, #tpu.memory_space<vmem_shared>>
        tpu.wait_dma2 semaphore(%arg33 : memref<!tpu.dma_semaphore, #tpu.memory_space<semaphore_mem>>) src(%dma_wait3A_306 : memref<128x128xf32, #tpu.memory_space<vmem_shared>>) dst(%dma_wait3A_304 : memref<128x128xf32, #tpu.memory_space<hbm>>)
        %dma_wait3A_307 = arith.constant 0 : i32
        %dma_wait3A_308 = tpu.memref_slice %arg11[%mul3A_274, %dma_wait3A_307] : memref<10112x8xf32, #tpu.memory_space<hbm>> -> memref<128x8xf32, #tpu.memory_space<hbm>>
        %dma_wait3A_309 = arith.constant 0 : i32
        %dma_wait3A_310 = tpu.memref_slice %arg32[%mul3A_274, %dma_wait3A_309] : memref<10112x8xf32, #tpu.memory_space<vmem_shared>> -> memref<128x8xf32, #tpu.memory_space<vmem_shared>>
        tpu.wait_dma2 semaphore(%arg33 : memref<!tpu.dma_semaphore, #tpu.memory_space<semaphore_mem>>) src(%dma_wait3A_310 : memref<128x8xf32, #tpu.memory_space<vmem_shared>>) dst(%dma_wait3A_308 : memref<128x8xf32, #tpu.memory_space<hbm>>)
      } else {
      }
      %add3A_282 = arith.constant 48 : i32
      %add3A_283 = arith.addi %arg1, %add3A_282 : i32
      %mul3A_284 = arith.constant 128 : i32
      %mul3A_285 = arith.muli %add3A_283, %mul3A_284 : i32
      %add3A_286 = arith.constant 48 : i32
      %add3A_287 = arith.addi %arg1, %add3A_286 : i32
      %lt3A_288 = arith.constant 79 : i32
      %lt3A_289 = arith.cmpi slt, %add3A_287, %lt3A_288 : i32
      %convert_element_type3A_290 = arith.extui %lt3A_289 : i1 to i32
      %cond3A_291 = arith.constant 0 : i32
      %cond3A_292 = arith.cmpi ne, %convert_element_type3A_290, %cond3A_291 : i32
      scf.if %cond3A_292 {
        %dma_wait3A = arith.constant 0 : i32
        %dma_wait3A_304 = tpu.memref_slice %arg9[%mul3A_285, %dma_wait3A] : memref<10112x128xf32, #tpu.memory_space<hbm>> -> memref<128x128xf32, #tpu.memory_space<hbm>>
        %dma_wait3A_305 = arith.constant 0 : i32
        %dma_wait3A_306 = tpu.memref_slice %arg31[%mul3A_285, %dma_wait3A_305] : memref<10112x128xf32, #tpu.memory_space<vmem_shared>> -> memref<128x128xf32, #tpu.memory_space<vmem_shared>>
        tpu.wait_dma2 semaphore(%arg33 : memref<!tpu.dma_semaphore, #tpu.memory_space<semaphore_mem>>) src(%dma_wait3A_306 : memref<128x128xf32, #tpu.memory_space<vmem_shared>>) dst(%dma_wait3A_304 : memref<128x128xf32, #tpu.memory_space<hbm>>)
        %dma_wait3A_307 = arith.constant 0 : i32
        %dma_wait3A_308 = tpu.memref_slice %arg11[%mul3A_285, %dma_wait3A_307] : memref<10112x8xf32, #tpu.memory_space<hbm>> -> memref<128x8xf32, #tpu.memory_space<hbm>>
        %dma_wait3A_309 = arith.constant 0 : i32
        %dma_wait3A_310 = tpu.memref_slice %arg32[%mul3A_285, %dma_wait3A_309] : memref<10112x8xf32, #tpu.memory_space<vmem_shared>> -> memref<128x8xf32, #tpu.memory_space<vmem_shared>>
        tpu.wait_dma2 semaphore(%arg33 : memref<!tpu.dma_semaphore, #tpu.memory_space<semaphore_mem>>) src(%dma_wait3A_310 : memref<128x8xf32, #tpu.memory_space<vmem_shared>>) dst(%dma_wait3A_308 : memref<128x8xf32, #tpu.memory_space<hbm>>)
      } else {
      }
      %add3A_293 = arith.constant 64 : i32
      %add3A_294 = arith.addi %arg1, %add3A_293 : i32
      %mul3A_295 = arith.constant 128 : i32
      %mul3A_296 = arith.muli %add3A_294, %mul3A_295 : i32
      %add3A_297 = arith.constant 64 : i32
      %add3A_298 = arith.addi %arg1, %add3A_297 : i32
      %lt3A_299 = arith.constant 79 : i32
      %lt3A_300 = arith.cmpi slt, %add3A_298, %lt3A_299 : i32
      %convert_element_type3A_301 = arith.extui %lt3A_300 : i1 to i32
      %cond3A_302 = arith.constant 0 : i32
      %cond3A_303 = arith.cmpi ne, %convert_element_type3A_301, %cond3A_302 : i32
      scf.if %cond3A_303 {
        %dma_wait3A = arith.constant 0 : i32
        %dma_wait3A_304 = tpu.memref_slice %arg9[%mul3A_296, %dma_wait3A] : memref<10112x128xf32, #tpu.memory_space<hbm>> -> memref<128x128xf32, #tpu.memory_space<hbm>>
        %dma_wait3A_305 = arith.constant 0 : i32
        %dma_wait3A_306 = tpu.memref_slice %arg31[%mul3A_296, %dma_wait3A_305] : memref<10112x128xf32, #tpu.memory_space<vmem_shared>> -> memref<128x128xf32, #tpu.memory_space<vmem_shared>>
        tpu.wait_dma2 semaphore(%arg33 : memref<!tpu.dma_semaphore, #tpu.memory_space<semaphore_mem>>) src(%dma_wait3A_306 : memref<128x128xf32, #tpu.memory_space<vmem_shared>>) dst(%dma_wait3A_304 : memref<128x128xf32, #tpu.memory_space<hbm>>)
        %dma_wait3A_307 = arith.constant 0 : i32
        %dma_wait3A_308 = tpu.memref_slice %arg11[%mul3A_296, %dma_wait3A_307] : memref<10112x8xf32, #tpu.memory_space<hbm>> -> memref<128x8xf32, #tpu.memory_space<hbm>>
        %dma_wait3A_309 = arith.constant 0 : i32
        %dma_wait3A_310 = tpu.memref_slice %arg32[%mul3A_296, %dma_wait3A_309] : memref<10112x8xf32, #tpu.memory_space<vmem_shared>> -> memref<128x8xf32, #tpu.memory_space<vmem_shared>>
        tpu.wait_dma2 semaphore(%arg33 : memref<!tpu.dma_semaphore, #tpu.memory_space<semaphore_mem>>) src(%dma_wait3A_310 : memref<128x8xf32, #tpu.memory_space<vmem_shared>>) dst(%dma_wait3A_308 : memref<128x8xf32, #tpu.memory_space<hbm>>)
      } else {
      }
    } else {
    }
    %eq3A_189 = arith.constant 1 : i32
    %eq3A_190 = arith.cmpi eq, %arg0, %eq3A_189 : i32
    %convert_element_type3A_191 = arith.extui %eq3A_190 : i1 to i32
    %cond3A_192 = arith.constant 0 : i32
    %cond3A_193 = arith.cmpi ne, %convert_element_type3A_191, %cond3A_192 : i32
    scf.if %cond3A_193 {
      %add3A_194 = arith.constant 0 : i32
      %add3A_195 = arith.addi %arg1, %add3A_194 : i32
      %mul3A_196 = arith.constant 128 : i32
      %mul3A_197 = arith.muli %add3A_195, %mul3A_196 : i32
      %add3A_198 = arith.constant 0 : i32
      %add3A_199 = arith.addi %arg1, %add3A_198 : i32
      %lt3A_200 = arith.constant 79 : i32
      %lt3A_201 = arith.cmpi slt, %add3A_199, %lt3A_200 : i32
      %convert_element_type3A_202 = arith.extui %lt3A_201 : i1 to i32
      %cond3A_203 = arith.constant 0 : i32
      %cond3A_204 = arith.cmpi ne, %convert_element_type3A_202, %cond3A_203 : i32
      scf.if %cond3A_204 {
        %dma_start3A = arith.constant 0 : i32
        %dma_start3A_304 = tpu.memref_slice %arg10[%mul3A_197, %dma_start3A] : memref<10112x128xf32, #tpu.memory_space<hbm>> -> memref<128x128xf32, #tpu.memory_space<hbm>>
        %dma_start3A_305 = arith.constant 0 : i32
        %dma_start3A_306 = tpu.memref_slice %arg31[%mul3A_197, %dma_start3A_305] : memref<10112x128xf32, #tpu.memory_space<vmem_shared>> -> memref<128x128xf32, #tpu.memory_space<vmem_shared>>
        tpu.enqueue_dma source(%dma_start3A_306 : memref<128x128xf32, #tpu.memory_space<vmem_shared>>) target(%dma_start3A_304 : memref<128x128xf32, #tpu.memory_space<hbm>>) target_semaphore(%arg33 : memref<!tpu.dma_semaphore, #tpu.memory_space<semaphore_mem>>)
        %dma_start3A_307 = arith.constant 0 : i32
        %dma_start3A_308 = tpu.memref_slice %arg12[%mul3A_197, %dma_start3A_307] : memref<10112x8xf32, #tpu.memory_space<hbm>> -> memref<128x8xf32, #tpu.memory_space<hbm>>
        %dma_start3A_309 = arith.constant 0 : i32
        %dma_start3A_310 = tpu.memref_slice %arg32[%mul3A_197, %dma_start3A_309] : memref<10112x8xf32, #tpu.memory_space<vmem_shared>> -> memref<128x8xf32, #tpu.memory_space<vmem_shared>>
        tpu.enqueue_dma source(%dma_start3A_310 : memref<128x8xf32, #tpu.memory_space<vmem_shared>>) target(%dma_start3A_308 : memref<128x8xf32, #tpu.memory_space<hbm>>) target_semaphore(%arg33 : memref<!tpu.dma_semaphore, #tpu.memory_space<semaphore_mem>>)
      } else {
      }
      %add3A_205 = arith.constant 16 : i32
      %add3A_206 = arith.addi %arg1, %add3A_205 : i32
      %mul3A_207 = arith.constant 128 : i32
      %mul3A_208 = arith.muli %add3A_206, %mul3A_207 : i32
      %add3A_209 = arith.constant 16 : i32
      %add3A_210 = arith.addi %arg1, %add3A_209 : i32
      %lt3A_211 = arith.constant 79 : i32
      %lt3A_212 = arith.cmpi slt, %add3A_210, %lt3A_211 : i32
      %convert_element_type3A_213 = arith.extui %lt3A_212 : i1 to i32
      %cond3A_214 = arith.constant 0 : i32
      %cond3A_215 = arith.cmpi ne, %convert_element_type3A_213, %cond3A_214 : i32
      scf.if %cond3A_215 {
        %dma_start3A = arith.constant 0 : i32
        %dma_start3A_304 = tpu.memref_slice %arg10[%mul3A_208, %dma_start3A] : memref<10112x128xf32, #tpu.memory_space<hbm>> -> memref<128x128xf32, #tpu.memory_space<hbm>>
        %dma_start3A_305 = arith.constant 0 : i32
        %dma_start3A_306 = tpu.memref_slice %arg31[%mul3A_208, %dma_start3A_305] : memref<10112x128xf32, #tpu.memory_space<vmem_shared>> -> memref<128x128xf32, #tpu.memory_space<vmem_shared>>
        tpu.enqueue_dma source(%dma_start3A_306 : memref<128x128xf32, #tpu.memory_space<vmem_shared>>) target(%dma_start3A_304 : memref<128x128xf32, #tpu.memory_space<hbm>>) target_semaphore(%arg33 : memref<!tpu.dma_semaphore, #tpu.memory_space<semaphore_mem>>)
        %dma_start3A_307 = arith.constant 0 : i32
        %dma_start3A_308 = tpu.memref_slice %arg12[%mul3A_208, %dma_start3A_307] : memref<10112x8xf32, #tpu.memory_space<hbm>> -> memref<128x8xf32, #tpu.memory_space<hbm>>
        %dma_start3A_309 = arith.constant 0 : i32
        %dma_start3A_310 = tpu.memref_slice %arg32[%mul3A_208, %dma_start3A_309] : memref<10112x8xf32, #tpu.memory_space<vmem_shared>> -> memref<128x8xf32, #tpu.memory_space<vmem_shared>>
        tpu.enqueue_dma source(%dma_start3A_310 : memref<128x8xf32, #tpu.memory_space<vmem_shared>>) target(%dma_start3A_308 : memref<128x8xf32, #tpu.memory_space<hbm>>) target_semaphore(%arg33 : memref<!tpu.dma_semaphore, #tpu.memory_space<semaphore_mem>>)
      } else {
      }
      %add3A_216 = arith.constant 32 : i32
      %add3A_217 = arith.addi %arg1, %add3A_216 : i32
      %mul3A_218 = arith.constant 128 : i32
      %mul3A_219 = arith.muli %add3A_217, %mul3A_218 : i32
      %add3A_220 = arith.constant 32 : i32
      %add3A_221 = arith.addi %arg1, %add3A_220 : i32
      %lt3A_222 = arith.constant 79 : i32
      %lt3A_223 = arith.cmpi slt, %add3A_221, %lt3A_222 : i32
      %convert_element_type3A_224 = arith.extui %lt3A_223 : i1 to i32
      %cond3A_225 = arith.constant 0 : i32
      %cond3A_226 = arith.cmpi ne, %convert_element_type3A_224, %cond3A_225 : i32
      scf.if %cond3A_226 {
        %dma_start3A = arith.constant 0 : i32
        %dma_start3A_304 = tpu.memref_slice %arg10[%mul3A_219, %dma_start3A] : memref<10112x128xf32, #tpu.memory_space<hbm>> -> memref<128x128xf32, #tpu.memory_space<hbm>>
        %dma_start3A_305 = arith.constant 0 : i32
        %dma_start3A_306 = tpu.memref_slice %arg31[%mul3A_219, %dma_start3A_305] : memref<10112x128xf32, #tpu.memory_space<vmem_shared>> -> memref<128x128xf32, #tpu.memory_space<vmem_shared>>
        tpu.enqueue_dma source(%dma_start3A_306 : memref<128x128xf32, #tpu.memory_space<vmem_shared>>) target(%dma_start3A_304 : memref<128x128xf32, #tpu.memory_space<hbm>>) target_semaphore(%arg33 : memref<!tpu.dma_semaphore, #tpu.memory_space<semaphore_mem>>)
        %dma_start3A_307 = arith.constant 0 : i32
        %dma_start3A_308 = tpu.memref_slice %arg12[%mul3A_219, %dma_start3A_307] : memref<10112x8xf32, #tpu.memory_space<hbm>> -> memref<128x8xf32, #tpu.memory_space<hbm>>
        %dma_start3A_309 = arith.constant 0 : i32
        %dma_start3A_310 = tpu.memref_slice %arg32[%mul3A_219, %dma_start3A_309] : memref<10112x8xf32, #tpu.memory_space<vmem_shared>> -> memref<128x8xf32, #tpu.memory_space<vmem_shared>>
        tpu.enqueue_dma source(%dma_start3A_310 : memref<128x8xf32, #tpu.memory_space<vmem_shared>>) target(%dma_start3A_308 : memref<128x8xf32, #tpu.memory_space<hbm>>) target_semaphore(%arg33 : memref<!tpu.dma_semaphore, #tpu.memory_space<semaphore_mem>>)
      } else {
      }
      %add3A_227 = arith.constant 48 : i32
      %add3A_228 = arith.addi %arg1, %add3A_227 : i32
      %mul3A_229 = arith.constant 128 : i32
      %mul3A_230 = arith.muli %add3A_228, %mul3A_229 : i32
      %add3A_231 = arith.constant 48 : i32
      %add3A_232 = arith.addi %arg1, %add3A_231 : i32
      %lt3A_233 = arith.constant 79 : i32
      %lt3A_234 = arith.cmpi slt, %add3A_232, %lt3A_233 : i32
      %convert_element_type3A_235 = arith.extui %lt3A_234 : i1 to i32
      %cond3A_236 = arith.constant 0 : i32
      %cond3A_237 = arith.cmpi ne, %convert_element_type3A_235, %cond3A_236 : i32
      scf.if %cond3A_237 {
        %dma_start3A = arith.constant 0 : i32
        %dma_start3A_304 = tpu.memref_slice %arg10[%mul3A_230, %dma_start3A] : memref<10112x128xf32, #tpu.memory_space<hbm>> -> memref<128x128xf32, #tpu.memory_space<hbm>>
        %dma_start3A_305 = arith.constant 0 : i32
        %dma_start3A_306 = tpu.memref_slice %arg31[%mul3A_230, %dma_start3A_305] : memref<10112x128xf32, #tpu.memory_space<vmem_shared>> -> memref<128x128xf32, #tpu.memory_space<vmem_shared>>
        tpu.enqueue_dma source(%dma_start3A_306 : memref<128x128xf32, #tpu.memory_space<vmem_shared>>) target(%dma_start3A_304 : memref<128x128xf32, #tpu.memory_space<hbm>>) target_semaphore(%arg33 : memref<!tpu.dma_semaphore, #tpu.memory_space<semaphore_mem>>)
        %dma_start3A_307 = arith.constant 0 : i32
        %dma_start3A_308 = tpu.memref_slice %arg12[%mul3A_230, %dma_start3A_307] : memref<10112x8xf32, #tpu.memory_space<hbm>> -> memref<128x8xf32, #tpu.memory_space<hbm>>
        %dma_start3A_309 = arith.constant 0 : i32
        %dma_start3A_310 = tpu.memref_slice %arg32[%mul3A_230, %dma_start3A_309] : memref<10112x8xf32, #tpu.memory_space<vmem_shared>> -> memref<128x8xf32, #tpu.memory_space<vmem_shared>>
        tpu.enqueue_dma source(%dma_start3A_310 : memref<128x8xf32, #tpu.memory_space<vmem_shared>>) target(%dma_start3A_308 : memref<128x8xf32, #tpu.memory_space<hbm>>) target_semaphore(%arg33 : memref<!tpu.dma_semaphore, #tpu.memory_space<semaphore_mem>>)
      } else {
      }
      %add3A_238 = arith.constant 64 : i32
      %add3A_239 = arith.addi %arg1, %add3A_238 : i32
      %mul3A_240 = arith.constant 128 : i32
      %mul3A_241 = arith.muli %add3A_239, %mul3A_240 : i32
      %add3A_242 = arith.constant 64 : i32
      %add3A_243 = arith.addi %arg1, %add3A_242 : i32
      %lt3A_244 = arith.constant 79 : i32
      %lt3A_245 = arith.cmpi slt, %add3A_243, %lt3A_244 : i32
      %convert_element_type3A_246 = arith.extui %lt3A_245 : i1 to i32
      %cond3A_247 = arith.constant 0 : i32
      %cond3A_248 = arith.cmpi ne, %convert_element_type3A_246, %cond3A_247 : i32
      scf.if %cond3A_248 {
        %dma_start3A = arith.constant 0 : i32
        %dma_start3A_304 = tpu.memref_slice %arg10[%mul3A_241, %dma_start3A] : memref<10112x128xf32, #tpu.memory_space<hbm>> -> memref<128x128xf32, #tpu.memory_space<hbm>>
        %dma_start3A_305 = arith.constant 0 : i32
        %dma_start3A_306 = tpu.memref_slice %arg31[%mul3A_241, %dma_start3A_305] : memref<10112x128xf32, #tpu.memory_space<vmem_shared>> -> memref<128x128xf32, #tpu.memory_space<vmem_shared>>
        tpu.enqueue_dma source(%dma_start3A_306 : memref<128x128xf32, #tpu.memory_space<vmem_shared>>) target(%dma_start3A_304 : memref<128x128xf32, #tpu.memory_space<hbm>>) target_semaphore(%arg33 : memref<!tpu.dma_semaphore, #tpu.memory_space<semaphore_mem>>)
        %dma_start3A_307 = arith.constant 0 : i32
        %dma_start3A_308 = tpu.memref_slice %arg12[%mul3A_241, %dma_start3A_307] : memref<10112x8xf32, #tpu.memory_space<hbm>> -> memref<128x8xf32, #tpu.memory_space<hbm>>
        %dma_start3A_309 = arith.constant 0 : i32
        %dma_start3A_310 = tpu.memref_slice %arg32[%mul3A_241, %dma_start3A_309] : memref<10112x8xf32, #tpu.memory_space<vmem_shared>> -> memref<128x8xf32, #tpu.memory_space<vmem_shared>>
        tpu.enqueue_dma source(%dma_start3A_310 : memref<128x8xf32, #tpu.memory_space<vmem_shared>>) target(%dma_start3A_308 : memref<128x8xf32, #tpu.memory_space<hbm>>) target_semaphore(%arg33 : memref<!tpu.dma_semaphore, #tpu.memory_space<semaphore_mem>>)
      } else {
      }
      %add3A_249 = arith.constant 0 : i32
      %add3A_250 = arith.addi %arg1, %add3A_249 : i32
      %mul3A_251 = arith.constant 128 : i32
      %mul3A_252 = arith.muli %add3A_250, %mul3A_251 : i32
      %add3A_253 = arith.constant 0 : i32
      %add3A_254 = arith.addi %arg1, %add3A_253 : i32
      %lt3A_255 = arith.constant 79 : i32
      %lt3A_256 = arith.cmpi slt, %add3A_254, %lt3A_255 : i32
      %convert_element_type3A_257 = arith.extui %lt3A_256 : i1 to i32
      %cond3A_258 = arith.constant 0 : i32
      %cond3A_259 = arith.cmpi ne, %convert_element_type3A_257, %cond3A_258 : i32
      scf.if %cond3A_259 {
        %dma_wait3A = arith.constant 0 : i32
        %dma_wait3A_304 = tpu.memref_slice %arg10[%mul3A_252, %dma_wait3A] : memref<10112x128xf32, #tpu.memory_space<hbm>> -> memref<128x128xf32, #tpu.memory_space<hbm>>
        %dma_wait3A_305 = arith.constant 0 : i32
        %dma_wait3A_306 = tpu.memref_slice %arg31[%mul3A_252, %dma_wait3A_305] : memref<10112x128xf32, #tpu.memory_space<vmem_shared>> -> memref<128x128xf32, #tpu.memory_space<vmem_shared>>
        tpu.wait_dma2 semaphore(%arg33 : memref<!tpu.dma_semaphore, #tpu.memory_space<semaphore_mem>>) src(%dma_wait3A_306 : memref<128x128xf32, #tpu.memory_space<vmem_shared>>) dst(%dma_wait3A_304 : memref<128x128xf32, #tpu.memory_space<hbm>>)
        %dma_wait3A_307 = arith.constant 0 : i32
        %dma_wait3A_308 = tpu.memref_slice %arg12[%mul3A_252, %dma_wait3A_307] : memref<10112x8xf32, #tpu.memory_space<hbm>> -> memref<128x8xf32, #tpu.memory_space<hbm>>
        %dma_wait3A_309 = arith.constant 0 : i32
        %dma_wait3A_310 = tpu.memref_slice %arg32[%mul3A_252, %dma_wait3A_309] : memref<10112x8xf32, #tpu.memory_space<vmem_shared>> -> memref<128x8xf32, #tpu.memory_space<vmem_shared>>
        tpu.wait_dma2 semaphore(%arg33 : memref<!tpu.dma_semaphore, #tpu.memory_space<semaphore_mem>>) src(%dma_wait3A_310 : memref<128x8xf32, #tpu.memory_space<vmem_shared>>) dst(%dma_wait3A_308 : memref<128x8xf32, #tpu.memory_space<hbm>>)
      } else {
      }
      %add3A_260 = arith.constant 16 : i32
      %add3A_261 = arith.addi %arg1, %add3A_260 : i32
      %mul3A_262 = arith.constant 128 : i32
      %mul3A_263 = arith.muli %add3A_261, %mul3A_262 : i32
      %add3A_264 = arith.constant 16 : i32
      %add3A_265 = arith.addi %arg1, %add3A_264 : i32
      %lt3A_266 = arith.constant 79 : i32
      %lt3A_267 = arith.cmpi slt, %add3A_265, %lt3A_266 : i32
      %convert_element_type3A_268 = arith.extui %lt3A_267 : i1 to i32
      %cond3A_269 = arith.constant 0 : i32
      %cond3A_270 = arith.cmpi ne, %convert_element_type3A_268, %cond3A_269 : i32
      scf.if %cond3A_270 {
        %dma_wait3A = arith.constant 0 : i32
        %dma_wait3A_304 = tpu.memref_slice %arg10[%mul3A_263, %dma_wait3A] : memref<10112x128xf32, #tpu.memory_space<hbm>> -> memref<128x128xf32, #tpu.memory_space<hbm>>
        %dma_wait3A_305 = arith.constant 0 : i32
        %dma_wait3A_306 = tpu.memref_slice %arg31[%mul3A_263, %dma_wait3A_305] : memref<10112x128xf32, #tpu.memory_space<vmem_shared>> -> memref<128x128xf32, #tpu.memory_space<vmem_shared>>
        tpu.wait_dma2 semaphore(%arg33 : memref<!tpu.dma_semaphore, #tpu.memory_space<semaphore_mem>>) src(%dma_wait3A_306 : memref<128x128xf32, #tpu.memory_space<vmem_shared>>) dst(%dma_wait3A_304 : memref<128x128xf32, #tpu.memory_space<hbm>>)
        %dma_wait3A_307 = arith.constant 0 : i32
        %dma_wait3A_308 = tpu.memref_slice %arg12[%mul3A_263, %dma_wait3A_307] : memref<10112x8xf32, #tpu.memory_space<hbm>> -> memref<128x8xf32, #tpu.memory_space<hbm>>
        %dma_wait3A_309 = arith.constant 0 : i32
        %dma_wait3A_310 = tpu.memref_slice %arg32[%mul3A_263, %dma_wait3A_309] : memref<10112x8xf32, #tpu.memory_space<vmem_shared>> -> memref<128x8xf32, #tpu.memory_space<vmem_shared>>
        tpu.wait_dma2 semaphore(%arg33 : memref<!tpu.dma_semaphore, #tpu.memory_space<semaphore_mem>>) src(%dma_wait3A_310 : memref<128x8xf32, #tpu.memory_space<vmem_shared>>) dst(%dma_wait3A_308 : memref<128x8xf32, #tpu.memory_space<hbm>>)
      } else {
      }
      %add3A_271 = arith.constant 32 : i32
      %add3A_272 = arith.addi %arg1, %add3A_271 : i32
      %mul3A_273 = arith.constant 128 : i32
      %mul3A_274 = arith.muli %add3A_272, %mul3A_273 : i32
      %add3A_275 = arith.constant 32 : i32
      %add3A_276 = arith.addi %arg1, %add3A_275 : i32
      %lt3A_277 = arith.constant 79 : i32
      %lt3A_278 = arith.cmpi slt, %add3A_276, %lt3A_277 : i32
      %convert_element_type3A_279 = arith.extui %lt3A_278 : i1 to i32
      %cond3A_280 = arith.constant 0 : i32
      %cond3A_281 = arith.cmpi ne, %convert_element_type3A_279, %cond3A_280 : i32
      scf.if %cond3A_281 {
        %dma_wait3A = arith.constant 0 : i32
        %dma_wait3A_304 = tpu.memref_slice %arg10[%mul3A_274, %dma_wait3A] : memref<10112x128xf32, #tpu.memory_space<hbm>> -> memref<128x128xf32, #tpu.memory_space<hbm>>
        %dma_wait3A_305 = arith.constant 0 : i32
        %dma_wait3A_306 = tpu.memref_slice %arg31[%mul3A_274, %dma_wait3A_305] : memref<10112x128xf32, #tpu.memory_space<vmem_shared>> -> memref<128x128xf32, #tpu.memory_space<vmem_shared>>
        tpu.wait_dma2 semaphore(%arg33 : memref<!tpu.dma_semaphore, #tpu.memory_space<semaphore_mem>>) src(%dma_wait3A_306 : memref<128x128xf32, #tpu.memory_space<vmem_shared>>) dst(%dma_wait3A_304 : memref<128x128xf32, #tpu.memory_space<hbm>>)
        %dma_wait3A_307 = arith.constant 0 : i32
        %dma_wait3A_308 = tpu.memref_slice %arg12[%mul3A_274, %dma_wait3A_307] : memref<10112x8xf32, #tpu.memory_space<hbm>> -> memref<128x8xf32, #tpu.memory_space<hbm>>
        %dma_wait3A_309 = arith.constant 0 : i32
        %dma_wait3A_310 = tpu.memref_slice %arg32[%mul3A_274, %dma_wait3A_309] : memref<10112x8xf32, #tpu.memory_space<vmem_shared>> -> memref<128x8xf32, #tpu.memory_space<vmem_shared>>
        tpu.wait_dma2 semaphore(%arg33 : memref<!tpu.dma_semaphore, #tpu.memory_space<semaphore_mem>>) src(%dma_wait3A_310 : memref<128x8xf32, #tpu.memory_space<vmem_shared>>) dst(%dma_wait3A_308 : memref<128x8xf32, #tpu.memory_space<hbm>>)
      } else {
      }
      %add3A_282 = arith.constant 48 : i32
      %add3A_283 = arith.addi %arg1, %add3A_282 : i32
      %mul3A_284 = arith.constant 128 : i32
      %mul3A_285 = arith.muli %add3A_283, %mul3A_284 : i32
      %add3A_286 = arith.constant 48 : i32
      %add3A_287 = arith.addi %arg1, %add3A_286 : i32
      %lt3A_288 = arith.constant 79 : i32
      %lt3A_289 = arith.cmpi slt, %add3A_287, %lt3A_288 : i32
      %convert_element_type3A_290 = arith.extui %lt3A_289 : i1 to i32
      %cond3A_291 = arith.constant 0 : i32
      %cond3A_292 = arith.cmpi ne, %convert_element_type3A_290, %cond3A_291 : i32
      scf.if %cond3A_292 {
        %dma_wait3A = arith.constant 0 : i32
        %dma_wait3A_304 = tpu.memref_slice %arg10[%mul3A_285, %dma_wait3A] : memref<10112x128xf32, #tpu.memory_space<hbm>> -> memref<128x128xf32, #tpu.memory_space<hbm>>
        %dma_wait3A_305 = arith.constant 0 : i32
        %dma_wait3A_306 = tpu.memref_slice %arg31[%mul3A_285, %dma_wait3A_305] : memref<10112x128xf32, #tpu.memory_space<vmem_shared>> -> memref<128x128xf32, #tpu.memory_space<vmem_shared>>
        tpu.wait_dma2 semaphore(%arg33 : memref<!tpu.dma_semaphore, #tpu.memory_space<semaphore_mem>>) src(%dma_wait3A_306 : memref<128x128xf32, #tpu.memory_space<vmem_shared>>) dst(%dma_wait3A_304 : memref<128x128xf32, #tpu.memory_space<hbm>>)
        %dma_wait3A_307 = arith.constant 0 : i32
        %dma_wait3A_308 = tpu.memref_slice %arg12[%mul3A_285, %dma_wait3A_307] : memref<10112x8xf32, #tpu.memory_space<hbm>> -> memref<128x8xf32, #tpu.memory_space<hbm>>
        %dma_wait3A_309 = arith.constant 0 : i32
        %dma_wait3A_310 = tpu.memref_slice %arg32[%mul3A_285, %dma_wait3A_309] : memref<10112x8xf32, #tpu.memory_space<vmem_shared>> -> memref<128x8xf32, #tpu.memory_space<vmem_shared>>
        tpu.wait_dma2 semaphore(%arg33 : memref<!tpu.dma_semaphore, #tpu.memory_space<semaphore_mem>>) src(%dma_wait3A_310 : memref<128x8xf32, #tpu.memory_space<vmem_shared>>) dst(%dma_wait3A_308 : memref<128x8xf32, #tpu.memory_space<hbm>>)
      } else {
      }
      %add3A_293 = arith.constant 64 : i32
      %add3A_294 = arith.addi %arg1, %add3A_293 : i32
      %mul3A_295 = arith.constant 128 : i32
      %mul3A_296 = arith.muli %add3A_294, %mul3A_295 : i32
      %add3A_297 = arith.constant 64 : i32
      %add3A_298 = arith.addi %arg1, %add3A_297 : i32
      %lt3A_299 = arith.constant 79 : i32
      %lt3A_300 = arith.cmpi slt, %add3A_298, %lt3A_299 : i32
      %convert_element_type3A_301 = arith.extui %lt3A_300 : i1 to i32
      %cond3A_302 = arith.constant 0 : i32
      %cond3A_303 = arith.cmpi ne, %convert_element_type3A_301, %cond3A_302 : i32
      scf.if %cond3A_303 {
        %dma_wait3A = arith.constant 0 : i32
        %dma_wait3A_304 = tpu.memref_slice %arg10[%mul3A_296, %dma_wait3A] : memref<10112x128xf32, #tpu.memory_space<hbm>> -> memref<128x128xf32, #tpu.memory_space<hbm>>
        %dma_wait3A_305 = arith.constant 0 : i32
        %dma_wait3A_306 = tpu.memref_slice %arg31[%mul3A_296, %dma_wait3A_305] : memref<10112x128xf32, #tpu.memory_space<vmem_shared>> -> memref<128x128xf32, #tpu.memory_space<vmem_shared>>
        tpu.wait_dma2 semaphore(%arg33 : memref<!tpu.dma_semaphore, #tpu.memory_space<semaphore_mem>>) src(%dma_wait3A_306 : memref<128x128xf32, #tpu.memory_space<vmem_shared>>) dst(%dma_wait3A_304 : memref<128x128xf32, #tpu.memory_space<hbm>>)
        %dma_wait3A_307 = arith.constant 0 : i32
        %dma_wait3A_308 = tpu.memref_slice %arg12[%mul3A_296, %dma_wait3A_307] : memref<10112x8xf32, #tpu.memory_space<hbm>> -> memref<128x8xf32, #tpu.memory_space<hbm>>
        %dma_wait3A_309 = arith.constant 0 : i32
        %dma_wait3A_310 = tpu.memref_slice %arg32[%mul3A_296, %dma_wait3A_309] : memref<10112x8xf32, #tpu.memory_space<vmem_shared>> -> memref<128x8xf32, #tpu.memory_space<vmem_shared>>
        tpu.wait_dma2 semaphore(%arg33 : memref<!tpu.dma_semaphore, #tpu.memory_space<semaphore_mem>>) src(%dma_wait3A_310 : memref<128x8xf32, #tpu.memory_space<vmem_shared>>) dst(%dma_wait3A_308 : memref<128x8xf32, #tpu.memory_space<hbm>>)
      } else {
      }
    } else {
    }
    return
  }
}

module attributes {stable_mosaic.version = 14 : i64} {
  func.func @mm(%arg0: i32, %arg1: memref<1000x128xf32, #tpu.memory_space<vmem>>, %arg2: memref<1000x128xf32, #tpu.memory_space<vmem>>, %arg3: memref<1000x8xf32, #tpu.memory_space<vmem>>, %arg4: memref<1000x8xf32, #tpu.memory_space<vmem>>, %arg5: memref<1000x256xf32, #tpu.memory_space<vmem>>, %arg6: memref<1000x3xf32, #tpu.memory_space<vmem>>, %arg7: memref<128x256xf32, #tpu.memory_space<vmem>>, %arg8: memref<128x256xf32, #tpu.memory_space<vmem>>, %arg9: memref<256x256xf32, #tpu.memory_space<vmem>>, %arg10: memref<8x256xf32, #tpu.memory_space<vmem>>, %arg11: memref<1000x256xf32, #tpu.memory_space<vmem>>) attributes {dimension_semantics = [#tpu.dimension_semantics<arbitrary>], iteration_bounds = array<i64: 10>, scalar_prefetch = 0 : i64, scratch_operands = 0 : i64, tpu.core_type = #tpu.core_type<tc>, window_params = [{transform_indices = @transform_0, window_bounds = array<i64: 1000, 128>}, {transform_indices = @transform_1, window_bounds = array<i64: 1000, 128>}, {transform_indices = @transform_2, window_bounds = array<i64: 1000, 8>}, {transform_indices = @transform_3, window_bounds = array<i64: 1000, 8>}, {transform_indices = @transform_4, window_bounds = array<i64: 1000, 256>}, {transform_indices = @transform_5, window_bounds = array<i64: 1000, 3>}, {pipeline_mode = #tpu.pipeline_mode<synchronous>, transform_indices = @transform_6, window_bounds = array<i64: 128, 256>}, {pipeline_mode = #tpu.pipeline_mode<synchronous>, transform_indices = @transform_7, window_bounds = array<i64: 128, 256>}, {pipeline_mode = #tpu.pipeline_mode<synchronous>, transform_indices = @transform_8, window_bounds = array<i64: 256, 256>}, {pipeline_mode = #tpu.pipeline_mode<synchronous>, transform_indices = @transform_9, window_bounds = array<i64: 8, 256>}, {transform_indices = @transform_10, window_bounds = array<i64: 1000, 256>}]} {
    %get3A = arith.constant 0 : index
    %get3A_0 = arith.constant 0 : index
    %get3A_1 = vector.load %arg3[%get3A, %get3A_0] : memref<1000x8xf32, #tpu.memory_space<vmem>>, vector<1000x8xf32>
    %get3A_2 = arith.constant 0 : index
    %get3A_3 = arith.constant 0 : index
    %get3A_4 = vector.load %arg4[%get3A_2, %get3A_3] : memref<1000x8xf32, #tpu.memory_space<vmem>>, vector<1000x8xf32>
    %add3A = arith.addf %get3A_1, %get3A_4 : vector<1000x8xf32>
    %slice3A = vector.extract_strided_slice %add3A {offsets = [0, 3], sizes = [1000, 1], strides = [1, 1]} : vector<1000x8xf32> to vector<1000x1xf32>
    %get3A_5 = arith.constant 0 : index
    %get3A_6 = arith.constant 0 : index
    %get3A_7 = vector.load %arg10[%get3A_5, %get3A_6] : memref<8x256xf32, #tpu.memory_space<vmem>>, vector<8x256xf32>
    %get3A_8 = arith.constant 0 : index
    %get3A_9 = arith.constant 0 : index
    %get3A_10 = vector.load %arg1[%get3A_8, %get3A_9] : memref<1000x128xf32, #tpu.memory_space<vmem>>, vector<1000x128xf32>
    %get3A_11 = arith.constant 0 : index
    %get3A_12 = arith.constant 0 : index
    %get3A_13 = vector.load %arg7[%get3A_11, %get3A_12] : memref<128x256xf32, #tpu.memory_space<vmem>>, vector<128x256xf32>
    %dot_general3A = arith.constant dense<0.000000e+00> : vector<1000x256xf32>
    %dot_general3A_14 = tpu.matmul %get3A_10, %get3A_13, %dot_general3A {dimension_numbers = #tpu.dot_dimension_numbers<[1], [0], [0], [1], [0, 0, 1, 1], [], []>, transpose_lhs_hint = false} : vector<1000x128xf32>, vector<128x256xf32>, vector<1000x256xf32> -> vector<1000x256xf32>
    %get3A_15 = arith.constant 0 : index
    %get3A_16 = arith.constant 0 : index
    %get3A_17 = vector.load %arg2[%get3A_15, %get3A_16] : memref<1000x128xf32, #tpu.memory_space<vmem>>, vector<1000x128xf32>
    %get3A_18 = arith.constant 0 : index
    %get3A_19 = arith.constant 0 : index
    %get3A_20 = vector.load %arg8[%get3A_18, %get3A_19] : memref<128x256xf32, #tpu.memory_space<vmem>>, vector<128x256xf32>
    %dot_general3A_21 = arith.constant dense<0.000000e+00> : vector<1000x256xf32>
    %dot_general3A_22 = tpu.matmul %get3A_17, %get3A_20, %dot_general3A_21 {dimension_numbers = #tpu.dot_dimension_numbers<[1], [0], [0], [1], [0, 0, 1, 1], [], []>, transpose_lhs_hint = false} : vector<1000x128xf32>, vector<128x256xf32>, vector<1000x256xf32> -> vector<1000x256xf32>
    %add3A_23 = arith.addf %dot_general3A_14, %dot_general3A_22 : vector<1000x256xf32>
    %get3A_24 = arith.constant 0 : index
    %get3A_25 = arith.constant 0 : index
    %get3A_26 = vector.load %arg5[%get3A_24, %get3A_25] : memref<1000x256xf32, #tpu.memory_space<vmem>>, vector<1000x256xf32>
    %mul3A = vector.broadcast %slice3A : vector<1000x1xf32> to vector<1000x256xf32>
    %mul3A_27 = arith.mulf %mul3A, %get3A_26 : vector<1000x256xf32>
    %get3A_28 = arith.constant 0 : index
    %get3A_29 = arith.constant 0 : index
    %get3A_30 = vector.load %arg9[%get3A_28, %get3A_29] : memref<256x256xf32, #tpu.memory_space<vmem>>, vector<256x256xf32>
    %dot_general3A_31 = arith.constant dense<0.000000e+00> : vector<1000x256xf32>
    %dot_general3A_32 = tpu.matmul %mul3A_27, %get3A_30, %dot_general3A_31 {dimension_numbers = #tpu.dot_dimension_numbers<[1], [0], [0], [1], [0, 0, 1, 1], [], []>, transpose_lhs_hint = false} : vector<1000x256xf32>, vector<256x256xf32>, vector<1000x256xf32> -> vector<1000x256xf32>
    %add3A_33 = arith.addf %add3A_23, %dot_general3A_32 : vector<1000x256xf32>
    %get3A_34 = arith.constant 0 : index
    %get3A_35 = arith.constant 0 : index
    %get3A_36 = vector.load %arg6[%get3A_34, %get3A_35] : memref<1000x3xf32, #tpu.memory_space<vmem>>, vector<1000x3xf32>
    %slice3A_37 = vector.extract_strided_slice %get3A_36 {offsets = [0, 0], sizes = [1000, 1], strides = [1, 1]} : vector<1000x3xf32> to vector<1000x1xf32>
    %mul3A_38 = arith.mulf %slice3A, %slice3A_37 : vector<1000x1xf32>
    %slice3A_39 = vector.extract_strided_slice %add3A {offsets = [0, 0], sizes = [1000, 1], strides = [1, 1]} : vector<1000x8xf32> to vector<1000x1xf32>
    %sub3A = arith.subf %mul3A_38, %slice3A_39 : vector<1000x1xf32>
    %slice3A_40 = vector.extract_strided_slice %get3A_7 {offsets = [0, 0], sizes = [1, 256], strides = [1, 1]} : vector<8x256xf32> to vector<1x256xf32>
    %mul3A_41 = vector.broadcast %sub3A : vector<1000x1xf32> to vector<1000x256xf32>
    %mul3A_42 = vector.broadcast %slice3A_40 : vector<1x256xf32> to vector<1000x256xf32>
    %mul3A_43 = arith.mulf %mul3A_41, %mul3A_42 : vector<1000x256xf32>
    %add3A_44 = arith.addf %add3A_33, %mul3A_43 : vector<1000x256xf32>
    %slice3A_45 = vector.extract_strided_slice %get3A_36 {offsets = [0, 1], sizes = [1000, 1], strides = [1, 1]} : vector<1000x3xf32> to vector<1000x1xf32>
    %mul3A_46 = arith.mulf %slice3A, %slice3A_45 : vector<1000x1xf32>
    %slice3A_47 = vector.extract_strided_slice %add3A {offsets = [0, 1], sizes = [1000, 1], strides = [1, 1]} : vector<1000x8xf32> to vector<1000x1xf32>
    %sub3A_48 = arith.subf %mul3A_46, %slice3A_47 : vector<1000x1xf32>
    %slice3A_49 = vector.extract_strided_slice %get3A_7 {offsets = [1, 0], sizes = [1, 256], strides = [1, 1]} : vector<8x256xf32> to vector<1x256xf32>
    %mul3A_50 = vector.broadcast %sub3A_48 : vector<1000x1xf32> to vector<1000x256xf32>
    %mul3A_51 = vector.broadcast %slice3A_49 : vector<1x256xf32> to vector<1000x256xf32>
    %mul3A_52 = arith.mulf %mul3A_50, %mul3A_51 : vector<1000x256xf32>
    %add3A_53 = arith.addf %add3A_44, %mul3A_52 : vector<1000x256xf32>
    %slice3A_54 = vector.extract_strided_slice %get3A_36 {offsets = [0, 2], sizes = [1000, 1], strides = [1, 1]} : vector<1000x3xf32> to vector<1000x1xf32>
    %mul3A_55 = arith.mulf %slice3A, %slice3A_54 : vector<1000x1xf32>
    %slice3A_56 = vector.extract_strided_slice %add3A {offsets = [0, 2], sizes = [1000, 1], strides = [1, 1]} : vector<1000x8xf32> to vector<1000x1xf32>
    %sub3A_57 = arith.subf %mul3A_55, %slice3A_56 : vector<1000x1xf32>
    %slice3A_58 = vector.extract_strided_slice %get3A_7 {offsets = [2, 0], sizes = [1, 256], strides = [1, 1]} : vector<8x256xf32> to vector<1x256xf32>
    %mul3A_59 = vector.broadcast %sub3A_57 : vector<1000x1xf32> to vector<1000x256xf32>
    %mul3A_60 = vector.broadcast %slice3A_58 : vector<1x256xf32> to vector<1000x256xf32>
    %mul3A_61 = arith.mulf %mul3A_59, %mul3A_60 : vector<1000x256xf32>
    %add3A_62 = arith.addf %add3A_53, %mul3A_61 : vector<1000x256xf32>
    %slice3A_63 = vector.extract_strided_slice %add3A {offsets = [0, 4], sizes = [1000, 1], strides = [1, 1]} : vector<1000x8xf32> to vector<1000x1xf32>
    %slice3A_64 = vector.extract_strided_slice %get3A_7 {offsets = [3, 0], sizes = [1, 256], strides = [1, 1]} : vector<8x256xf32> to vector<1x256xf32>
    %mul3A_65 = vector.broadcast %slice3A_63 : vector<1000x1xf32> to vector<1000x256xf32>
    %mul3A_66 = vector.broadcast %slice3A_64 : vector<1x256xf32> to vector<1000x256xf32>
    %mul3A_67 = arith.mulf %mul3A_65, %mul3A_66 : vector<1000x256xf32>
    %add3A_68 = arith.addf %add3A_62, %mul3A_67 : vector<1000x256xf32>
    %slice3A_69 = vector.extract_strided_slice %get3A_7 {offsets = [4, 0], sizes = [1, 256], strides = [1, 1]} : vector<8x256xf32> to vector<1x256xf32>
    %mul3A_70 = vector.broadcast %slice3A : vector<1000x1xf32> to vector<1000x256xf32>
    %mul3A_71 = vector.broadcast %slice3A_69 : vector<1x256xf32> to vector<1000x256xf32>
    %mul3A_72 = arith.mulf %mul3A_70, %mul3A_71 : vector<1000x256xf32>
    %add3A_73 = arith.addf %add3A_68, %mul3A_72 : vector<1000x256xf32>
    %swap3A = arith.constant 0 : index
    %swap3A_74 = arith.constant 0 : index
    %swap3A_75 = vector.load %arg11[%swap3A, %swap3A_74] : memref<1000x256xf32, #tpu.memory_space<vmem>>, vector<1000x256xf32>
    tpu.vector_store %arg11[%swap3A, %swap3A_74], %add3A_73 {strides = array<i32>} : memref<1000x256xf32, #tpu.memory_space<vmem>>, vector<1000x256xf32>,
    return
  }
  func.func @transform_0(%arg0: i32) -> (i32, i32) {
    %c0_i32 = arith.constant 0 : i32
    %c0_i32_0 = arith.constant 0 : i32
    return %arg0, %c0_i32 : i32, i32
  }
  func.func @transform_1(%arg0: i32) -> (i32, i32) {
    %c0_i32 = arith.constant 0 : i32
    %c0_i32_0 = arith.constant 0 : i32
    return %arg0, %c0_i32 : i32, i32
  }
  func.func @transform_2(%arg0: i32) -> (i32, i32) {
    %c0_i32 = arith.constant 0 : i32
    %c0_i32_0 = arith.constant 0 : i32
    return %arg0, %c0_i32 : i32, i32
  }
  func.func @transform_3(%arg0: i32) -> (i32, i32) {
    %c0_i32 = arith.constant 0 : i32
    %c0_i32_0 = arith.constant 0 : i32
    return %arg0, %c0_i32 : i32, i32
  }
  func.func @transform_4(%arg0: i32) -> (i32, i32) {
    %c0_i32 = arith.constant 0 : i32
    %c0_i32_0 = arith.constant 0 : i32
    return %arg0, %c0_i32 : i32, i32
  }
  func.func @transform_5(%arg0: i32) -> (i32, i32) {
    %c0_i32 = arith.constant 0 : i32
    %c0_i32_0 = arith.constant 0 : i32
    return %arg0, %c0_i32 : i32, i32
  }
  func.func @transform_6(%arg0: i32) -> (i32, i32) {
    %c0_i32 = arith.constant 0 : i32
    %c0_i32_0 = arith.constant 0 : i32
    %c0_i32_1 = arith.constant 0 : i32
    return %c0_i32, %c0_i32_0 : i32, i32
  }
  func.func @transform_7(%arg0: i32) -> (i32, i32) {
    %c0_i32 = arith.constant 0 : i32
    %c0_i32_0 = arith.constant 0 : i32
    %c0_i32_1 = arith.constant 0 : i32
    return %c0_i32, %c0_i32_0 : i32, i32
  }
  func.func @transform_8(%arg0: i32) -> (i32, i32) {
    %c0_i32 = arith.constant 0 : i32
    %c0_i32_0 = arith.constant 0 : i32
    %c0_i32_1 = arith.constant 0 : i32
    return %c0_i32, %c0_i32_0 : i32, i32
  }
  func.func @transform_9(%arg0: i32) -> (i32, i32) {
    %c0_i32 = arith.constant 0 : i32
    %c0_i32_0 = arith.constant 0 : i32
    %c0_i32_1 = arith.constant 0 : i32
    return %c0_i32, %c0_i32_0 : i32, i32
  }
  func.func @transform_10(%arg0: i32) -> (i32, i32) {
    %c0_i32 = arith.constant 0 : i32
    %c0_i32_0 = arith.constant 0 : i32
    return %arg0, %c0_i32 : i32, i32
  }
}

</mosaic_0001>

<sc_bundles>
// kernel: kernel.4.cloned.1.call-start
scs
__scs_entry_jumppad:
0x0: {  	(pc) =	sbr.rel $0x88, $3  }
0x1: {  	(tag) =	ssettag $0x0;
	lr =	simm.s32 $0x1  }
0x2: {  	[smem:$0x3F9A] =	sst lr;
	_ =	strace $0xD0000000  }
0x3: {  	_ = 	snop  }
0x4: {  	_ = 	snop  }
0x5: {  	_ = 	snop  }
0x6: {  	_ = 	snop  }
0x7: {  	_ = 	snop  }
__scs_overlays_trampoline_lowered:
0x8: {  	[smem:$0x3FA9] =	sst s0  }
0x9: {  	[smem:$0x3FAA] =	sst s1  }
0xa: {  	[smem:$0x3FAB] =	sst s2  }
0xb: {  	[smem:$0x3FAC] =	sst s3  }
0xc: {  	[smem:$0x3FAD] =	sst s4  }
0xd: {  	[smem:$0x3FAE] =	sst s5  }
0xe: {  	[smem:$0x3FAF] =	sst s6  }
0xf: {  	[smem:$0x3FB0] =	sst s7  }
0x10: {  	[smem:$0x3FB1] =	sst s8  }
0x11: {  	[smem:$0x3FB2] =	sst s9;
	s0 =	simm.s32 @!p0 $0x0  }
0x12: {  	s1 =	sld [smem:$0x3F98];
	s0 =	simm.s32 @p0 $0x1  }
0x13: {  	[smem:$0x3FB3] =	sst s0;
	s0 =	simm.s32 @!p1 $0x0  }
0x14: {  	s2 =	sld [smem:$0x3F97];
	s0 =	simm.s32 @p1 $0x1  }
0x15: {  	[smem:$0x3FB4] =	sst s0;
	s0 =	simm.s32 @!p2 $0x0  }
0x16: {  	s3 =	sld [smem:$0x3FDB];
	s0 =	simm.s32 @p2 $0x1  }
0x17: {  	s4 =	simm.s32 $0x1BF5;
	[smem:$0x3FB6] =	sst s0  }
0x18: {  	s0 =	sld [smem:$0x3F99];
	_ =	swait.ge [sflag:s4], $0x0  }
0x19: {  	s7 =	sld [smem:$0x3F9A]  }
0x1a: {  	s8 =	sadd.s32 $0xFFFFE003, lr  }
0x1b: {  	s9 =	sadd.s32 $0xFFFFFEF7, lr;
	s5 =	simm.s32 $0xFFFFFFFF;
	p2 =	slt.u32 s8, $0xFFFFF086  }
0x1c: {  	p1 =	slt.u32 s9, $0xF7A;
	s5 =	simm.s32 @!p2 $0x0  }
0x1d: {  	s5 =	simm.s32 @p1 $0x1;
	p0 =	seq.s32 s7, s2  }
0x1e: {  	s7 =	smul.u32 @!p0 $0xF7A, s2;
	p2 =	seq.s32 @!p0 s5, $0x0  }
0x1f: {  	s9 =	smul.u32 $0xF7A, s1;
	s8 =	simm.s32 @!p0 $0x1BF5;
	p2 =	por !p2, p0  }
0x20: {  	[sflag:s8] =	ssyncset.s32 @!p0 $0xFFFFF086;
	s6 =	sadd.s32 @!p0 s3, s7;
	s7 =	simm.s32 @!p0 $0x108  }
0x21: {  	s3 =	sadd.s32 s3, s9;
	s6 =	sadd.s32 @!p0 $0x88, s6;
	s7 =	simm.s32 @p2 $0x1082  }
0x22: {  	[simem:s7], [sflag:s8] =	dma.local @!p0 [hbm:s6], $0xF7A  }
0x23: {  	s9 =	sor.u32 $0xD0000000, s2;
	s6 =	simm.s32 $0x108;
	_ =	swait.ge @!p0 [sflag:s8], $0x0  }
0x24: {  	s3 =	sadd.s32 $0x88, s3;
	s6 =	simm.s32 @!p1 $0x1082;
	[sflag:s4] =	ssyncset.s32 $0xFFFFF086  }
0x25: {  	[simem:s6], [sflag:s4] =	dma.local [hbm:s3], $0xF7A  }
0x26: {  	[smem:$0x3F9A] =	sst s1;
	(tag) =	ssettag s2;
	_ =	strace s9  }
0x27: {  	s1 =	sld [smem:$0x3FAA]  }
0x28: {  	s2 =	sld [smem:$0x3FAB]  }
0x29: {  	s4 =	sld [smem:$0x3FAD]  }
0x2a: {  	p0 =	seq.s32 s5, $0x0;
	s5 =	sld [smem:$0x3FAE]  }
0x2b: {  	s6 =	sld [smem:$0x3FAF]  }
0x2c: {  	s7 =	sld [smem:$0x3FB0]  }
0x2d: {  	s3 =	simm.s32 $0x108;
	s8 =	sld [smem:$0x3FB1]  }
0x2e: {  	s3 =	simm.s32 @!p0 $0x1082;
	s9 =	sld [smem:$0x3FB2]  }
0x2f: {  	lr =	sadd.s32 s0, s3;
	s0 =	sld [smem:$0x3FA9]  }
0x30: {  	s3 =	sld [smem:$0x3FAC]  }
0x31: {  	[smem:$0x3FB5] =	sst s10  }
0x32: {  	s10 =	sld [smem:$0x3FB3];
	_ =	sdelay $0x3  }
0x33: {  	p0 =	seq.s32 s10, $0x1;
	s10 =	sld [smem:$0x3FB5];
	_ =	sdelay $0x3  }
0x34: {  	[smem:$0x3FB5] =	sst s10  }
0x35: {  	s10 =	sld [smem:$0x3FB4];
	_ =	sdelay $0x3  }
0x36: {  	p1 =	seq.s32 s10, $0x1;
	s10 =	sld [smem:$0x3FB5];
	_ =	sdelay $0x3  }
0x37: {  	[smem:$0x3FB5] =	sst s10  }
0x38: {  	s10 =	sld [smem:$0x3FB6]  }
0x39: {  	_ = 	snop;
	(pc) =	sbr.ind lr, $3  }
0x3a: {  	_ = 	snop  }
0x3b: {  	_ = 	snop  }
0x3c: {  	p2 =	seq.s32 s10, $0x1;
	s10 =	sld [smem:$0x3FB5]  }
0x3d: {  	_ =	shalt  }
0x3e: {  	_ =	shalt  }
0x3f: {  	_ =	shalt  }
0x40: {  	_ =	shalt  }
0x41: {  	_ =	shalt  }
0x42: {  	_ =	shalt  }
0x43: {  	_ =	shalt  }
0x44: {  	_ =	shalt  }
0x45: {  	_ =	shalt  }
0x46: {  	_ =	shalt  }
0x47: {  	_ =	shalt  }
0x48: {  	_ =	shalt  }
0x49: {  	_ =	shalt  }
0x4a: {  	_ =	shalt  }
0x4b: {  	_ =	shalt  }
0x4c: {  	_ =	shalt  }
0x4d: {  	_ =	shalt  }
0x4e: {  	_ =	shalt  }
0x4f: {  	_ =	shalt  }
0x50: {  	_ =	shalt  }
0x51: {  	_ =	shalt  }
0x52: {  	_ =	shalt  }
0x53: {  	_ =	shalt  }
0x54: {  	_ =	shalt  }
0x55: {  	_ =	shalt  }
0x56: {  	_ =	shalt  }
0x57: {  	_ =	shalt  }
0x58: {  	_ =	shalt  }
0x59: {  	_ =	shalt  }
0x5a: {  	_ =	shalt  }
0x5b: {  	_ =	shalt  }
0x5c: {  	_ =	shalt  }
0x5d: {  	_ =	shalt  }
0x5e: {  	_ =	shalt  }
0x5f: {  	_ =	shalt  }
0x60: {  	_ =	shalt  }
0x61: {  	_ =	shalt  }
0x62: {  	_ =	shalt  }
0x63: {  	_ =	shalt  }
0x64: {  	_ =	shalt  }
0x65: {  	_ =	shalt  }
0x66: {  	_ =	shalt  }
0x67: {  	_ =	shalt  }
0x68: {  	_ =	shalt  }
0x69: {  	_ =	shalt  }
0x6a: {  	_ =	shalt  }
0x6b: {  	_ =	shalt  }
0x6c: {  	_ =	shalt  }
0x6d: {  	_ =	shalt  }
0x6e: {  	_ =	shalt  }
0x6f: {  	_ =	shalt  }
0x70: {  	_ =	shalt  }
0x71: {  	_ =	shalt  }
0x72: {  	_ =	shalt  }
0x73: {  	_ =	shalt  }
0x74: {  	_ =	shalt  }
0x75: {  	_ =	shalt  }
0x76: {  	_ =	shalt  }
0x77: {  	_ =	shalt  }
0x78: {  	_ =	shalt  }
0x79: {  	_ =	shalt  }
0x7a: {  	_ =	shalt  }
0x7b: {  	_ =	shalt  }
0x7c: {  	_ =	shalt  }
0x7d: {  	_ =	shalt  }
0x7e: {  	_ =	shalt  }
0x7f: {  	_ =	shalt  }
0x80: {  	_ =	shalt  }
0x81: {  	_ =	shalt  }
0x82: {  	_ =	shalt  }
0x83: {  	_ =	shalt  }
0x84: {  	_ =	shalt  }
0x85: {  	_ =	shalt  }
0x86: {  	_ =	shalt  }
0x87: {  	_ =	shalt  }
.Lfunc_end0:
.L_simem_size_0:
called_computation_lowered:
.L_overlay_start_0:
0x88: {  	s2 =	sld [smem:$0x3FD9]  }
0x89: {  	s3 =	sld [smem:$0x3FFE];
	_ =	sdelay $0x1  }
0x8a: {  	s1 =	srdreg.scid  }
0x8b: {  	s0 =	sand.u32 $0x1, s1  }
0x8c: {  	s17 =	sshll.u32 s0, $0xA;
	s2 =	sadd.s32 s3, s2  }
0x8d: {  	s2 =	sadd.s32 s2, s17  }
0x8e: {  	[smem:$0x3FC1] =	sst s2  }
0x8f: {  	_ = 	snop  }
0x90: {  	s2 =	sld [smem:$0x3FD0];
	(tm) =	ssettm $0x1  }
0x91: {  	s18 =	sld [smem:$0x3FFB];
	_ =	sdelay $0x3  }
0x92: {  	_ =	strace s18  }
0x93: {  	s3 =	sld [smem:$0x3FFC];
	_ =	sdelay $0x3  }
0x94: {  	_ =	strace s3  }
0x95: {  	s3 =	sld [smem:$0x3FFD];
	_ =	sdelay $0x3  }
0x96: {  	_ =	strace s3  }
0x97: {  	_ =	strace $0x8FFFFFFF  }
0x98: {  	s19 =	sld [smem:$0x3FDB];
	_ =	sdelay $0x1  }
0x99: {  	s4 =	simm.s32 $_scs_section_size  }
0x9a: {  	s5 =	simm.s32 $_size__tile_overlayer_lowered;
	s6 =	simm.s32 $_tile_overlayer_lowered  }
0x9b: {  	s22 =	simm.s32 $0x1BFF;
	s21 =	sshll.u32 s6, $0x1;
	s3 =	sadd.s32 s4, s19  }
0x9c: {  	s7 =	simm.s32 $0x0;
	s20 =	sshll.u32 s5, $0x1;
	s5 =	sadd.s32 s21, s3  }
0x9d: {  	[timem:s7], [sflag:s22] =	dma.local [hbm:s5], s20  }
0x9e: {  	_ =	swait.ge [sflag:s22], s20  }
0x9f: {  	s4 =	ssub.s32 $0x0, s20;
	[sflag:s22] =	ssyncset.done $0x0  }
0xa0: {  	[sflag:s22] =	ssyncadd.s32 s4;
	_ =	sdelay $0x1  }
0xa1: {  	s23 =	simm.s32 $0x1B8B  }
0xa2: {  	_ =	swait.ge [sflag:s23], $0x1  }
0xa3: {  	[sflag:s23] =	ssyncset.done $0x0  }
0xa4: {  	s25 =	simm.s32 $0x1B8E;
	s24 =	sld [smem:$0x3FFE];
	[sflag:s23] =	ssyncadd.s32 $0xFFFFFFFF  }
0xa5: {  	s26 =	simm.s32 $execute0_lowered;
	[smem:$0x3FD2] =	sst s25  }
0xa6: {  	s5 =	sshll.u32 s26, $0x1;
	_ =	strace $0x80000046;
	[dreg:$0x1] =	wrdreg $0xFFFFFFFF  }
0xa7: {  	s28 =	simm.s32 $_size_execute0_lowered;
	s3 =	sadd.s32 s3, s5;
	[dreg:$0x0] =	wrdreg $0x0  }
0xa8: {  	s5 =	sshll.u32 s28, $0x1;
	[dreg:$0x2] =	wrdreg s3  }
0xa9: {  	[dreg:$0x3] =	wrdreg s5  }
0xaa: {  	[dreg:$0x4] =	wrdreg $0xC0  }
0xab: {  	_ =	task [dreg:s7], $0x5FFFF  }
0xac: {  	[dreg:$0x1] =	wrdreg $0xFFFFFFFF  }
0xad: {  	[dreg:$0x0] =	wrdreg $0x60  }
0xae: {  	[dreg:$0x2] =	wrdreg s24  }
0xaf: {  	[dreg:$0x3] =	wrdreg s2  }
0xb0: {  	[dreg:$0x4] =	wrdreg $0x93000  }
0xb1: {  	[dreg:$0x5] =	wrdreg $0x1CF000  }
0xb2: {  	[dreg:$0x6] =	wrdreg $0x9  }
0xb3: {  	_ =	task.clear_ibuf [dreg:s7], $0x7FFFF;
	_ =	strace $0x90000046  }
0xb4: {  	s29 =	simm.s32 $0x9;
	_ =	strace $0x80000048  }
0xb5: {  	_ =	swait.ge [sflag:s29], $0x1  }
0xb6: {  	[sflag:s29] =	ssyncadd.s32 $0xFFFFFFFF  }
0xb7: {  	_ =	strace $0x90000048  }
0xb8: {  	_ =	sfence  }
0xb9: {  	s30 =	sld [smem:$0x0];
	_ =	sdelay $0x2  }
0xba: {  	s31 =	sshll.u32 s1, $0xD;
	s1 =	sshrl.u32 s1, $0x2  }
0xbb: {  	s3 =	sand.u32 $0x4000, s31;
	s1 =	sadd.s32 s1, s30  }
0xbc: {  	s0 =	sor.u32 s3, s0;
	s1 =	sshll.u32 s1, $0x11  }
0xbd: {  	s0 =	sor.u32 s1, s0  }
0xbe: {  	s0 =	sadd.s32 $0x8F2B, s0  }
0xbf: {  	[sflag:s0] =	ssyncadd.remote.s32 $0x1  }
0xc0: {  	_ =	sfence.sel $0xFFFF  }
0xc1: {  	[dreg:$0x0] =	wrdreg $0xFFFFFFFF;
	(pc) =	sbr.abs _section_cstart, $3  }
0xc2: {  	[dreg:$0x1] =	wrdreg $0xFFFFFFFF  }
0xc3: {  	_ =	task.clear_ibuf [dreg:s7], $0x2FFFF;
	_ =	strace $0x9FFFFFFF  }
0xc4: {  	(tm) =	ssettm $0x7FFFFFFF  }
0xc5: {  	_ =	shalt  }
tec
execute0_lowered:
.L_overlay_start_1:
0x0: {  	(tag) =	ssettag $0x1  }
0x1: {  	s4 =	rddreg [dreg:$0x0]  }
0x2: {  	s7 =	rddreg [dreg:$0x1]  }
0x3: {  	s1 =	rddreg [dreg:$0x2]  }
0x4: {  	s2 =	rddreg [dreg:$0x3]  }
0x5: {  	s3 =	simm.s32 $0x0;
	s0 =	srdreg.scid;
	s20 =	stileid.u32  }
0x6: {  	s28 =	simm.s32 $0x6;
	s29 =	simm.s32 $0x1;
	s30 =	simm.s32 $0x4500  }
0x7: {  	s31 =	simm.s32 $0x4900;
	[smem:$0x7FF] =	sst s3;
	s8 =	sand.u32 $0x1, s0  }
0x8: {  	s5 =	sadd.s32 $0x6A00, s4;
	s6 =	sadd.s32 $0x1A00, s4;
	s21 =	sadd.s32 $0x35400, s4  }
0x9: {  	s10 =	sadd.s32 $0x62000, s4;
	s11 =	sor.u32 $0x20, s20;
	s12 =	sor.u32 $0x30, s20  }
0xa: {  	s13 =	sshll.u32 s20, $0xB;
	s15 =	sor.u32 $0x40, s20;
	s22 =	sadd.s32 $0x5C800, s4  }
0xb: {  	p3 =	seq.s32 s20, $0xF;
	_ =	strace $0x80000047;
	s0 =	ssub.s32 $0x2, s8  }
0xc: {  	s14 =	sadd.s32 s7, s13;
	s24 =	sshll.u32 s11, $0xB;
	[dreg:$0x11] =	wrdreg s22  }
0xd: {  	s17 =	sshll.u32 s12, $0xB;
	s26 =	sshll.u32 s15, $0xB;
	[dreg:$0x5] =	wrdreg s21  }
0xe: {  	s13 =	sadd.s32 s10, s13;
	p0 =	seq.s32 s8, $0x1;
	[dreg:$0x6] =	wrdreg s14  }
0xf: {  	p1 =	seq.s32 s8, $0x0;
	s18 =	sadd.s32 s7, s24;
	[dreg:$0xb] =	wrdreg s13  }
0x10: {  	p2 =	sne.s32 s8, $0x0;
	s25 =	sadd.s32 s7, s17;
	[dreg:$0x8] =	wrdreg s18  }
0x11: {  	s9 =	sshrl.u32 s0, $0x1;
	s17 =	sadd.s32 s10, s17;
	[dreg:$0x9] =	wrdreg s25  }
0x12: {  	s19 =	sadd.s32 s10, s26;
	s13 =	sshll.u32 s12, $0xE;
	[dreg:$0xe] =	wrdreg s17  }
0x13: {  	s0 =	ssub.s32 s0, s9;
	s9 =	sor.u32 $0x10, s20;
	[dreg:$0xf] =	wrdreg s19  }
0x14: {  	s19 =	sadd.s32 $0xBA00, s4;
	s23 =	sshll.u32 s9, $0xB;
	s0 =	smax.u32 s0, $0x1  }
0x15: {  	s25 =	sshll.u32 s20, $0xE;
	s16 =	sadd.s32 s7, s23;
	[smem:$0x7FD] =	sst s0  }
0x16: {  	s18 =	sshll.u32 s9, $0xE;
	s7 =	sadd.s32 s7, s26;
	[dreg:$0x7] =	wrdreg s16  }
0x17: {  	s14 =	sadd.s32 s10, s23;
	s23 =	sadd.s32 $0x5C600, s4;
	[dreg:$0xa] =	wrdreg s7  }
0x18: {  	s26 =	sshll.u32 s20, $0xA;
	s8 =	sadd.s32 s18, s1;
	[dreg:$0xc] =	wrdreg s14  }
0x19: {  	s0 =	simm.s32 $0x3;
	s16 =	sadd.s32 s10, s24;
	[dreg:$0x12] =	wrdreg s23  }
0x1a: {  	s7 =	sadd.s32 $0x5D000, s4;
	s24 =	ssub.s32 $0x4F1, s20;
	[dreg:$0x15] =	wrdreg s8  }
0x1b: {  	s14 =	sadd.s32 s25, s1;
	s17 =	sadd.s32 s26, s2;
	[dreg:$0xd] =	wrdreg s16  }
0x1c: {  	s23 =	sshll.u32 s9, $0xA;
	s10 =	sshll.u32 s11, $0xA;
	[dreg:$0x13] =	wrdreg s14  }
0x1d: {  	s16 =	sadd.s32 $0xE200, s4;
	[dreg:$0x14] =	wrdreg s17;
	s25 =	sadd.s32 s23, s2  }
0x1e: {  	s4 =	sadd.s32 $0x5F800, s4;
	s8 =	sadd.s32 s10, s2;
	[dreg:$0x16] =	wrdreg s25  }
0x1f: {  	s22 =	sshrl.u32 s24, $0x4;
	s17 =	sadd.s32 s13, s1;
	[dreg:$0x18] =	wrdreg s8  }
0x20: {  	s24 =	sshll.u32 s11, $0xE;
	s14 =	sshll.u32 s12, $0xA;
	[dreg:$0x19] =	wrdreg s17  }
0x21: {  	s23 =	sshll.u32 s15, $0xE;
	s26 =	sadd.s32 s24, s1;
	[dreg:$0x10] =	wrdreg s16  }
0x22: {  	s18 =	sadd.s32 s14, s2;
	s24 =	sshll.u32 s15, $0xA;
	[dreg:$0x17] =	wrdreg s26  }
0x23: {  	s25 =	sshll.u32 s20, $0x4;
	s8 =	sadd.s32 s23, s1;
	[dreg:$0x1a] =	wrdreg s18  }
0x24: {  	s14 =	sshll.u32 s9, $0x4;
	[dreg:$0x1b] =	wrdreg s8;
	s26 =	sadd.s32 s24, s2  }
0x25: {  	s17 =	sadd.s32 $0x1, s22;
	s10 =	sadd.s32 s5, s25;
	[dreg:$0x1c] =	wrdreg s26  }
0x26: {  	s23 =	sshll.u32 s9, $0x7;
	s13 =	sadd.s32 s6, s25;
	[dreg:$0x1d] =	wrdreg s10  }
0x27: {  	s9 =	simm.s32 $0x7;
	s18 =	sadd.s32 s5, s14;
	[dreg:$0x1e] =	wrdreg s13  }
0x28: {  	s8 =	sadd.s32 s6, s14;
	s24 =	sshll.u32 s11, $0x7;
	[dreg:$0x1f] =	wrdreg s18  }
0x29: {  	s11 =	sshll.u32 s15, $0x7;
	s15 =	sadd.s32 s7, s23;
	[smem:$0x7F2] =	sst s8  }
0x2a: {  	s14 =	sshll.u32 s20, $0x7;
	s23 =	sadd.s32 s4, s23;
	[smem:$0x7F4] =	sst s15  }
0x2b: {  	s25 =	sshll.u32 s12, $0x7;
	s26 =	sadd.s32 s7, s14;
	[smem:$0x7F8] =	sst s23  }
0x2c: {  	s13 =	sshrl.u32 s17, $0x1;
	s17 =	sadd.s32 s7, s24;
	[smem:$0x7F3] =	sst s26  }
0x2d: {  	s18 =	sadd.s32 s7, s25;
	s7 =	sadd.s32 s7, s11;
	[smem:$0x7F5] =	sst s17  }
0x2e: {  	s24 =	sadd.s32 s4, s24;
	s25 =	sadd.s32 s4, s25;
	[smem:$0x7F6] =	sst s18  }
0x2f: {  	s15 =	sadd.s32 $0xFFFFFFFF, s22;
	s10 =	simm.s32 $0x80;
	[smem:$0x7F7] =	sst s7  }
0x30: {  	s23 =	simm.s32 $0x5;
	s8 =	simm.s32 $0x4;
	[smem:$0x7F9] =	sst s24  }
.Ltmp0:
0x31: {  	[smem:$0x7FA] =	sst s25;
	s26 =	sadd.s32 s4, s11;
	(pc) =	sbr.rel .LBB2_1-.Ltmp0, $4  }
0x32: {  	s4 =	sadd.s32 s4, s14;
	s7 =	smov.u32 s21;
	s21 =	simm.s32 $0x4100  }
0x33: {  	s11 =	simm.s32 $0x2;
	s24 =	simm.s32 $0x4A80;
	[smem:$0x7FB] =	sst s26  }
0x34: {  	v0 =	vlaneseq.u32;
	s25 =	simm.s32 $0x8A80;
	[smem:$0x7FC] =	sst s4;
	s7 =	smov.u32 @p0 s16  }
0x35: {  	v0 =	vmul.u32 $0x8, v0;
	s4 =	simm.s32 $0x100;
	s26 =	simm.s32 $0x8E80;
	s16 =	simm.s32 $0x0  }
.LBB2_30:
0x36: {  	_ =	swait.ge [sflag:s9], $0x800  }
0x37: {  	[sflag:s9] =	ssyncset.done $0x0  }
0x38: {  	[sflag:s9] =	ssyncadd.s32 $0xFFFFF800  }
0x39: {  	_ =	swait.ge [sflag:s9], $0x80  }
0x3a: {  	[sflag:s9] =	ssyncset.done $0x0  }
0x3b: {  	[sflag:s9] =	ssyncadd.s32 $0xFFFFFF80  }
.LBB2_31:
0x3c: {  	s12 =	sld [smem:$0x7FD];
	_ =	sdelay $0x1  }
0x3d: {  	s16 =	sadd.s32 $0x1, s16  }
0x3e: {  	p4 =	sne.s32 s16, s12  }
.Ltmp1:
0x3f: {  	_ = 	snop;
	(pc) =	sbr.rel @!p4 .LBB2_32-.Ltmp1, $1  }
0x40: {  	_ =	sdelay $0x3  }
.LBB2_1:
0x41: {  	[smem:$0x7F1] =	sst s16  }
0x42: {  	s12 =	rddreg [dreg:$0x11];
	s20 =	simm.s32 $0x8  }
0x43: {  	[tilespmem:s4], [sflag:$0x8] =	stream.linear.gather [hbm4b:s12+s3], $0x4000, $0x38;
	[tilespmem:$0x1E2C0] =	vst v63  }
0x44: {  	_ =	swait.ge [sflag:s20], $0x4000  }
0x45: {  	[sflag:s20] =	ssyncset.done $0x0  }
0x46: {  	s17 =	rddreg [dreg:$0x12];
	[sflag:s20] =	ssyncadd.s32 $0xFFFFC000  }
0x47: {  	[tilespmem:s21], [sflag:$0x8] =	stream.linear.gather [hbm4b:s17+s3], $0x400, $0x38;
	[tilespmem:$0x1E2C0] =	vst v63  }
0x48: {  	_ =	swait.ge [sflag:s20], $0x400  }
0x49: {  	[sflag:s20] =	ssyncset.done $0x0  }
0x4a: {  	s18 =	rddreg [dreg:$0x13];
	[sflag:s20] =	ssyncadd.s32 $0xFFFFFC00  }
0x4b: {  	[spmem:s18] =	stream.linear.scatter [tilespmem:s4], [sflag:$0x7], $0x4000, $0x38;
	[tilespmem:$0x1E2C0] =	vst v63  }
0x4c: {  	s20 =	rddreg [dreg:$0x14]  }
0x4d: {  	[spmem:s20] =	stream.linear.scatter [tilespmem:s21], [sflag:$0x7], $0x400, $0x38;
	[tilespmem:$0x1E2C0] =	vst v63  }
0x4e: {  	s16 =	rddreg [dreg:$0x15]  }
0x4f: {  	[spmem:s16] =	stream.linear.scatter [tilespmem:s4], [sflag:$0x7], $0x4000, $0x38;
	[tilespmem:$0x1E2C0] =	vst v63  }
0x50: {  	s17 =	rddreg [dreg:$0x16]  }
0x51: {  	[spmem:s17] =	stream.linear.scatter [tilespmem:s21], [sflag:$0x7], $0x400, $0x38;
	[tilespmem:$0x1E2C0] =	vst v63  }
0x52: {  	s18 =	rddreg [dreg:$0x17]  }
0x53: {  	[spmem:s18] =	stream.linear.scatter [tilespmem:s4], [sflag:$0x7], $0x4000, $0x38;
	[tilespmem:$0x1E2C0] =	vst v63  }
0x54: {  	s20 =	rddreg [dreg:$0x18]  }
0x55: {  	[spmem:s20] =	stream.linear.scatter [tilespmem:s21], [sflag:$0x7], $0x400, $0x38;
	[tilespmem:$0x1E2C0] =	vst v63  }
0x56: {  	s16 =	rddreg [dreg:$0x19]  }
0x57: {  	[spmem:s16] =	stream.linear.scatter [tilespmem:s4], [sflag:$0x7], $0x4000, $0x38;
	[tilespmem:$0x1E2C0] =	vst v63  }
0x58: {  	s17 =	rddreg [dreg:$0x1a]  }
0x59: {  	[spmem:s17] =	stream.linear.scatter [tilespmem:s21], [sflag:$0x7], $0x400, $0x38;
	[tilespmem:$0x1E2C0] =	vst v63  }
0x5a: {  	s12 =	rddreg [dreg:$0x1b];
	s16 =	simm.s32 @!p3 $0x100  }
0x5b: {  	[spmem:s12] =	stream.linear.scatter @!p3 [tilespmem:s16], [sflag:$0x7], $0x4000, $0x38;
	[tilespmem:$0x1E2C0] =	vst v63  }
0x5c: {  	s16 =	simm.s32 @!p3 $0x4100;
	s12 =	rddreg [dreg:$0x1c]  }
0x5d: {  	[spmem:s12] =	stream.linear.scatter @!p3 [tilespmem:s16], [sflag:$0x7], $0x400, $0x38;
	[tilespmem:$0x1E2C0] =	vst v63  }
0x5e: {  	_ =	swait.ge [sflag:s9], $0x4000  }
0x5f: {  	[sflag:s9] =	ssyncset.done $0x0  }
0x60: {  	[sflag:s9] =	ssyncadd.s32 $0xFFFFC000  }
0x61: {  	_ =	swait.ge [sflag:s9], $0x400  }
0x62: {  	[sflag:s9] =	ssyncset.done $0x0  }
0x63: {  	[sflag:s9] =	ssyncadd.s32 $0xFFFFFC00  }
0x64: {  	_ =	swait.ge [sflag:s9], $0x4000  }
0x65: {  	[sflag:s9] =	ssyncset.done $0x0  }
0x66: {  	[sflag:s9] =	ssyncadd.s32 $0xFFFFC000  }
0x67: {  	_ =	swait.ge [sflag:s9], $0x400  }
0x68: {  	[sflag:s9] =	ssyncset.done $0x0  }
0x69: {  	[sflag:s9] =	ssyncadd.s32 $0xFFFFFC00  }
0x6a: {  	_ =	swait.ge [sflag:s9], $0x4000  }
0x6b: {  	[sflag:s9] =	ssyncset.done $0x0  }
0x6c: {  	[sflag:s9] =	ssyncadd.s32 $0xFFFFC000  }
0x6d: {  	_ =	swait.ge [sflag:s9], $0x400  }
0x6e: {  	[sflag:s9] =	ssyncset.done $0x0  }
0x6f: {  	[sflag:s9] =	ssyncadd.s32 $0xFFFFFC00  }
0x70: {  	_ =	swait.ge [sflag:s9], $0x4000  }
0x71: {  	[sflag:s9] =	ssyncset.done $0x0  }
0x72: {  	[sflag:s9] =	ssyncadd.s32 $0xFFFFC000  }
0x73: {  	_ =	swait.ge [sflag:s9], $0x400  }
0x74: {  	[sflag:s9] =	ssyncset.done $0x0  }
0x75: {  	s16 =	simm.s32 @!p3 $0x7;
	[sflag:s9] =	ssyncadd.s32 $0xFFFFFC00  }
0x76: {  	_ =	swait.ge @!p3 [sflag:s16], $0x4000  }
0x77: {  	[sflag:s16] =	ssyncset.done @!p3 $0x0  }
0x78: {  	[sflag:s16] =	ssyncadd.s32 @!p3 $0xFFFFC000  }
0x79: {  	_ =	swait.ge @!p3 [sflag:s16], $0x400  }
0x7a: {  	[sflag:s16] =	ssyncset.done @!p3 $0x0  }
0x7b: {  	[sflag:s16] =	ssyncadd.s32 @!p3 $0xFFFFFC00  }
0x7c: {  	[bflag:$0x0] =	sbarrier.arrive $0xFFFF  }
0x7d: {  	s18 =	rddreg [dreg:$0x1d]  }
0x7e: {  	[tilespmem:s3], [sflag:$0x2] =	stream.linear.gather [hbm4b:s18+s3], $0x80, $0x38;
	[tilespmem:$0x1E2C0] =	vst v63  }
0x7f: {  	s20 =	rddreg [dreg:$0x1e]  }
0x80: {  	[tilespmem:s10], [sflag:$0x2] =	stream.linear.gather [hbm4b:s20+s3], $0x80, $0x38;
	[tilespmem:$0x1E2C0] =	vst v63  }
0x81: {  	_ =	swait.ge [sflag:s11], $0x80  }
0x82: {  	[sflag:s11] =	ssyncset.done $0x0  }
0x83: {  	[sflag:s11] =	ssyncadd.s32 $0xFFFFFF80  }
0x84: {  	_ =	swait.ge [sflag:s11], $0x80  }
0x85: {  	s17 =	simm.s32 @p1 $0x0;
	s16 =	simm.s32 @p1 $0x80;
	[sflag:s11] =	ssyncset.done $0x0  }
0x86: {  	s18 =	simm.s32 @p1 $0x100;
	s12 =	rddreg [dreg:$0x5];
	[sflag:s11] =	ssyncadd.s32 $0xFFFFFF80  }
0x87: {  	[tilespmem:s18], [sflag:$0x1] =	stream.indirect.gather @p1 [hbm4b:s12+s16], $0x80, s17, s16, $0xb8;
	[tilespmem:$0x1E2C0] =	vst v63  }
0x88: {  	s18 =	simm.s32 @p1 $0x4100  }
0x89: {  	[tilespmem:s18], [sflag:$0x1] =	stream.indirect.gather @p1 [hbm4b:s19+s16], $0x8, s17, s16, $0xb8;
	[tilespmem:$0x1E2C0] =	vst v63  }
0x8a: {  	s12 =	rddreg [dreg:$0x10];
	s17 =	simm.s32 @p1 $0x4500  }
0x8b: {  	[tilespmem:s17], [sflag:$0x1] =	stream.indirect.gather @p1 [hbm4b:s19+s16], $0x8, s16, s16, $0xb8;
	[tilespmem:$0x1E2C0] =	vst v63  }
0x8c: {  	s18 =	simm.s32 @!p1 $0x100;
	s16 =	simm.s32 @!p1 $0x80;
	s17 =	simm.s32 @!p1 $0x0  }
0x8d: {  	[tilespmem:s18], [sflag:$0x1] =	stream.indirect.gather @!p1 [hbm4b:s12+s16], $0x80, s17, s16, $0xb8;
	[tilespmem:$0x1E2C0] =	vst v63  }
.Ltmp2:
0x8e: {  	s16 =	rddreg [dreg:$0x1f];
	(pc) =	sbr.rel .LBB2_2-.Ltmp2, $4  }
0x8f: {  	s17 =	simm.s32 $0x4980;
	s18 =	sld [smem:$0x7F2]  }
0x90: {  	[tilespmem:s17], [sflag:$0x5] =	stream.linear.gather [hbm4b:s16+s3], $0x80, $0x38;
	[tilespmem:$0x1E2C0] =	vst v63  }
0x91: {  	s20 =	simm.s32 $0x4A00;
	s16 =	simm.s32 $0x0  }
0x92: {  	[tilespmem:s20], [sflag:$0x5] =	stream.linear.gather [hbm4b:s18+s3], $0x80, $0x38;
	[tilespmem:$0x1E2C0] =	vst v63  }
.LBB2_21:
0x93: {  	_ =	swait.ge [sflag:s0], $0x400  }
0x94: {  	[sflag:s0] =	ssyncset.done $0x0  }
0x95: {  	[sflag:s0] =	ssyncadd.s32 $0xFFFFFC00  }
0x96: {  	_ =	swait.ge [sflag:s11], $0x80  }
0x97: {  	[sflag:s11] =	ssyncset.done $0x0  }
0x98: {  	[sflag:s11] =	ssyncadd.s32 $0xFFFFFF80  }
0x99: {  	_ =	swait.ge [sflag:s11], $0x80  }
0x9a: {  	[sflag:s11] =	ssyncset.done $0x0  }
0x9b: {  	s12 =	rddreg [dreg:$0x5];
	[sflag:s11] =	ssyncadd.s32 $0xFFFFFF80  }
0x9c: {  	[tilespmem:s4], [sflag:$0x1] =	stream.indirect.gather [hbm4b:s12+s10], $0x80, s3, s10, $0xb8;
	[tilespmem:$0x1E2C0] =	vst v63  }
0x9d: {  	_ = 	snop  }
0x9e: {  	[tilespmem:s21], [sflag:$0x1] =	stream.indirect.gather [hbm4b:s19+s10], $0x8, s3, s10, $0xb8;
	[tilespmem:$0x1E2C0] =	vst v63  }
0x9f: {  	_ = 	snop  }
0xa0: {  	[tilespmem:s30], [sflag:$0x1] =	stream.indirect.gather [hbm4b:s19+s10], $0x8, s10, s10, $0xb8;
	[tilespmem:$0x1E2C0] =	vst v63  }
.LBB2_24:
0xa1: {  	_ =	swait.ge [sflag:s8], $0x4000  }
0xa2: {  	[sflag:s8] =	ssyncset.done $0x0  }
0xa3: {  	[sflag:s8] =	ssyncadd.s32 $0xFFFFC000  }
.LBB2_25:
0xa4: {  	v1 =	vld [tilespmem:$0x4A00]  }
0xa5: {  	v2 =	vld [tilespmem:$0x4A10]  }
0xa6: {  	v3 =	vld [tilespmem:$0x4A20]  }
0xa7: {  	v4 =	vld [tilespmem:$0x4A30]  }
0xa8: {  	v5 =	vld [tilespmem:$0x4A40]  }
0xa9: {  	[tilespmem:$0x9280] =	vst v1;
	v1 =	vld [tilespmem:$0x4A50]  }
0xaa: {  	[tilespmem:$0x9290] =	vst v2;
	v2 =	vld [tilespmem:$0x4A60]  }
0xab: {  	[tilespmem:$0x92A0] =	vst v3;
	v3 =	vld [tilespmem:$0x4A70]  }
0xac: {  	[tilespmem:$0x92B0] =	vst v4  }
0xad: {  	[tilespmem:$0x92C0] =	vst v5  }
0xae: {  	[tilespmem:$0x92D0] =	vst v1  }
0xaf: {  	[tilespmem:$0x92E0] =	vst v2  }
0xb0: {  	s12 =	simm.s32 $0x9280;
	[tilespmem:$0x92F0] =	vst v3  }
0xb1: {  	[spmem:s1] =	stream.indirect.scatter.add.f32 [tilespmem:s24], [sflag:$0x6], $0x80, s12, s10, $0xb8;
	[tilespmem:$0x1E2C0] =	vst v63  }
0xb2: {  	s17 =	simm.s32 @!p1 $0x9280;
	s20 =	simm.s32 @!p1 $0x8A80;
	s12 =	simm.s32 @!p1 $0x80  }
0xb3: {  	[spmem:s2] =	stream.indirect.scatter.add.f32 @!p1 [tilespmem:s20], [sflag:$0x6], $0x8, s17, s12, $0xb8;
	[tilespmem:$0x1E2C0] =	vst v63  }
0xb4: {  	s12 =	sadd.s32 $0x3, s18  }
0xb5: {  	p4 =	sge.u32 s12, s22  }
0xb6: {  	s12 =	sshll.u32 @!p4 s12, $0xB  }
0xb7: {  	s12 =	sor.u32 @!p4 s14, s12  }
0xb8: {  	s12 =	sshrl.u32 @!p4 s12, $0x3  }
0xb9: {  	s18 =	simm.s32 @!p4 $0x0;
	s20 =	simm.s32 @!p4 $0x4980;
	s17 =	sadd.s32 @!p4 s5, s12  }
0xba: {  	[tilespmem:s20], [sflag:$0x5] =	stream.linear.gather @!p4 [hbm4b:s17+s18], $0x80, $0x38;
	[tilespmem:$0x1E2C0] =	vst v63  }
0xbb: {  	s12 =	sadd.s32 @!p4 s6, s12;
	s17 =	simm.s32 @!p4 $0x4A00  }
0xbc: {  	[tilespmem:s17], [sflag:$0x5] =	stream.linear.gather @!p4 [hbm4b:s12+s18], $0x80, $0x38;
	[tilespmem:$0x1E2C0] =	vst v63  }
.LBB2_26:
0xbd: {  	s16 =	sadd.s32 $0x1, s16  }
0xbe: {  	p4 =	sne.s32 s16, s13  }
.Ltmp3:
0xbf: {  	_ = 	snop;
	(pc) =	sbr.rel @!p4 .LBB2_27-.Ltmp3, $1  }
0xc0: {  	_ =	sdelay $0x3  }
.LBB2_2:
0xc1: {  	s18 =	sshll.u32 s16, $0x1  }
0xc2: {  	p4 =	sge.u32 s18, s15  }
.Ltmp4:
0xc3: {  	_ = 	snop;
	(pc) =	sbr.rel @p4 .LBB2_8-.Ltmp4, $1  }
0xc4: {  	_ =	sdelay $0x3  }
0xc5: {  	p4 =	seq.s32 s16, $0x0  }
.Ltmp5:
0xc6: {  	_ = 	snop;
	(pc) =	sbr.rel @p4 .LBB2_6-.Ltmp5, $1  }
0xc7: {  	_ =	sdelay $0x3  }
.Ltmp6:
0xc8: {  	(pc) =	sbr.rel @!p1 .LBB2_5-.Ltmp6, $4  }
0xc9: {  	_ = 	snop  }
0xca: {  	_ =	swait.ge [sflag:s28], $0x4000  }
0xcb: {  	[sflag:s28] =	ssyncset.done $0x0  }
0xcc: {  	[sflag:s28] =	ssyncadd.s32 $0xFFFFC000  }
0xcd: {  	_ =	swait.ge [sflag:s23], $0x80  }
0xce: {  	[sflag:s23] =	ssyncset.done $0x0  }
.Ltmp7:
0xcf: {  	[sflag:s23] =	ssyncadd.s32 $0xFFFFFF80;
	(pc) =	sbr.rel .LBB2_11-.Ltmp7, $4  }
0xd0: {  	_ =	swait.ge [sflag:s23], $0x80  }
0xd1: {  	[sflag:s23] =	ssyncset.done $0x0  }
0xd2: {  	s12 =	simm.s32 $0x4980;
	[sflag:s23] =	ssyncadd.s32 $0xFFFFFF80  }
0xd3: {  	[tilespmem:s24], [sflag:$0x4] =	stream.indirect.gather [hbm4b:s7+s10], $0x80, s12, s10, $0xb8;
	[tilespmem:$0x1E2C0] =	vst v63  }
.LBB2_8:
.Ltmp8:
0xd4: {  	(pc) =	sbr.rel @p1 .LBB2_11-.Ltmp8, $4  }
.Ltmp9:
0xd5: {  	(pc) =	sbr.rel @!p1 .LBB2_9-.Ltmp9, $4  }
0xd6: {  	_ = 	snop  }
0xd7: {  	_ = 	snop  }
0xd8: {  	_ = 	snop  }
0xd9: {  	_ = 	snop  }
.LBB2_5:
0xda: {  	_ =	swait.ge [sflag:s28], $0x400  }
0xdb: {  	[sflag:s28] =	ssyncset.done $0x0  }
0xdc: {  	[sflag:s28] =	ssyncadd.s32 $0xFFFFFC00  }
.LBB2_6:
0xdd: {  	_ =	swait.ge [sflag:s23], $0x80  }
0xde: {  	[sflag:s23] =	ssyncset.done $0x0  }
.Ltmp10:
0xdf: {  	[sflag:s23] =	ssyncadd.s32 $0xFFFFFF80;
	(pc) =	sbr.rel @!p1 .LBB2_7-.Ltmp10, $4  }
0xe0: {  	_ =	swait.ge [sflag:s23], $0x80  }
0xe1: {  	[sflag:s23] =	ssyncset.done $0x0  }
0xe2: {  	s12 =	simm.s32 $0x4980;
	[sflag:s23] =	ssyncadd.s32 $0xFFFFFF80  }
0xe3: {  	[tilespmem:s24], [sflag:$0x4] =	stream.indirect.gather [hbm4b:s7+s10], $0x80, s12, s10, $0xb8;
	[tilespmem:$0x1E2C0] =	vst v63  }
.LBB2_11:
0xe4: {  	_ =	swait.ge [sflag:s29], $0x4000;
	s17 =	simm.s32 $0x0  }
0xe5: {  	[sflag:s29] =	ssyncset.done $0x0;
	v1 =	vmov s17  }
0xe6: {  	[sflag:s29] =	ssyncadd.s32 $0xFFFFC000;
	v1 =	vshll.u32 v1, $0x3  }
0xe7: {  	_ =	swait.ge [sflag:s29], $0x400;
	v3 =	vor.u32 v0, v1  }
0xe8: {  	[sflag:s29] =	ssyncset.done $0x0;
	v1 =	vor.u32 $0x1, v3  }
0xe9: {  	[sflag:s29] =	ssyncadd.s32 $0xFFFFFC00  }
0xea: {  	_ =	swait.ge [sflag:s29], $0x400  }
0xeb: {  	[sflag:s29] =	ssyncset.done $0x0  }
0xec: {  	v2 =	vor.u32 $0x2, v3;
	[sflag:s29] =	ssyncadd.s32 $0xFFFFFC00  }
0xed: {  	v4 =	vld.idx.msk [tilespmem:v1+s21+$0x0], $0xffff  }
0xee: {  	v1 =	vld.idx.msk [tilespmem:v1+s30+$0x0], $0xffff  }
0xef: {  	v5 =	vld.idx.msk [tilespmem:v3+s21+$0x0], $0xffff  }
0xf0: {  	v6 =	vld.idx.msk [tilespmem:v3+s30+$0x0], $0xffff  }
0xf1: {  	v7 =	vld.idx.msk [tilespmem:v2+s21+$0x0], $0xffff  }
0xf2: {  	v2 =	vld.idx.msk [tilespmem:v2+s30+$0x0], $0xffff;
	_ =	sdelay $0x2  }
0xf3: {  	v5 =	vsub.f32 v6, v5;
	v1 =	vsub.f32 v1, v4;
	_ =	sdelay $0x1  }
0xf4: {  	v2 =	vsub.f32 v2, v7;
	v4 =	vmul.f32 v5, v5;
	v1 =	vmul.f32 v1, v1;
	_ =	sdelay $0x1  }
0xf5: {  	v2 =	vmul.f32 v2, v2;
	v1 =	vadd.f32 v1, v4;
	_ =	sdelay $0x1  }
0xf6: {  	v2 =	vadd.f32 v2, v1;
	_ =	sdelay $0x1  }
0xf7: {  	v1 =	vmax.f32 v2, $1.000000000e-30  }
0xf8: {  	v4 =	vshra.s32 v1, $0x1;
	v1 =	vmul.f32 $5.000000000e-01, v1  }
0xf9: {  	v4 =	vsub.s32 $0x5F3759DF, v4  }
0xfa: {  	v5 =	vmul.f32 v4, v1;
	_ =	sdelay $0x1  }
0xfb: {  	v5 =	vmul.f32 v4, v5;
	_ =	sdelay $0x1  }
0xfc: {  	v5 =	vsub.f32 $1.500000000e+00, v5;
	_ =	sdelay $0x1  }
0xfd: {  	v4 =	vmul.f32 v4, v5;
	_ =	sdelay $0x1  }
0xfe: {  	v5 =	vmul.f32 v4, v1;
	_ =	sdelay $0x1  }
0xff: {  	v5 =	vmul.f32 v5, v4;
	_ =	sdelay $0x1  }
0x100: {  	v5 =	vsub.f32 $1.500000000e+00, v5;
	_ =	sdelay $0x1  }
0x101: {  	v5 =	vmul.f32 v5, v4;
	_ =	sdelay $0x1  }
0x102: {  	v1 =	vmul.f32 v5, v1;
	_ =	sdelay $0x1  }
0x103: {  	s20 =	simm.s32 $0x10;
	v1 =	vmul.f32 v1, v5  }
0x104: {  	v4 =	vmov s20  }
0x105: {  	v4 =	vshll.u32 v4, $0x3;
	v6 =	vsub.f32 $1.500000000e+00, v1  }
0x106: {  	v1 =	vor.u32 v0, v4;
	v4 =	vor.u32 $0x4, v3  }
0x107: {  	s17 =	simm.s32 $0x20;
	v3 =	vor.u32 $0x1, v1;
	v5 =	vmul.f32 v6, v5  }
.LBB2_12:
0x108: {  	p4 =	sne.s32 s17, $0x70  }
0x109: {  	v2 =	vmul.f32 v5, v2;
	_ =	sdelay $0x1  }
0x10a: {  	v5 =	vor.u32 $0x2, v1;
	[tilespmem:v4+s21+$0x0] =	vst.idx.msk $0xffff, v2  }
0x10b: {  	v2 =	vld.idx.msk [tilespmem:v3+s21+$0x0], $0xffff  }
0x10c: {  	v3 =	vld.idx.msk [tilespmem:v3+s30+$0x0], $0xffff  }
0x10d: {  	v4 =	vld.idx.msk [tilespmem:v1+s21+$0x0], $0xffff  }
0x10e: {  	v6 =	vld.idx.msk [tilespmem:v1+s30+$0x0], $0xffff  }
0x10f: {  	v7 =	vld.idx.msk [tilespmem:v5+s21+$0x0], $0xffff  }
0x110: {  	v5 =	vld.idx.msk [tilespmem:v5+s30+$0x0], $0xffff;
	_ =	sdelay $0x3  }
0x111: {  	v2 =	vsub.f32 v3, v2;
	v4 =	vsub.f32 v6, v4;
	_ =	sdelay $0x1  }
0x112: {  	v2 =	vmul.f32 v2, v2;
	v3 =	vsub.f32 v5, v7;
	v4 =	vmul.f32 v4, v4;
	_ =	sdelay $0x1  }
0x113: {  	v2 =	vadd.f32 v2, v4;
	v3 =	vmul.f32 v3, v3;
	_ =	sdelay $0x1  }
0x114: {  	v2 =	vadd.f32 v3, v2;
	_ =	sdelay $0x1  }
0x115: {  	v3 =	vmax.f32 v2, $1.000000000e-30  }
0x116: {  	v4 =	vshra.s32 v3, $0x1;
	v3 =	vmul.f32 $5.000000000e-01, v3  }
0x117: {  	v4 =	vsub.s32 $0x5F3759DF, v4  }
0x118: {  	v5 =	vmul.f32 v4, v3;
	_ =	sdelay $0x1  }
0x119: {  	v5 =	vmul.f32 v4, v5;
	_ =	sdelay $0x1  }
0x11a: {  	v5 =	vsub.f32 $1.500000000e+00, v5;
	_ =	sdelay $0x1  }
0x11b: {  	v4 =	vmul.f32 v4, v5;
	_ =	sdelay $0x1  }
0x11c: {  	v5 =	vmul.f32 v4, v3;
	_ =	sdelay $0x1  }
0x11d: {  	v5 =	vmul.f32 v5, v4;
	_ =	sdelay $0x1  }
0x11e: {  	v5 =	vsub.f32 $1.500000000e+00, v5;
	_ =	sdelay $0x1  }
0x11f: {  	v5 =	vmul.f32 v5, v4;
	_ =	sdelay $0x1  }
0x120: {  	v3 =	vmul.f32 v5, v3;
	_ =	sdelay $0x1  }
.Ltmp11:
0x121: {  	v3 =	vmul.f32 v3, v5;
	(pc) =	sbr.rel @p4 .LBB2_12-.Ltmp11, $4  }
0x122: {  	v4 =	vmov s17  }
0x123: {  	v6 =	vshll.u32 v4, $0x3;
	v7 =	vsub.f32 $1.500000000e+00, v3  }
0x124: {  	v4 =	vor.u32 $0x4, v1;
	v1 =	vor.u32 v0, v6  }
0x125: {  	s17 =	sadd.s32 $0x10, s17;
	v3 =	vor.u32 $0x1, v1;
	v5 =	vmul.f32 v7, v5  }
0x126: {  	_ =	sdelay $0x1  }
0x127: {  	v2 =	vmul.f32 v5, v2;
	_ =	sdelay $0x1  }
0x128: {  	v61 =	vor.u32 $0x2, v1;
	[tilespmem:v4+s21+$0x0] =	vst.idx.msk $0xffff, v2  }
0x129: {  	v2 =	vld.idx.msk [tilespmem:v3+s21+$0x0], $0xffff  }
0x12a: {  	v3 =	vld.idx.msk [tilespmem:v3+s30+$0x0], $0xffff  }
0x12b: {  	v4 =	vld.idx.msk [tilespmem:v1+s21+$0x0], $0xffff  }
0x12c: {  	v6 =	vld.idx.msk [tilespmem:v1+s30+$0x0], $0xffff  }
0x12d: {  	v7 =	vld.idx.msk [tilespmem:v61+s21+$0x0], $0xffff  }
0x12e: {  	v5 =	vld.idx.msk [tilespmem:v61+s30+$0x0], $0xffff;
	_ =	sdelay $0x2  }
0x12f: {  	v4 =	vsub.f32 v6, v4;
	v2 =	vsub.f32 v3, v2;
	_ =	sdelay $0x1  }
0x130: {  	v3 =	vsub.f32 v5, v7;
	v4 =	vmul.f32 v4, v4;
	v2 =	vmul.f32 v2, v2;
	_ =	sdelay $0x1  }
0x131: {  	v3 =	vmul.f32 v3, v3;
	v2 =	vadd.f32 v2, v4;
	_ =	sdelay $0x1  }
0x132: {  	v2 =	vadd.f32 v3, v2;
	_ =	sdelay $0x1  }
0x133: {  	v3 =	vmax.f32 v2, $1.000000000e-30  }
0x134: {  	v62 =	vshra.s32 v3, $0x1;
	v3 =	vmul.f32 $5.000000000e-01, v3  }
0x135: {  	v4 =	vsub.s32 $0x5F3759DF, v62  }
0x136: {  	v63 =	vmul.f32 v4, v3;
	_ =	sdelay $0x1  }
0x137: {  	v5 =	vmul.f32 v4, v63;
	_ =	sdelay $0x1  }
0x138: {  	v5 =	vsub.f32 $1.500000000e+00, v5;
	_ =	sdelay $0x1  }
0x139: {  	v4 =	vmul.f32 v4, v5;
	_ =	sdelay $0x1  }
0x13a: {  	v5 =	vmul.f32 v4, v3;
	_ =	sdelay $0x1  }
0x13b: {  	v5 =	vmul.f32 v5, v4;
	_ =	sdelay $0x1  }
0x13c: {  	v5 =	vsub.f32 $1.500000000e+00, v5;
	_ =	sdelay $0x1  }
0x13d: {  	v4 =	vmul.f32 v5, v4;
	_ =	sdelay $0x1  }
0x13e: {  	v3 =	vmul.f32 v4, v3;
	_ =	sdelay $0x1  }
0x13f: {  	v3 =	vmul.f32 v3, v4;
	_ =	sdelay $0x1  }
0x140: {  	v3 =	vsub.f32 $1.500000000e+00, v3  }
0x141: {  	v1 =	vor.u32 $0x4, v1  }
.Ltmp12:
0x142: {  	v3 =	vmul.f32 v3, v4;
	(pc) =	sbr.rel .LBB2_14-.Ltmp12, $3  }
0x143: {  	_ = 	snop  }
0x144: {  	v2 =	vmul.f32 v3, v2;
	_ =	sdelay $0x1  }
0x145: {  	[tilespmem:v1+s21+$0x0] =	vst.idx.msk $0xffff, v2  }
.LBB2_7:
0x146: {  	s12 =	simm.s32 $0x4980  }
0x147: {  	[tilespmem:s25], [sflag:$0x4] =	stream.indirect.gather [hbm4b:s19+s10], $0x8, s12, s10, $0xb8;
	[tilespmem:$0x1E2C0] =	vst v63  }
0x148: {  	s20 =	simm.s32 $0x4A00  }
0x149: {  	[tilespmem:s26], [sflag:$0x4] =	stream.indirect.gather [hbm4b:s19+s10], $0x8, s20, s10, $0xb8;
	[tilespmem:$0x1E2C0] =	vst v63  }
.LBB2_9:
0x14a: {  	_ =	swait.ge [sflag:s29], $0x4000  }
0x14b: {  	[sflag:s29] =	ssyncset.done $0x0  }
0x14c: {  	[sflag:s29] =	ssyncadd.s32 $0xFFFFC000  }
.LBB2_14:
0x14d: {  	v1 =	vld [tilespmem:$0x80]  }
0x14e: {  	v2 =	vld [tilespmem:$0x90]  }
0x14f: {  	v3 =	vld [tilespmem:$0xA0]  }
0x150: {  	v4 =	vld [tilespmem:$0xB0]  }
0x151: {  	v5 =	vld [tilespmem:$0xC0]  }
0x152: {  	[tilespmem:$0x4900] =	vst v1;
	v1 =	vld [tilespmem:$0xD0]  }
0x153: {  	[tilespmem:$0x4910] =	vst v2;
	v2 =	vld [tilespmem:$0xE0]  }
0x154: {  	[tilespmem:$0x4920] =	vst v3;
	v3 =	vld [tilespmem:$0xF0]  }
0x155: {  	[tilespmem:$0x4930] =	vst v4  }
0x156: {  	[tilespmem:$0x4940] =	vst v5  }
0x157: {  	[tilespmem:$0x4950] =	vst v1  }
0x158: {  	[tilespmem:$0x4960] =	vst v2  }
0x159: {  	[tilespmem:$0x4970] =	vst v3  }
0x15a: {  	[spmem:s1] =	stream.indirect.scatter.add.f32 [tilespmem:s4], [sflag:$0x3], $0x80, s31, s10, $0xb8;
	[tilespmem:$0x1E2C0] =	vst v63  }
0x15b: {  	s17 =	simm.s32 @!p2 $0x80;
	s20 =	simm.s32 @!p2 $0x4900;
	s12 =	simm.s32 @!p2 $0x4100  }
0x15c: {  	[spmem:s2] =	stream.indirect.scatter.add.f32 @!p2 [tilespmem:s12], [sflag:$0x3], $0x8, s20, s17, $0xb8;
	[tilespmem:$0x1E2C0] =	vst v63  }
0x15d: {  	s17 =	sadd.s32 $0x2, s18  }
0x15e: {  	p5 =	sge.u32 s17, s22  }
.Ltmp13:
0x15f: {  	_ = 	snop;
	(pc) =	sbr.rel @p5 .LBB2_22-.Ltmp13, $2  }
0x160: {  	_ =	sdelay $0x2  }
0x161: {  	p4 =	slt.u32 s18, s15  }
0x162: {  	s12 =	sshll.u32 s17, $0xB  }
0x163: {  	s12 =	sor.u32 s14, s12  }
.Ltmp14:
0x164: {  	s12 =	sshrl.u32 s12, $0x3;
	(pc) =	sbr.rel @!p4 .LBB2_26-.Ltmp14, $4  }
0x165: {  	s20 =	sadd.s32 s5, s12  }
0x166: {  	[tilespmem:s3], [sflag:$0x2] =	stream.linear.gather [hbm4b:s20+s3], $0x80, $0x38;
	[tilespmem:$0x1E2C0] =	vst v63  }
0x167: {  	s12 =	sadd.s32 s6, s12  }
0x168: {  	[tilespmem:s10], [sflag:$0x2] =	stream.linear.gather [hbm4b:s12+s3], $0x80, $0x38;
	[tilespmem:$0x1E2C0] =	vst v63  }
.Ltmp15:
0x169: {  	(pc) =	sbr.rel @p1 .LBB2_21-.Ltmp15, $4  }
0x16a: {  	_ = 	snop  }
0x16b: {  	_ =	swait.ge [sflag:s0], $0x4000  }
0x16c: {  	[sflag:s0] =	ssyncset.done $0x0  }
0x16d: {  	[sflag:s0] =	ssyncadd.s32 $0xFFFFC000  }
0x16e: {  	_ =	swait.ge [sflag:s11], $0x80  }
0x16f: {  	[sflag:s11] =	ssyncset.done $0x0  }
.Ltmp16:
0x170: {  	[sflag:s11] =	ssyncadd.s32 $0xFFFFFF80;
	(pc) =	sbr.rel .LBB2_18-.Ltmp16, $4  }
0x171: {  	_ =	swait.ge [sflag:s11], $0x80  }
0x172: {  	[sflag:s11] =	ssyncset.done $0x0  }
0x173: {  	s12 =	rddreg [dreg:$0x10];
	[sflag:s11] =	ssyncadd.s32 $0xFFFFFF80  }
0x174: {  	[tilespmem:s4], [sflag:$0x1] =	stream.indirect.gather [hbm4b:s12+s10], $0x80, s3, s10, $0xb8;
	[tilespmem:$0x1E2C0] =	vst v63  }
.LBB2_22:
.Ltmp17:
0x175: {  	(pc) =	sbr.rel @!p4 .LBB2_26-.Ltmp17, $1  }
0x176: {  	_ =	sdelay $0x3  }
.Ltmp18:
0x177: {  	(pc) =	sbr.rel @!p2 .LBB2_24-.Ltmp18, $1  }
0x178: {  	_ =	sdelay $0x3  }
.LBB2_18:
0x179: {  	_ =	swait.ge [sflag:s8], $0x4000;
	s12 =	simm.s32 $0x0  }
0x17a: {  	[sflag:s8] =	ssyncset.done $0x0;
	v1 =	vmov s12  }
0x17b: {  	[sflag:s8] =	ssyncadd.s32 $0xFFFFC000;
	v1 =	vshll.u32 v1, $0x3  }
0x17c: {  	_ =	swait.ge [sflag:s8], $0x400;
	v3 =	vor.u32 v0, v1  }
0x17d: {  	[sflag:s8] =	ssyncset.done $0x0;
	v1 =	vor.u32 $0x1, v3  }
0x17e: {  	[sflag:s8] =	ssyncadd.s32 $0xFFFFFC00  }
0x17f: {  	_ =	swait.ge [sflag:s8], $0x400  }
0x180: {  	[sflag:s8] =	ssyncset.done $0x0  }
0x181: {  	v2 =	vor.u32 $0x2, v3;
	[sflag:s8] =	ssyncadd.s32 $0xFFFFFC00  }
0x182: {  	v4 =	vld.idx.msk [tilespmem:v1+s25+$0x0], $0xffff  }
0x183: {  	v1 =	vld.idx.msk [tilespmem:v1+s26+$0x0], $0xffff  }
0x184: {  	v5 =	vld.idx.msk [tilespmem:v3+s25+$0x0], $0xffff  }
0x185: {  	v6 =	vld.idx.msk [tilespmem:v3+s26+$0x0], $0xffff  }
0x186: {  	v7 =	vld.idx.msk [tilespmem:v2+s25+$0x0], $0xffff  }
0x187: {  	v2 =	vld.idx.msk [tilespmem:v2+s26+$0x0], $0xffff;
	_ =	sdelay $0x2  }
0x188: {  	v5 =	vsub.f32 v6, v5;
	v1 =	vsub.f32 v1, v4;
	_ =	sdelay $0x1  }
0x189: {  	v2 =	vsub.f32 v2, v7;
	v4 =	vmul.f32 v5, v5;
	v1 =	vmul.f32 v1, v1;
	_ =	sdelay $0x1  }
0x18a: {  	v2 =	vmul.f32 v2, v2;
	v1 =	vadd.f32 v1, v4;
	_ =	sdelay $0x1  }
0x18b: {  	v2 =	vadd.f32 v2, v1;
	_ =	sdelay $0x1  }
0x18c: {  	v1 =	vmax.f32 v2, $1.000000000e-30  }
0x18d: {  	v4 =	vshra.s32 v1, $0x1;
	v1 =	vmul.f32 $5.000000000e-01, v1  }
0x18e: {  	v4 =	vsub.s32 $0x5F3759DF, v4  }
0x18f: {  	v5 =	vmul.f32 v4, v1;
	_ =	sdelay $0x1  }
0x190: {  	v5 =	vmul.f32 v4, v5;
	_ =	sdelay $0x1  }
0x191: {  	v5 =	vsub.f32 $1.500000000e+00, v5;
	_ =	sdelay $0x1  }
0x192: {  	v4 =	vmul.f32 v4, v5;
	_ =	sdelay $0x1  }
0x193: {  	v5 =	vmul.f32 v4, v1;
	_ =	sdelay $0x1  }
0x194: {  	v5 =	vmul.f32 v5, v4;
	_ =	sdelay $0x1  }
0x195: {  	v5 =	vsub.f32 $1.500000000e+00, v5;
	_ =	sdelay $0x1  }
0x196: {  	v5 =	vmul.f32 v5, v4;
	_ =	sdelay $0x1  }
0x197: {  	v1 =	vmul.f32 v5, v1;
	_ =	sdelay $0x1  }
0x198: {  	s20 =	simm.s32 $0x10;
	v1 =	vmul.f32 v1, v5  }
0x199: {  	v4 =	vmov s20  }
0x19a: {  	v4 =	vshll.u32 v4, $0x3;
	v6 =	vsub.f32 $1.500000000e+00, v1  }
0x19b: {  	v1 =	vor.u32 v0, v4;
	v4 =	vor.u32 $0x4, v3  }
0x19c: {  	s17 =	simm.s32 $0x20;
	v3 =	vor.u32 $0x1, v1;
	v5 =	vmul.f32 v6, v5  }
.LBB2_19:
0x19d: {  	p4 =	sne.s32 s17, $0x70  }
0x19e: {  	v2 =	vmul.f32 v5, v2;
	_ =	sdelay $0x1  }
0x19f: {  	v5 =	vor.u32 $0x2, v1;
	[tilespmem:v4+s25+$0x0] =	vst.idx.msk $0xffff, v2  }
0x1a0: {  	v2 =	vld.idx.msk [tilespmem:v3+s25+$0x0], $0xffff  }
0x1a1: {  	v3 =	vld.idx.msk [tilespmem:v3+s26+$0x0], $0xffff  }
0x1a2: {  	v4 =	vld.idx.msk [tilespmem:v1+s25+$0x0], $0xffff  }
0x1a3: {  	v6 =	vld.idx.msk [tilespmem:v1+s26+$0x0], $0xffff  }
0x1a4: {  	v7 =	vld.idx.msk [tilespmem:v5+s25+$0x0], $0xffff  }
0x1a5: {  	v5 =	vld.idx.msk [tilespmem:v5+s26+$0x0], $0xffff;
	_ =	sdelay $0x3  }
0x1a6: {  	v2 =	vsub.f32 v3, v2;
	v4 =	vsub.f32 v6, v4;
	_ =	sdelay $0x1  }
0x1a7: {  	v2 =	vmul.f32 v2, v2;
	v3 =	vsub.f32 v5, v7;
	v4 =	vmul.f32 v4, v4;
	_ =	sdelay $0x1  }
0x1a8: {  	v2 =	vadd.f32 v2, v4;
	v3 =	vmul.f32 v3, v3;
	_ =	sdelay $0x1  }
0x1a9: {  	v2 =	vadd.f32 v3, v2;
	_ =	sdelay $0x1  }
0x1aa: {  	v3 =	vmax.f32 v2, $1.000000000e-30  }
0x1ab: {  	v4 =	vshra.s32 v3, $0x1;
	v3 =	vmul.f32 $5.000000000e-01, v3  }
0x1ac: {  	v4 =	vsub.s32 $0x5F3759DF, v4  }
0x1ad: {  	v5 =	vmul.f32 v4, v3;
	_ =	sdelay $0x1  }
0x1ae: {  	v5 =	vmul.f32 v4, v5;
	_ =	sdelay $0x1  }
0x1af: {  	v5 =	vsub.f32 $1.500000000e+00, v5;
	_ =	sdelay $0x1  }
0x1b0: {  	v4 =	vmul.f32 v4, v5;
	_ =	sdelay $0x1  }
0x1b1: {  	v5 =	vmul.f32 v4, v3;
	_ =	sdelay $0x1  }
0x1b2: {  	v5 =	vmul.f32 v5, v4;
	_ =	sdelay $0x1  }
0x1b3: {  	v5 =	vsub.f32 $1.500000000e+00, v5;
	_ =	sdelay $0x1  }
0x1b4: {  	v5 =	vmul.f32 v5, v4;
	_ =	sdelay $0x1  }
0x1b5: {  	v3 =	vmul.f32 v5, v3;
	_ =	sdelay $0x1  }
.Ltmp19:
0x1b6: {  	v3 =	vmul.f32 v3, v5;
	(pc) =	sbr.rel @p4 .LBB2_19-.Ltmp19, $4  }
0x1b7: {  	v4 =	vmov s17  }
0x1b8: {  	v6 =	vshll.u32 v4, $0x3;
	v7 =	vsub.f32 $1.500000000e+00, v3  }
0x1b9: {  	v4 =	vor.u32 $0x4, v1;
	v1 =	vor.u32 v0, v6  }
0x1ba: {  	s17 =	sadd.s32 $0x10, s17;
	v3 =	vor.u32 $0x1, v1;
	v5 =	vmul.f32 v7, v5  }
0x1bb: {  	_ =	sdelay $0x1  }
0x1bc: {  	v2 =	vmul.f32 v5, v2;
	_ =	sdelay $0x1  }
0x1bd: {  	v61 =	vor.u32 $0x2, v1;
	[tilespmem:v4+s25+$0x0] =	vst.idx.msk $0xffff, v2  }
0x1be: {  	v2 =	vld.idx.msk [tilespmem:v3+s25+$0x0], $0xffff  }
0x1bf: {  	v3 =	vld.idx.msk [tilespmem:v3+s26+$0x0], $0xffff  }
0x1c0: {  	v4 =	vld.idx.msk [tilespmem:v1+s25+$0x0], $0xffff  }
0x1c1: {  	v6 =	vld.idx.msk [tilespmem:v1+s26+$0x0], $0xffff  }
0x1c2: {  	v7 =	vld.idx.msk [tilespmem:v61+s25+$0x0], $0xffff  }
0x1c3: {  	v5 =	vld.idx.msk [tilespmem:v61+s26+$0x0], $0xffff;
	_ =	sdelay $0x2  }
0x1c4: {  	v4 =	vsub.f32 v6, v4;
	v2 =	vsub.f32 v3, v2;
	_ =	sdelay $0x1  }
0x1c5: {  	v3 =	vsub.f32 v5, v7;
	v4 =	vmul.f32 v4, v4;
	v2 =	vmul.f32 v2, v2;
	_ =	sdelay $0x1  }
0x1c6: {  	v3 =	vmul.f32 v3, v3;
	v2 =	vadd.f32 v2, v4;
	_ =	sdelay $0x1  }
0x1c7: {  	v2 =	vadd.f32 v3, v2;
	_ =	sdelay $0x1  }
0x1c8: {  	v3 =	vmax.f32 v2, $1.000000000e-30  }
0x1c9: {  	v62 =	vshra.s32 v3, $0x1;
	v3 =	vmul.f32 $5.000000000e-01, v3  }
0x1ca: {  	v4 =	vsub.s32 $0x5F3759DF, v62  }
0x1cb: {  	v63 =	vmul.f32 v4, v3;
	_ =	sdelay $0x1  }
0x1cc: {  	v5 =	vmul.f32 v4, v63;
	_ =	sdelay $0x1  }
0x1cd: {  	v5 =	vsub.f32 $1.500000000e+00, v5;
	_ =	sdelay $0x1  }
0x1ce: {  	v4 =	vmul.f32 v4, v5;
	_ =	sdelay $0x1  }
0x1cf: {  	v5 =	vmul.f32 v4, v3;
	_ =	sdelay $0x1  }
0x1d0: {  	v5 =	vmul.f32 v5, v4;
	_ =	sdelay $0x1  }
0x1d1: {  	v5 =	vsub.f32 $1.500000000e+00, v5;
	_ =	sdelay $0x1  }
0x1d2: {  	v4 =	vmul.f32 v5, v4;
	_ =	sdelay $0x1  }
0x1d3: {  	v3 =	vmul.f32 v4, v3;
	_ =	sdelay $0x1  }
0x1d4: {  	v3 =	vmul.f32 v3, v4;
	_ =	sdelay $0x1  }
0x1d5: {  	v3 =	vsub.f32 $1.500000000e+00, v3  }
0x1d6: {  	v1 =	vor.u32 $0x4, v1  }
.Ltmp20:
0x1d7: {  	v3 =	vmul.f32 v3, v4;
	(pc) =	sbr.rel .LBB2_25-.Ltmp20, $3  }
0x1d8: {  	_ = 	snop  }
0x1d9: {  	v2 =	vmul.f32 v3, v2;
	_ =	sdelay $0x1  }
0x1da: {  	[tilespmem:v1+s25+$0x0] =	vst.idx.msk $0xffff, v2  }
.LBB2_27:
0x1db: {  	_ =	swait.ge [sflag:s0], $0x4000  }
0x1dc: {  	[sflag:s0] =	ssyncset.done $0x0  }
0x1dd: {  	s12 =	simm.s32 @p2 $0x6;
	[sflag:s0] =	ssyncadd.s32 $0xFFFFC000  }
0x1de: {  	_ =	swait.ge @p2 [sflag:s12], $0x4000  }
0x1df: {  	[sflag:s12] =	ssyncset.done @p2 $0x0  }
0x1e0: {  	[sflag:s12] =	ssyncadd.s32 @p2 $0xFFFFC000  }
0x1e1: {  	_ =	swait.ge @p2 [sflag:s12], $0x400  }
0x1e2: {  	[sflag:s12] =	ssyncset.done @p2 $0x0  }
0x1e3: {  	[sflag:s12] =	ssyncadd.s32 @p2 $0xFFFFFC00;
	s12 =	simm.s32 @!p2 $0x3  }
0x1e4: {  	_ =	swait.ge @!p2 [sflag:s12], $0x400  }
0x1e5: {  	[sflag:s12] =	ssyncset.done @!p2 $0x0  }
0x1e6: {  	[sflag:s12] =	ssyncadd.s32 @!p2 $0xFFFFFC00;
	s12 =	simm.s32 @!p2 $0x6  }
0x1e7: {  	_ =	swait.ge @!p2 [sflag:s12], $0x4000  }
0x1e8: {  	[sflag:s12] =	ssyncset.done @!p2 $0x0  }
0x1e9: {  	[sflag:s12] =	ssyncadd.s32 @!p2 $0xFFFFC000  }
.Ltmp21:
0x1ea: {  	[bflag:$0x0] =	sbarrier.arrive $0xFFFF;
	(pc) =	sbr.rel @!p0 .LBB2_28-.Ltmp21, $4  }
0x1eb: {  	s18 =	rddreg [dreg:$0x13]  }
0x1ec: {  	s17 =	stileid.u32;
	s12 =	rddreg [dreg:$0x1b]  }
0x1ed: {  	s20 =	sshll.u32 s17, $0x6;
	s17 =	sshrl.u32 @!p3 s12, $0x3;
	s12 =	rddreg [dreg:$0x1c]  }
0x1ee: {  	s18 =	sshrl.u32 s18, $0x3;
	s16 =	sshrl.u32 @!p3 s12, $0x3;
	s12 =	sor.u32 $0x1C07, s20  }
0x1ef: {  	s20 =	rddreg [dreg:$0xb]  }
0x1f0: {  	[hbm:s20], [sflag:s12] =	dma.local [spmem:s18], $0x800  }
0x1f1: {  	s20 =	sld [smem:$0x7FC]  }
0x1f2: {  	s18 =	rddreg [dreg:$0x14]  }
0x1f3: {  	s18 =	sshrl.u32 s18, $0x3  }
0x1f4: {  	[hbm:s20], [sflag:s12] =	dma.local [spmem:s18], $0x80  }
0x1f5: {  	s18 =	rddreg [dreg:$0x15]  }
0x1f6: {  	s20 =	rddreg [dreg:$0xc];
	s18 =	sshrl.u32 s18, $0x3  }
0x1f7: {  	[hbm:s20], [sflag:s12] =	dma.local [spmem:s18], $0x800  }
0x1f8: {  	s20 =	sld [smem:$0x7F8]  }
0x1f9: {  	s18 =	rddreg [dreg:$0x16]  }
0x1fa: {  	s18 =	sshrl.u32 s18, $0x3  }
0x1fb: {  	[hbm:s20], [sflag:s12] =	dma.local [spmem:s18], $0x80  }
0x1fc: {  	s18 =	rddreg [dreg:$0x17]  }
0x1fd: {  	s20 =	rddreg [dreg:$0xd];
	s18 =	sshrl.u32 s18, $0x3  }
0x1fe: {  	[hbm:s20], [sflag:s12] =	dma.local [spmem:s18], $0x800  }
0x1ff: {  	s20 =	sld [smem:$0x7F9]  }
0x200: {  	s18 =	rddreg [dreg:$0x18]  }
0x201: {  	s18 =	sshrl.u32 s18, $0x3  }
0x202: {  	[hbm:s20], [sflag:s12] =	dma.local [spmem:s18], $0x80  }
0x203: {  	s18 =	rddreg [dreg:$0x19]  }
0x204: {  	s20 =	rddreg [dreg:$0xe];
	s18 =	sshrl.u32 s18, $0x3  }
0x205: {  	[hbm:s20], [sflag:s12] =	dma.local [spmem:s18], $0x800  }
0x206: {  	s20 =	sld [smem:$0x7FA]  }
0x207: {  	s18 =	rddreg [dreg:$0x1a]  }
0x208: {  	s18 =	sshrl.u32 s18, $0x3  }
0x209: {  	[hbm:s20], [sflag:s12] =	dma.local [spmem:s18], $0x80  }
0x20a: {  	s18 =	rddreg [dreg:$0xf]  }
0x20b: {  	[hbm:s18], [sflag:s12] =	dma.local @!p3 [spmem:s17], $0x800  }
0x20c: {  	s17 =	sld [smem:$0x7FB];
	_ =	sdelay $0x2  }
0x20d: {  	[hbm:s17], [sflag:s12] =	dma.local @!p3 [spmem:s16], $0x80  }
0x20e: {  	_ =	swait.ge [sflag:s9], $0x800  }
0x20f: {  	[sflag:s9] =	ssyncset.done $0x0  }
0x210: {  	[sflag:s9] =	ssyncadd.s32 $0xFFFFF800  }
0x211: {  	_ =	swait.ge [sflag:s9], $0x80  }
0x212: {  	[sflag:s9] =	ssyncset.done $0x0  }
0x213: {  	[sflag:s9] =	ssyncadd.s32 $0xFFFFFF80  }
0x214: {  	_ =	swait.ge [sflag:s9], $0x800  }
0x215: {  	[sflag:s9] =	ssyncset.done $0x0  }
0x216: {  	[sflag:s9] =	ssyncadd.s32 $0xFFFFF800  }
0x217: {  	_ =	swait.ge [sflag:s9], $0x80  }
0x218: {  	[sflag:s9] =	ssyncset.done $0x0  }
0x219: {  	[sflag:s9] =	ssyncadd.s32 $0xFFFFFF80  }
0x21a: {  	_ =	swait.ge [sflag:s9], $0x800  }
0x21b: {  	[sflag:s9] =	ssyncset.done $0x0  }
0x21c: {  	[sflag:s9] =	ssyncadd.s32 $0xFFFFF800  }
0x21d: {  	_ =	swait.ge [sflag:s9], $0x80  }
0x21e: {  	[sflag:s9] =	ssyncset.done $0x0  }
0x21f: {  	[sflag:s9] =	ssyncadd.s32 $0xFFFFFF80  }
0x220: {  	_ =	swait.ge [sflag:s9], $0x800  }
.Ltmp22:
0x221: {  	[sflag:s9] =	ssyncset.done $0x0;
	(pc) =	sbr.rel @p3 .LBB2_31-.Ltmp22, $4  }
.Ltmp23:
0x222: {  	[sflag:s9] =	ssyncadd.s32 $0xFFFFF800;
	(pc) =	sbr.rel @!p3 .LBB2_30-.Ltmp23, $4  }
0x223: {  	_ =	swait.ge [sflag:s9], $0x80  }
0x224: {  	[sflag:s9] =	ssyncset.done $0x0  }
0x225: {  	s16 =	sld [smem:$0x7F1];
	[sflag:s9] =	ssyncadd.s32 $0xFFFFFF80  }
0x226: {  	_ = 	snop  }
.LBB2_28:
0x227: {  	s20 =	rddreg [dreg:$0x6]  }
0x228: {  	[hbm:s20], [sflag:s12] =	dma.local [spmem:s18], $0x800  }
0x229: {  	s20 =	sld [smem:$0x7F3]  }
0x22a: {  	s18 =	rddreg [dreg:$0x14]  }
0x22b: {  	s18 =	sshrl.u32 s18, $0x3  }
0x22c: {  	[hbm:s20], [sflag:s12] =	dma.local [spmem:s18], $0x80  }
0x22d: {  	s18 =	rddreg [dreg:$0x15]  }
0x22e: {  	s20 =	rddreg [dreg:$0x7];
	s18 =	sshrl.u32 s18, $0x3  }
0x22f: {  	[hbm:s20], [sflag:s12] =	dma.local [spmem:s18], $0x800  }
0x230: {  	s20 =	sld [smem:$0x7F4]  }
0x231: {  	s18 =	rddreg [dreg:$0x16]  }
0x232: {  	s18 =	sshrl.u32 s18, $0x3  }
0x233: {  	[hbm:s20], [sflag:s12] =	dma.local [spmem:s18], $0x80  }
0x234: {  	s18 =	rddreg [dreg:$0x17]  }
0x235: {  	s20 =	rddreg [dreg:$0x8];
	s18 =	sshrl.u32 s18, $0x3  }
0x236: {  	[hbm:s20], [sflag:s12] =	dma.local [spmem:s18], $0x800  }
0x237: {  	s20 =	sld [smem:$0x7F5]  }
0x238: {  	s18 =	rddreg [dreg:$0x18]  }
0x239: {  	s18 =	sshrl.u32 s18, $0x3  }
0x23a: {  	[hbm:s20], [sflag:s12] =	dma.local [spmem:s18], $0x80  }
0x23b: {  	s18 =	rddreg [dreg:$0x19]  }
0x23c: {  	s20 =	rddreg [dreg:$0x9];
	s18 =	sshrl.u32 s18, $0x3  }
0x23d: {  	[hbm:s20], [sflag:s12] =	dma.local [spmem:s18], $0x800  }
0x23e: {  	s20 =	sld [smem:$0x7F6]  }
0x23f: {  	s18 =	rddreg [dreg:$0x1a]  }
0x240: {  	s18 =	sshrl.u32 s18, $0x3  }
0x241: {  	[hbm:s20], [sflag:s12] =	dma.local [spmem:s18], $0x80  }
0x242: {  	s18 =	rddreg [dreg:$0xa]  }
0x243: {  	[hbm:s18], [sflag:s12] =	dma.local @!p3 [spmem:s17], $0x800  }
0x244: {  	s17 =	sld [smem:$0x7F7];
	_ =	sdelay $0x2  }
0x245: {  	[hbm:s17], [sflag:s12] =	dma.local @!p3 [spmem:s16], $0x80  }
0x246: {  	_ =	swait.ge [sflag:s9], $0x800  }
0x247: {  	[sflag:s9] =	ssyncset.done $0x0  }
0x248: {  	[sflag:s9] =	ssyncadd.s32 $0xFFFFF800  }
0x249: {  	_ =	swait.ge [sflag:s9], $0x80  }
0x24a: {  	[sflag:s9] =	ssyncset.done $0x0  }
0x24b: {  	[sflag:s9] =	ssyncadd.s32 $0xFFFFFF80  }
0x24c: {  	_ =	swait.ge [sflag:s9], $0x800  }
0x24d: {  	[sflag:s9] =	ssyncset.done $0x0  }
0x24e: {  	[sflag:s9] =	ssyncadd.s32 $0xFFFFF800  }
0x24f: {  	_ =	swait.ge [sflag:s9], $0x80  }
0x250: {  	[sflag:s9] =	ssyncset.done $0x0  }
0x251: {  	[sflag:s9] =	ssyncadd.s32 $0xFFFFFF80  }
0x252: {  	_ =	swait.ge [sflag:s9], $0x800  }
0x253: {  	[sflag:s9] =	ssyncset.done $0x0  }
0x254: {  	[sflag:s9] =	ssyncadd.s32 $0xFFFFF800  }
0x255: {  	_ =	swait.ge [sflag:s9], $0x80  }
0x256: {  	[sflag:s9] =	ssyncset.done $0x0  }
0x257: {  	[sflag:s9] =	ssyncadd.s32 $0xFFFFFF80  }
0x258: {  	_ =	swait.ge [sflag:s9], $0x800  }
.Ltmp24:
0x259: {  	[sflag:s9] =	ssyncset.done $0x0;
	(pc) =	sbr.rel @p3 .LBB2_31-.Ltmp24, $4  }
.Ltmp25:
0x25a: {  	[sflag:s9] =	ssyncadd.s32 $0xFFFFF800;
	(pc) =	sbr.rel @!p3 .LBB2_30-.Ltmp25, $4  }
0x25b: {  	_ =	swait.ge [sflag:s9], $0x80  }
0x25c: {  	[sflag:s9] =	ssyncset.done $0x0  }
0x25d: {  	s16 =	sld [smem:$0x7F1];
	[sflag:s9] =	ssyncadd.s32 $0xFFFFFF80  }
0x25e: {  	_ = 	snop  }
.LBB2_32:
0x25f: {  	_ =	sfence.sel $0x180000  }
0x260: {  	[bflag:$0x0] =	sbarrier.arrive $0xFFFF  }
0x261: {  	_ =	strace $0x90000047  }
0x262: {  	s0 =	stileid.u32;
	[bflag:$0x2] =	sbarrier.arrive $0xFFFF  }
0x263: {  	p0 =	sne.s32 s0, $0x0;
	s0 =	rddreg [dreg:$0x4]  }
0x264: {  	s0 =	sadd.s32 @!p0 $0x100000, s0  }
0x265: {  	[sflag:s0] =	ssyncadd.tile.s32 @!p0 $0x1;
	_ =	shalt  }
.Lfunc_end2:
_tile_overlayer_lowered:
.L_overlay_start_2:
0x266: {  	(tag) =	ssettag $0x2  }
0x267: {  	s0 =	rddreg [dreg:$0x0];
	s2 =	stileid.u32  }
0x268: {  	s1 =	rddreg [dreg:$0x1];
	p0 =	sne.s32 s2, $0x0  }
0x269: {  	s3 =	rddreg [dreg:$0x2];
	[bflag:$0x3] =	sbarrier.arrive $0xFFFF;
	s2 =	simm.s32 @!p0 $0x1C08  }
0x26a: {  	[timem:s3], [sflag:s2] =	dma.local @!p0 [hbm:s0], s1  }
0x26b: {  	s0 =	simm.s32 @!p0 $0x8  }
0x26c: {  	_ =	swait.ge @!p0 [sflag:s0], s1  }
0x26d: {  	s1 =	ssub.s32 @!p0 $0x0, s1;
	[sflag:s0] =	ssyncset.done @!p0 $0x0  }
0x26e: {  	[sflag:s0] =	ssyncadd.s32 @!p0 s1  }
0x26f: {  	[bflag:$0x3] =	sbarrier.arrive $0xFFFF  }
0x270: {  	_ =	shalt  }

</sc_bundles>
